<compile_context>
chip_gen: v7x
topology: tpu7x:2x2x1
jax: 0.10.2.dev20260603
libtpu: 0.0.44.dev20260713+nightly
codegen_flags: <defaults>
</compile_context>

<pallas_src>
import functools

import jax
import jax.numpy as jnp
import numpy as np
from jax.experimental import pallas as pl
from jax.experimental.pallas import tpu as pltpu
from jax.experimental.pallas import tpu_sc as plsc

BATCH = 1
SEQ = 2048
DIM = 768
HEADS = 12
DIM_HEAD = 64
SLIDING = 64
CBS = 16
SBS = 16
NUM_SEL = 4
NUM_MEM = 4
SCALE = DIM_HEAD ** -0.5
NBLK = SEQ // CBS
CTX = NUM_MEM + NBLK
NEG = -1e30
INNER = HEADS * DIM_HEAD
CDIM = CBS * DIM_HEAD

BQ = 256
BK = 256
NT = SEQ // BK
GQ = SEQ // BQ
NB_T = BK // SBS
SW = BQ + 2 * SLIDING


def _tables():
    inv = 1.0 / (10000.0 ** (np.arange(0, DIM_HEAD, 2, dtype=np.float64) / DIM_HEAD))
    f = np.arange(SEQ, dtype=np.float64)[:, None] * inv[None, :]
    f = np.repeat(f, 2, axis=-1)
    cos = np.cos(f.astype(np.float32)).astype(np.float32)
    sin = np.sin(f.astype(np.float32)).astype(np.float32)
    P = np.zeros((DIM_HEAD, DIM_HEAD), np.float32)
    for k in range(DIM_HEAD // 2):
        P[2 * k + 1, 2 * k] = -1.0
        P[2 * k, 2 * k + 1] = 1.0
    E16 = np.zeros((NB_T, BK), np.float32)
    for b in range(NB_T):
        E16[b, b * SBS:(b + 1) * SBS] = 1.0
    return jnp.asarray(cos), jnp.asarray(sin), jnp.asarray(P), jnp.asarray(E16)


def _gate_selectors():
    sels = []
    for j in range(3):
        G = np.zeros((3 * HEADS, DIM), np.float32)
        for h in range(HEADS):
            G[h * 3 + j, h * DIM_HEAD:(h + 1) * DIM_HEAD] = 1.0
        sels.append(jnp.asarray(G))
    return sels



def _qkv_kernel(x_ref, gn_ref, wq_ref, wk_ref, wv_ref, wcomb_ref,
                q_ref, k_ref, v_ref, gate_ref):
    x = x_ref[...]
    ms = jnp.mean(x * x, axis=-1, keepdims=True)
    xn = x * jax.lax.rsqrt(ms + jnp.finfo(jnp.float32).eps) * gn_ref[...]
    q_ref[...] = jnp.dot(xn, wq_ref[...], preferred_element_type=jnp.float32)
    k_ref[...] = jnp.dot(xn, wk_ref[...], preferred_element_type=jnp.float32)
    v_ref[...] = jnp.dot(xn, wv_ref[...], preferred_element_type=jnp.float32)
    gate_ref[...] = jnp.dot(xn, wcomb_ref[...], preferred_element_type=jnp.float32)



_SC_NC, _SC_NS = 2, 16
_SC_NW = _SC_NC * _SC_NS
_SC_ROWS = HEADS * NBLK
_SC_BPW = _SC_ROWS // _SC_NW


def _sc_bias_idx():
    r = np.arange(_SC_ROWS, dtype=np.int32)
    return jnp.asarray((r // NBLK).reshape(_SC_NW, _SC_BPW))


def _sc_bias_kernel(kt_hbm, vt_hbm, idx_hbm, ko_hbm, vo_hbm, idx_v, krows_v,
                    vrows_v, sem):
    wid = jax.lax.axis_index("s") * _SC_NC + jax.lax.axis_index("c")
    base = wid * _SC_BPW
    pltpu.sync_copy(idx_hbm.at[wid], idx_v)
    ck = pltpu.async_copy(kt_hbm.at[idx_v], krows_v, sem)
    cv = pltpu.async_copy(vt_hbm.at[idx_v], vrows_v, sem)
    ck.wait()
    cv.wait()
    pltpu.sync_copy(krows_v, ko_hbm.at[pl.ds(base, _SC_BPW)])
    pltpu.sync_copy(vrows_v, vo_hbm.at[pl.ds(base, _SC_BPW)])


def _sc_bias_expand(k_intra, v_intra):
    run = functools.partial(
        pl.kernel,
        mesh=plsc.VectorSubcoreMesh(core_axis_name="c", subcore_axis_name="s"),
        out_type=[
            jax.ShapeDtypeStruct((_SC_ROWS, CDIM), jnp.float32),
            jax.ShapeDtypeStruct((_SC_ROWS, CDIM), jnp.float32),
        ],
        scratch_types=[
            pltpu.VMEM((_SC_BPW,), jnp.int32),
            pltpu.VMEM((_SC_BPW, CDIM), jnp.float32),
            pltpu.VMEM((_SC_BPW, CDIM), jnp.float32),
            pltpu.SemaphoreType.DMA,
        ],
    )(_sc_bias_kernel)
    return run(k_intra.reshape(HEADS, CDIM), v_intra.reshape(HEADS, CDIM),
               _sc_bias_idx())



def _cmlp_kernel(kc_ref, vc_ref, kin_ref, vin_ref, wk1_ref, bk1_ref, wk2_ref,
                 bk2_ref, wv1_ref, bv1_ref, wv2_ref, bv2_ref, ck_ref, cv_ref):
    kc = kc_ref[...] + kin_ref[...]
    vc = vc_ref[...] + vin_ref[...]
    h1 = jnp.maximum(jnp.dot(kc, wk1_ref[...], preferred_element_type=jnp.float32) + bk1_ref[...], 0.0)
    ck_ref[...] = jnp.dot(h1, wk2_ref[...], preferred_element_type=jnp.float32) + bk2_ref[...]
    h2 = jnp.maximum(jnp.dot(vc, wv1_ref[...], preferred_element_type=jnp.float32) + bv1_ref[...], 0.0)
    cv_ref[...] = jnp.dot(h2, wv2_ref[...], preferred_element_type=jnp.float32) + bv2_ref[...]



def _ce_kernel(q_ref, k_ref, v_ref, ck_ref, cv_ref, cos_ref, sin_ref,
               p64_ref, e16_ref, co_ref, fo_ref, lo_ref,
               rk_ref, vext_ref, mk_ref):
    g = pl.program_id(1)
    p64 = p64_ref[...]

    @pl.when(g == 0)
    def _():
        lane = jax.lax.broadcasted_iota(jnp.int32, (SEQ, DIM_HEAD), 1)
        ones_col = jnp.where(lane == 0, 1.0, 0.0)
        for hh in range(2):
            sl = slice(hh * DIM_HEAD, (hh + 1) * DIM_HEAD)
            kk = k_ref[:, sl]
            rk = kk * cos_ref[...] + jnp.dot(
                kk, p64, preferred_element_type=jnp.float32) * sin_ref[...]
            rk_ref[hh] = rk
            vext_ref[hh, :, :DIM_HEAD] = v_ref[:, sl]
            vext_ref[hh, :, DIM_HEAD:] = ones_col
            mk_ref[0:1, hh:hh + 1] = jnp.max(
                jnp.sum(rk * rk, axis=-1, keepdims=True), axis=0, keepdims=True)

    rowc = g * BQ + jax.lax.broadcasted_iota(jnp.int32, (BQ, CTX), 0)
    colc = jax.lax.broadcasted_iota(jnp.int32, (BQ, CTX), 1)
    ckseq = jnp.where(colc < NUM_MEM, -1, (colc - NUM_MEM + 1) * CBS - 1)
    cmask = ckseq < rowc
    cosq = cos_ref[pl.ds(g * BQ, BQ), :]
    sinq = sin_ref[pl.ds(g * BQ, BQ), :]
    qpos_r = g * BQ + jax.lax.broadcasted_iota(jnp.int32, (BQ, 1), 0)
    own_w = qpos_r // SBS
    e16 = e16_ref[...]
    colb = jax.lax.broadcasted_iota(jnp.int32, (BQ, NB_T), 1)
    start = pl.multiple_of(jnp.maximum(g * BQ - 2 * SLIDING, 0), 2 * SLIDING)
    kpos2 = start + jax.lax.broadcasted_iota(jnp.int32, (BQ, SW), 1)
    qpos2 = g * BQ + jax.lax.broadcasted_iota(jnp.int32, (BQ, SW), 0)
    causal = kpos2 <= qpos2
    band = causal & (qpos2 - kpos2 <= SLIDING)

    for hh in range(2):
        sl = slice(hh * DIM_HEAD, (hh + 1) * DIM_HEAD)
        qb = q_ref[:, sl]

        ck = ck_ref[hh]
        cv = cv_ref[hh]
        csim = jax.lax.dot_general(qb, ck, (((1,), (1,)), ((), ())),
                                   preferred_element_type=jnp.float32) * SCALE
        csim = jnp.where(cmask, csim, NEG)
        mC = jnp.max(csim, axis=-1, keepdims=True)
        eC = jnp.exp(csim - mC)
        p = eC / jnp.sum(eC, axis=-1, keepdims=True)
        co_ref[:, sl] = jnp.dot(p, cv, preferred_element_type=jnp.float32)

        penc = (jax.lax.bitcast_convert_type(p, jnp.int32) & jnp.int32(~0xFF)) | (255 - colc)
        work = jnp.where(colc >= NUM_MEM, penc, -1)
        sel_i = []
        sel_ok = []
        for _ in range(NUM_SEL):
            m = jnp.max(work, axis=-1, keepdims=True)
            work = jnp.where(work == m, -1, work)
            sel_i.append(255 - (m & 0xFF) - NUM_MEM)
            vf = jax.lax.bitcast_convert_type(m & jnp.int32(~0xFF), jnp.float32)
            sel_ok.append(vf > 1e-10)

        rq = (qb * cosq + jnp.dot(qb, p64, preferred_element_type=jnp.float32)
              * sinq) * SCALE
        nq = jnp.sqrt(jnp.sum(rq * rq, axis=-1, keepdims=True))
        m0 = nq * jnp.sqrt(mk_ref[0:1, hh:hh + 1])

        acc = jnp.zeros((BQ, 2 * DIM_HEAD), jnp.float32)
        for t in range(NT):
            kt = rk_ref[hh, t * BK:(t + 1) * BK, :]
            vt = vext_ref[hh, t * BK:(t + 1) * BK, :]
            s = jax.lax.dot_general(rq, kt, (((1,), (1,)), ((), ())),
                                    preferred_element_type=jnp.float32)
            wb = jnp.zeros((BQ, NB_T), jnp.float32)
            jbb = t * NB_T + colb
            for si in range(NUM_SEL):
                wb += ((sel_i[si] == jbb) & sel_ok[si]).astype(jnp.float32)
            w = jnp.dot(wb, e16, preferred_element_type=jnp.float32)
            pt = w * jnp.exp(s - m0)
            acc = acc + jnp.dot(pt, vt, preferred_element_type=jnp.float32)

        ks = rk_ref[hh, pl.ds(start, SW), :]
        vs = vext_ref[hh, pl.ds(start, SW), :]
        bsim = jax.lax.dot_general(rq, ks, (((1,), (1,)), ((), ())),
                                   preferred_element_type=jnp.float32)
        eb = jnp.exp(bsim - m0)
        e_sl = jnp.where(band, eb, 0.0)
        sl_ext = jnp.dot(e_sl, vs, preferred_element_type=jnp.float32)
        lo_ref[:, sl] = sl_ext[:, :DIM_HEAD] / sl_ext[:, DIM_HEAD:DIM_HEAD + 1]
        e_own = jnp.where(causal & ((kpos2 // SBS) == own_w), eb, 0.0)
        acc = acc + jnp.dot(e_own, vs, preferred_element_type=jnp.float32)
        fo_ref[:, sl] = acc[:, :DIM_HEAD] / acc[:, DIM_HEAD:DIM_HEAD + 1]



def _comb_kernel(gate_ref, bcomb_ref, co_ref, fo_ref, lo_ref, g0_ref, g1_ref,
                 g2_ref, wout_ref, out_ref):
    sg = jax.nn.sigmoid(gate_ref[...] + bcomb_ref[...])
    o = (jnp.dot(sg, g0_ref[...], preferred_element_type=jnp.float32) * co_ref[...]
         + jnp.dot(sg, g1_ref[...], preferred_element_type=jnp.float32) * fo_ref[...]
         + jnp.dot(sg, g2_ref[...], preferred_element_type=jnp.float32) * lo_ref[...])
    out_ref[...] = jnp.dot(o, wout_ref[...], preferred_element_type=jnp.float32)


def kernel(inp, g_norm, W_qkv, mem_kv, k_intra, v_intra, Wk1, bk1, Wk2, bk2,
           Wv1, bv1, Wv2, bv2, W_comb, b_comb, W_out):
    n, h, dh = SEQ, HEADS, DIM_HEAD
    x2 = inp.reshape(n, DIM)

    cos, sin, P64, E16 = _tables()
    G0, G1, G2 = _gate_selectors()

    q768, k768, v768, gates = pl.pallas_call(
        _qkv_kernel,
        grid=(GQ,),
        in_specs=[
            pl.BlockSpec((BQ, DIM), lambda i: (i, 0)),
            pl.BlockSpec((1, DIM), lambda i: (0, 0)),
            pl.BlockSpec((DIM, INNER), lambda i: (0, 0)),
            pl.BlockSpec((DIM, INNER), lambda i: (0, 0)),
            pl.BlockSpec((DIM, INNER), lambda i: (0, 0)),
            pl.BlockSpec((DIM, 3 * h), lambda i: (0, 0)),
        ],
        out_specs=[
            pl.BlockSpec((BQ, INNER), lambda i: (i, 0)),
            pl.BlockSpec((BQ, INNER), lambda i: (i, 0)),
            pl.BlockSpec((BQ, INNER), lambda i: (i, 0)),
            pl.BlockSpec((BQ, 3 * h), lambda i: (i, 0)),
        ],
        out_shape=[
            jax.ShapeDtypeStruct((n, INNER), jnp.float32),
            jax.ShapeDtypeStruct((n, INNER), jnp.float32),
            jax.ShapeDtypeStruct((n, INNER), jnp.float32),
            jax.ShapeDtypeStruct((n, 3 * h), jnp.float32),
        ],
    )(x2, g_norm.reshape(1, DIM), W_qkv[:, :INNER], W_qkv[:, INNER:2 * INNER],
      W_qkv[:, 2 * INNER:], W_comb)

    rows = h * NBLK
    brows = rows // 2
    kc_in = k768.reshape(NBLK, CBS, h, dh).transpose(2, 0, 1, 3).reshape(rows, CDIM)
    vc_in = v768.reshape(NBLK, CBS, h, dh).transpose(2, 0, 1, 3).reshape(rows, CDIM)
    kin_full, vin_full = _sc_bias_expand(k_intra, v_intra)
    ck2, cv2 = pl.pallas_call(
        _cmlp_kernel,
        grid=(2,),
        in_specs=[
            pl.BlockSpec((brows, CDIM), lambda i: (i, 0)),
            pl.BlockSpec((brows, CDIM), lambda i: (i, 0)),
            pl.BlockSpec((brows, CDIM), lambda i: (i, 0)),
            pl.BlockSpec((brows, CDIM), lambda i: (i, 0)),
            pl.BlockSpec((CDIM, CDIM), lambda i: (0, 0)),
            pl.BlockSpec((1, CDIM), lambda i: (0, 0)),
            pl.BlockSpec((CDIM, dh), lambda i: (0, 0)),
            pl.BlockSpec((1, dh), lambda i: (0, 0)),
            pl.BlockSpec((CDIM, CDIM), lambda i: (0, 0)),
            pl.BlockSpec((1, CDIM), lambda i: (0, 0)),
            pl.BlockSpec((CDIM, dh), lambda i: (0, 0)),
            pl.BlockSpec((1, dh), lambda i: (0, 0)),
        ],
        out_specs=[
            pl.BlockSpec((brows, dh), lambda i: (i, 0)),
            pl.BlockSpec((brows, dh), lambda i: (i, 0)),
        ],
        out_shape=[
            jax.ShapeDtypeStruct((rows, dh), jnp.float32),
            jax.ShapeDtypeStruct((rows, dh), jnp.float32),
        ],
    )(kc_in, vc_in, kin_full, vin_full,
      Wk1, bk1.reshape(1, CDIM), Wk2, bk2.reshape(1, dh),
      Wv1, bv1.reshape(1, CDIM), Wv2, bv2.reshape(1, dh))

    ck_full = jnp.concatenate(
        (jnp.broadcast_to(mem_kv[0], (h, NUM_MEM, dh)), ck2.reshape(h, NBLK, dh)),
        axis=1)
    cv_full = jnp.concatenate(
        (jnp.broadcast_to(mem_kv[1], (h, NUM_MEM, dh)), cv2.reshape(h, NBLK, dh)),
        axis=1)

    co, fo, lo = pl.pallas_call(
        _ce_kernel,
        grid=(h // 2, GQ),
        in_specs=[
            pl.BlockSpec((BQ, 2 * dh), lambda i, j: (j, i)),
            pl.BlockSpec((n, 2 * dh), lambda i, j: (0, i)),
            pl.BlockSpec((n, 2 * dh), lambda i, j: (0, i)),
            pl.BlockSpec((2, CTX, dh), lambda i, j: (i, 0, 0)),
            pl.BlockSpec((2, CTX, dh), lambda i, j: (i, 0, 0)),
            pl.BlockSpec((n, dh), lambda i, j: (0, 0)),
            pl.BlockSpec((n, dh), lambda i, j: (0, 0)),
            pl.BlockSpec((dh, dh), lambda i, j: (0, 0)),
            pl.BlockSpec((NB_T, BK), lambda i, j: (0, 0)),
        ],
        out_specs=[
            pl.BlockSpec((BQ, 2 * dh), lambda i, j: (j, i)),
            pl.BlockSpec((BQ, 2 * dh), lambda i, j: (j, i)),
            pl.BlockSpec((BQ, 2 * dh), lambda i, j: (j, i)),
        ],
        out_shape=[
            jax.ShapeDtypeStruct((n, INNER), jnp.float32),
            jax.ShapeDtypeStruct((n, INNER), jnp.float32),
            jax.ShapeDtypeStruct((n, INNER), jnp.float32),
        ],
        scratch_shapes=[
            pltpu.VMEM((2, n, dh), jnp.float32),
            pltpu.VMEM((2, n, 2 * dh), jnp.float32),
            pltpu.VMEM((1, 2), jnp.float32),
        ],
    )(q768, k768, v768, ck_full, cv_full, cos, sin, P64, E16)

    out = pl.pallas_call(
        _comb_kernel,
        grid=(GQ,),
        in_specs=[
            pl.BlockSpec((BQ, 3 * h), lambda i: (i, 0)),
            pl.BlockSpec((1, 3 * h), lambda i: (0, 0)),
            pl.BlockSpec((BQ, INNER), lambda i: (i, 0)),
            pl.BlockSpec((BQ, INNER), lambda i: (i, 0)),
            pl.BlockSpec((BQ, INNER), lambda i: (i, 0)),
            pl.BlockSpec((3 * h, DIM), lambda i: (0, 0)),
            pl.BlockSpec((3 * h, DIM), lambda i: (0, 0)),
            pl.BlockSpec((3 * h, DIM), lambda i: (0, 0)),
            pl.BlockSpec((INNER, DIM), lambda i: (0, 0)),
        ],
        out_specs=pl.BlockSpec((BQ, DIM), lambda i: (i, 0)),
        out_shape=jax.ShapeDtypeStruct((n, DIM), jnp.float32),
    )(gates, b_comb.reshape(1, 3 * h), co, fo, lo, G0, G1, G2, W_out)

    return out.reshape(BATCH, n, DIM)

# --- scband reference (transcript-rebuilt; emitter-appended) ---
"""Pipeline reference for scband-sparse-attention-28046136442889 (READ-ONLY COPY).

The authoritative reference and input builder live on the scoring server;
editing this copy changes nothing except your own understanding.
"""

import jax, jax.numpy as jnp
import numpy as np

BATCH = 1
SEQ = 2048
DIM = 768
HEADS = 12
DIM_HEAD = 64
SLIDING = 64
CBS = 16
SBS = 16
NUM_SEL = 4
NUM_MEM = 4
SCALE = DIM_HEAD ** -0.5
MASK_VALUE = -jnp.finfo(jnp.float32).max


def _rotary(x):
    d = x.shape[-1]
    n = x.shape[-2]
    inv = 1.0 / (10000.0 ** (jnp.arange(0, d, 2, dtype=jnp.float32) / d))
    f = jnp.arange(n, dtype=jnp.float32)[:, None] * inv[None, :]
    f = jnp.repeat(f, 2, axis=-1)
    cos, sin = jnp.cos(f), jnp.sin(f)
    x1 = x[..., 0::2]
    x2 = x[..., 1::2]
    rot = jnp.stack((-x2, x1), axis=-1).reshape(x.shape)
    return x * cos + rot * sin


def setup_inputs(seed: int = 0):
    key = jax.random.key(seed)
    ks = jax.random.split(key, 12)
    s = 0.02
    inner = HEADS * DIM_HEAD
    cdim = CBS * DIM_HEAD
    return {
        "inp": jax.random.normal(ks[0], (BATCH, SEQ, DIM), dtype=jnp.float32),
        "g_norm": jnp.ones((DIM,), jnp.float32),
        "W_qkv": jax.random.normal(ks[1], (DIM, 3 * inner), jnp.float32) * s,
        "mem_kv": jax.random.normal(ks[2], (2, HEADS, NUM_MEM, DIM_HEAD), jnp.float32) * s,
        "k_intra": jax.random.normal(ks[3], (HEADS, CBS, DIM_HEAD), jnp.float32) * s,
        "v_intra": jax.random.normal(ks[4], (HEADS, CBS, DIM_HEAD), jnp.float32) * s,
        "Wk1": jax.random.normal(ks[5], (cdim, cdim), jnp.float32) * s,
        "bk1": jnp.zeros((cdim,), jnp.float32),
        "Wk2": jax.random.normal(ks[6], (cdim, DIM_HEAD), jnp.float32) * s,
        "bk2": jnp.zeros((DIM_HEAD,), jnp.float32),
        "Wv1": jax.random.normal(ks[7], (cdim, cdim), jnp.float32) * s,
        "bv1": jnp.zeros((cdim,), jnp.float32),
        "Wv2": jax.random.normal(ks[8], (cdim, DIM_HEAD), jnp.float32) * s,
        "bv2": jnp.zeros((DIM_HEAD,), jnp.float32),
        "W_comb": jnp.zeros((DIM, 3 * HEADS), jnp.float32),
        "b_comb": jnp.tile(jnp.array([-2.0, -2.0, 2.0], jnp.float32), HEADS),
        "W_out": jax.random.normal(ks[9], (inner, DIM), jnp.float32) * s,
    }


def _forward(inp, g_norm, W_qkv, mem_kv, k_intra, v_intra, Wk1, bk1, Wk2, bk2, Wv1, bv1, Wv2, bv2, W_comb, b_comb, W_out):
    b, n, _ = inp.shape
    h, dh = HEADS, DIM_HEAD
    # RMSNorm
    x = inp * jax.lax.rsqrt(jnp.mean(inp * inp, axis=-1, keepdims=True) + jnp.finfo(jnp.float32).eps) * g_norm
    qkv = x @ W_qkv
    q, k, v = jnp.split(qkv, 3, axis=-1)
    q = q.reshape(b, n, h, dh).transpose(0, 2, 1, 3)
    k = k.reshape(b, n, h, dh).transpose(0, 2, 1, 3)
    v = v.reshape(b, n, h, dh).transpose(0, 2, 1, 3)
    # --- compressed branch ---
    W = n // CBS
    k_pos = jnp.tile(k_intra, (1, W, 1))
    v_pos = jnp.tile(v_intra, (1, W, 1))
    kc = (k + k_pos).reshape(b, h, W, CBS * dh)
    vc = (v + v_pos).reshape(b, h, W, CBS * dh)
    ck = jax.nn.relu(kc @ Wk1 + bk1) @ Wk2 + bk2
    cv = jax.nn.relu(vc @ Wv1 + bv1) @ Wv2 + bv2
    ck = jnp.concatenate((jnp.broadcast_to(mem_kv[0][None], (b, h, NUM_MEM, dh)), ck), axis=-2)
    cv = jnp.concatenate((jnp.broadcast_to(mem_kv[1][None], (b, h, NUM_MEM, dh)), cv), axis=-2)
    csim = jnp.einsum('bhid,bhjd->bhij', q, ck) * SCALE
    ck_seq = jnp.concatenate((jnp.full((NUM_MEM,), -1), (jnp.arange(W) + 1) * CBS - 1))
    cmask = ck_seq[None, :] < jnp.arange(n)[:, None]
    csim = jnp.where(cmask, csim, MASK_VALUE)
    cattn = jax.nn.softmax(csim, axis=-1)
    compressed_out = jnp.einsum('bhij,bhjd->bhid', cattn, cv)
    # rotary for fine + sliding branches
    rq = _rotary(q)
    rk = _rotary(k)
    # --- fine selection branch (compress_block_size == selection_block_size) ---
    imp = cattn[..., NUM_MEM:]
    sel_vals, sel_idx = jax.lax.top_k(imp, NUM_SEL)
    fmask = sel_vals > 1e-10
    fwseq = jnp.arange(n) // SBS
    sel_idx = jnp.concatenate((sel_idx, jnp.broadcast_to(fwseq[None, None, :, None], (b, h, n, 1)).astype(sel_idx.dtype)), axis=-1)
    fmask = jnp.broadcast_to(fmask[..., None], (b, h, n, NUM_SEL, SBS))
    tri = jnp.tril(jnp.ones((SBS, SBS), dtype=bool))
    causal = jnp.broadcast_to(jnp.tile(tri, (n // SBS, 1))[None, None, :, None, :], (b, h, n, 1, SBS))
    fmask = jnp.concatenate((fmask, causal), axis=-2).reshape(b, h, n, (NUM_SEL + 1) * SBS)
    fk_blocks = rk.reshape(b, h, n // SBS, SBS, dh)
    fv_blocks = v.reshape(b, h, n // SBS, SBS, dh)
    bi = jnp.arange(b)[:, None, None, None]
    hi = jnp.arange(h)[None, :, None, None]
    fk = fk_blocks[bi, hi, sel_idx].reshape(b, h, n, (NUM_SEL + 1) * SBS, dh)
    fv = fv_blocks[bi, hi, sel_idx].reshape(b, h, n, (NUM_SEL + 1) * SBS, dh)
    fsim = jnp.einsum('bhid,bhijd->bhij', rq, fk) * SCALE
    fsim = jnp.where(fmask, fsim, MASK_VALUE)
    fattn = jax.nn.softmax(fsim, axis=-1)
    fine_out = jnp.einsum('bhij,bhijd->bhid', fattn, fv)
    # --- sliding window branch (causal, exact window size) ---
    ssim = jnp.einsum('bhid,bhjd->bhij', rq, rk) * SCALE
    ii = jnp.arange(n)[:, None]
    jj = jnp.arange(n)[None, :]
    smask = (jj <= ii) & (ii - jj <= SLIDING)
    ssim = jnp.where(smask, ssim, MASK_VALUE)
    sattn = jax.nn.softmax(ssim, axis=-1)
    local_out = jnp.einsum('bhij,bhjd->bhid', sattn, v)
    # --- strategy combine ---
    gates = jax.nn.sigmoid(x @ W_comb + b_comb).reshape(b, n, h, 3).transpose(0, 2, 1, 3)
    out = gates[..., 0:1] * compressed_out + gates[..., 1:2] * fine_out + gates[..., 2:3] * local_out
    out = out.transpose(0, 2, 1, 3).reshape(b, n, h * dh)
    return out @ W_out


def reference(inp, g_norm, W_qkv, mem_kv, k_intra, v_intra, Wk1, bk1, Wk2, bk2, Wv1, bv1, Wv2, bv2, W_comb, b_comb, W_out):
    return _forward(inp, g_norm, W_qkv, mem_kv, k_intra, v_intra, Wk1, bk1, Wk2, bk2, Wv1, bv1, Wv2, bv2, W_comb, b_comb, W_out)

if __name__ == "__main__":
    import jax
    _d = setup_inputs()
    print(jax.jit(kernel)(*tuple(_d.values())))

</pallas_src>

<mosaic_0001>
#map = affine_map<(d0, d1) -> (0, 0)>
module attributes {stable_mosaic.version = 14 : i64} {
  func.func @_sc_bias_kernel(%arg0: i32, %arg1: i32, %arg2: memref<12x1024xf32, #tpu.memory_space<hbm>>, %arg3: memref<12x1024xf32, #tpu.memory_space<hbm>>, %arg4: memref<32x48xi32, #tpu.memory_space<hbm>>, %arg5: memref<1536x1024xf32, #tpu.memory_space<hbm>>, %arg6: memref<1536x1024xf32, #tpu.memory_space<hbm>>, %arg7: memref<48xi32, #tpu.memory_space<vmem>>, %arg8: memref<48x1024xf32, #tpu.memory_space<vmem>>, %arg9: memref<48x1024xf32, #tpu.memory_space<vmem>>, %arg10: memref<!tpu.dma_semaphore, #tpu.memory_space<semaphore_mem>>) attributes {dimension_semantics = [#tpu.dimension_semantics<core_parallel>, #tpu.dimension_semantics<subcore_parallel>], iteration_bounds = array<i64: 2, 16>, scalar_prefetch = 0 : i64, scratch_operands = 4 : i64, tpu.core_type = #tpu.core_type<sc_vector_subcore>, window_params = [{transform_indices = #map}, {transform_indices = #map}, {transform_indices = #map}, {transform_indices = #map}, {transform_indices = #map}]} {
    %mul3A = arith.constant 2 : i32
    %mul3A_0 = arith.muli %arg1, %mul3A : i32
    %add3A = arith.addi %mul3A_0, %arg0 : i32
    %mul3A_1 = arith.constant 48 : i32
    %mul3A_2 = arith.muli %add3A, %mul3A_1 : i32
    "tpu.region"() ({
      %run_scoped3A = tpu.sem_alloc : memref<!tpu.dma_semaphore, #tpu.memory_space<semaphore_mem>>
      %dma_start3A_13 = arith.constant 0 : i32
      %dma_start3A_14 = tpu.memref_slice %arg4[%add3A, %dma_start3A_13] : memref<32x48xi32, #tpu.memory_space<hbm>> -> memref<1x48xi32, #tpu.memory_space<hbm>>
      %dma_start3A_15 = tpu.memref_squeeze %dma_start3A_14 : memref<1x48xi32, #tpu.memory_space<hbm>> -> memref<48xi32, #tpu.memory_space<hbm>>
      %dma_start3A_16 = arith.constant 0 : i32
      %dma_start3A_17 = tpu.memref_slice %arg4[%add3A, %dma_start3A_16] : memref<32x48xi32, #tpu.memory_space<hbm>> -> memref<1x48xi32, #tpu.memory_space<hbm>>
      %dma_start3A_18 = tpu.memref_squeeze %dma_start3A_17 : memref<1x48xi32, #tpu.memory_space<hbm>> -> memref<48xi32, #tpu.memory_space<hbm>>
      tpu.enqueue_dma source(%dma_start3A_18 : memref<48xi32, #tpu.memory_space<hbm>>) target(%arg7 : memref<48xi32, #tpu.memory_space<vmem>>) target_semaphore(%run_scoped3A : memref<!tpu.dma_semaphore, #tpu.memory_space<semaphore_mem>>)
      %dma_wait3A_19 = arith.constant 0 : i32
      %dma_wait3A_20 = tpu.memref_slice %arg4[%add3A, %dma_wait3A_19] : memref<32x48xi32, #tpu.memory_space<hbm>> -> memref<1x48xi32, #tpu.memory_space<hbm>>
      %dma_wait3A_21 = tpu.memref_squeeze %dma_wait3A_20 : memref<1x48xi32, #tpu.memory_space<hbm>> -> memref<48xi32, #tpu.memory_space<hbm>>
      %dma_wait3A_22 = arith.constant 0 : i32
      %dma_wait3A_23 = tpu.memref_slice %arg4[%add3A, %dma_wait3A_22] : memref<32x48xi32, #tpu.memory_space<hbm>> -> memref<1x48xi32, #tpu.memory_space<hbm>>
      %dma_wait3A_24 = tpu.memref_squeeze %dma_wait3A_23 : memref<1x48xi32, #tpu.memory_space<hbm>> -> memref<48xi32, #tpu.memory_space<hbm>>
      tpu.wait_dma2 semaphore(%run_scoped3A : memref<!tpu.dma_semaphore, #tpu.memory_space<semaphore_mem>>) src(%dma_wait3A_24 : memref<48xi32, #tpu.memory_space<hbm>>) dst(%arg7 : memref<48xi32, #tpu.memory_space<vmem>>)
      tpu.yield
    }) : () -> ()
    %dma_start3A = arith.constant 0 : i32
    %dma_start3A_3 = arith.constant 0 : i32
    %dma_start3A_4 = tpu.memref_slice %arg2[%dma_start3A, %dma_start3A_3] : memref<12x1024xf32, #tpu.memory_space<hbm>> -> memref<12x1024xf32, #tpu.memory_space<hbm>>
    tpu.enqueue_indirect_dma source(%dma_start3A_4 : memref<12x1024xf32, #tpu.memory_space<hbm>>) target(%arg8 : memref<48x1024xf32, #tpu.memory_space<vmem>>) offsets(%arg7 : memref<48xi32, #tpu.memory_space<vmem>>) semaphore(%arg10 : memref<!tpu.dma_semaphore, #tpu.memory_space<semaphore_mem>>)
    %dma_start3A_5 = arith.constant 0 : i32
    %dma_start3A_6 = arith.constant 0 : i32
    %dma_start3A_7 = tpu.memref_slice %arg3[%dma_start3A_5, %dma_start3A_6] : memref<12x1024xf32, #tpu.memory_space<hbm>> -> memref<12x1024xf32, #tpu.memory_space<hbm>>
    tpu.enqueue_indirect_dma source(%dma_start3A_7 : memref<12x1024xf32, #tpu.memory_space<hbm>>) target(%arg9 : memref<48x1024xf32, #tpu.memory_space<vmem>>) offsets(%arg7 : memref<48xi32, #tpu.memory_space<vmem>>) semaphore(%arg10 : memref<!tpu.dma_semaphore, #tpu.memory_space<semaphore_mem>>)
    %dma_wait3A = arith.constant 0 : i32
    %dma_wait3A_8 = arith.constant 0 : i32
    %dma_wait3A_9 = tpu.memref_slice %arg2[%dma_wait3A, %dma_wait3A_8] : memref<12x1024xf32, #tpu.memory_space<hbm>> -> memref<12x1024xf32, #tpu.memory_space<hbm>>
    tpu.wait_indirect_dma semaphore(%arg10 : memref<!tpu.dma_semaphore, #tpu.memory_space<semaphore_mem>>) src(%dma_wait3A_9 : memref<12x1024xf32, #tpu.memory_space<hbm>>) dst(%arg8 : memref<48x1024xf32, #tpu.memory_space<vmem>>)
    %dma_wait3A_10 = arith.constant 0 : i32
    %dma_wait3A_11 = arith.constant 0 : i32
    %dma_wait3A_12 = tpu.memref_slice %arg3[%dma_wait3A_10, %dma_wait3A_11] : memref<12x1024xf32, #tpu.memory_space<hbm>> -> memref<12x1024xf32, #tpu.memory_space<hbm>>
    tpu.wait_indirect_dma semaphore(%arg10 : memref<!tpu.dma_semaphore, #tpu.memory_space<semaphore_mem>>) src(%dma_wait3A_12 : memref<12x1024xf32, #tpu.memory_space<hbm>>) dst(%arg9 : memref<48x1024xf32, #tpu.memory_space<vmem>>)
    "tpu.region"() ({
      %run_scoped3A = tpu.sem_alloc : memref<!tpu.dma_semaphore, #tpu.memory_space<semaphore_mem>>
      %dma_start3A_13 = arith.constant 0 : i32
      %dma_start3A_14 = tpu.memref_slice %arg5[%mul3A_2, %dma_start3A_13] : memref<1536x1024xf32, #tpu.memory_space<hbm>> -> memref<48x1024xf32, #tpu.memory_space<hbm>>
      %dma_start3A_15 = arith.constant 0 : i32
      %dma_start3A_16 = tpu.memref_slice %arg5[%mul3A_2, %dma_start3A_15] : memref<1536x1024xf32, #tpu.memory_space<hbm>> -> memref<48x1024xf32, #tpu.memory_space<hbm>>
      tpu.enqueue_dma source(%arg8 : memref<48x1024xf32, #tpu.memory_space<vmem>>) target(%dma_start3A_16 : memref<48x1024xf32, #tpu.memory_space<hbm>>) target_semaphore(%run_scoped3A : memref<!tpu.dma_semaphore, #tpu.memory_space<semaphore_mem>>)
      %dma_wait3A_17 = arith.constant 0 : i32
      %dma_wait3A_18 = tpu.memref_slice %arg5[%mul3A_2, %dma_wait3A_17] : memref<1536x1024xf32, #tpu.memory_space<hbm>> -> memref<48x1024xf32, #tpu.memory_space<hbm>>
      %dma_wait3A_19 = arith.constant 0 : i32
      %dma_wait3A_20 = tpu.memref_slice %arg5[%mul3A_2, %dma_wait3A_19] : memref<1536x1024xf32, #tpu.memory_space<hbm>> -> memref<48x1024xf32, #tpu.memory_space<hbm>>
      tpu.wait_dma2 semaphore(%run_scoped3A : memref<!tpu.dma_semaphore, #tpu.memory_space<semaphore_mem>>) src(%arg8 : memref<48x1024xf32, #tpu.memory_space<vmem>>) dst(%dma_wait3A_20 : memref<48x1024xf32, #tpu.memory_space<hbm>>)
      tpu.yield
    }) : () -> ()
    "tpu.region"() ({
      %run_scoped3A = tpu.sem_alloc : memref<!tpu.dma_semaphore, #tpu.memory_space<semaphore_mem>>
      %dma_start3A_13 = arith.constant 0 : i32
      %dma_start3A_14 = tpu.memref_slice %arg6[%mul3A_2, %dma_start3A_13] : memref<1536x1024xf32, #tpu.memory_space<hbm>> -> memref<48x1024xf32, #tpu.memory_space<hbm>>
      %dma_start3A_15 = arith.constant 0 : i32
      %dma_start3A_16 = tpu.memref_slice %arg6[%mul3A_2, %dma_start3A_15] : memref<1536x1024xf32, #tpu.memory_space<hbm>> -> memref<48x1024xf32, #tpu.memory_space<hbm>>
      tpu.enqueue_dma source(%arg9 : memref<48x1024xf32, #tpu.memory_space<vmem>>) target(%dma_start3A_16 : memref<48x1024xf32, #tpu.memory_space<hbm>>) target_semaphore(%run_scoped3A : memref<!tpu.dma_semaphore, #tpu.memory_space<semaphore_mem>>)
      %dma_wait3A_17 = arith.constant 0 : i32
      %dma_wait3A_18 = tpu.memref_slice %arg6[%mul3A_2, %dma_wait3A_17] : memref<1536x1024xf32, #tpu.memory_space<hbm>> -> memref<48x1024xf32, #tpu.memory_space<hbm>>
      %dma_wait3A_19 = arith.constant 0 : i32
      %dma_wait3A_20 = tpu.memref_slice %arg6[%mul3A_2, %dma_wait3A_19] : memref<1536x1024xf32, #tpu.memory_space<hbm>> -> memref<48x1024xf32, #tpu.memory_space<hbm>>
      tpu.wait_dma2 semaphore(%run_scoped3A : memref<!tpu.dma_semaphore, #tpu.memory_space<semaphore_mem>>) src(%arg9 : memref<48x1024xf32, #tpu.memory_space<vmem>>) dst(%dma_wait3A_20 : memref<48x1024xf32, #tpu.memory_space<hbm>>)
      tpu.yield
    }) : () -> ()
    return
  }
}

module attributes {stable_mosaic.version = 14 : i64} {
  func.func @_qkv_kernel(%arg0: i32, %arg1: memref<256x768xf32, #tpu.memory_space<vmem>>, %arg2: memref<1x768xf32, #tpu.memory_space<vmem>>, %arg3: memref<768x768xf32, #tpu.memory_space<vmem>>, %arg4: memref<768x768xf32, #tpu.memory_space<vmem>>, %arg5: memref<768x768xf32, #tpu.memory_space<vmem>>, %arg6: memref<768x36xf32, #tpu.memory_space<vmem>>, %arg7: memref<256x768xf32, #tpu.memory_space<vmem>>, %arg8: memref<256x768xf32, #tpu.memory_space<vmem>>, %arg9: memref<256x768xf32, #tpu.memory_space<vmem>>, %arg10: memref<256x36xf32, #tpu.memory_space<vmem>>) attributes {dimension_semantics = [#tpu.dimension_semantics<arbitrary>], iteration_bounds = array<i64: 8>, scalar_prefetch = 0 : i64, scratch_operands = 0 : i64, tpu.core_type = #tpu.core_type<tc>, window_params = [{transform_indices = @transform_0, window_bounds = array<i64: 256, 768>}, {pipeline_mode = #tpu.pipeline_mode<synchronous>, transform_indices = @transform_1, window_bounds = array<i64: 1, 768>}, {pipeline_mode = #tpu.pipeline_mode<synchronous>, transform_indices = @transform_2, window_bounds = array<i64: 768, 768>}, {pipeline_mode = #tpu.pipeline_mode<synchronous>, transform_indices = @transform_3, window_bounds = array<i64: 768, 768>}, {pipeline_mode = #tpu.pipeline_mode<synchronous>, transform_indices = @transform_4, window_bounds = array<i64: 768, 768>}, {pipeline_mode = #tpu.pipeline_mode<synchronous>, transform_indices = @transform_5, window_bounds = array<i64: 768, 36>}, {transform_indices = @transform_6, window_bounds = array<i64: 256, 768>}, {transform_indices = @transform_7, window_bounds = array<i64: 256, 768>}, {transform_indices = @transform_8, window_bounds = array<i64: 256, 768>}, {transform_indices = @transform_9, window_bounds = array<i64: 256, 36>}]} {
    %get3A = arith.constant 0 : index
    %get3A_0 = arith.constant 0 : index
    %get3A_1 = vector.load %arg1[%get3A, %get3A_0] : memref<256x768xf32, #tpu.memory_space<vmem>>, vector<256x768xf32>
    %mul3A = arith.mulf %get3A_1, %get3A_1 : vector<256x768xf32>
    %reduce_sum3A = arith.constant dense<0.000000e+00> : vector<256xf32>
    %reduce_sum3A_2 = vector.multi_reduction <add>, %mul3A, %reduce_sum3A [1] : vector<256x768xf32> to vector<256xf32>
    %broadcast_in_dim3A = vector.shape_cast %reduce_sum3A_2 : vector<256xf32> to vector<256x1xf32>
    %div3A = arith.constant 7.680000e+02 : f32
    %div3A_3 = vector.broadcast %div3A : f32 to vector<256x1xf32>
    %div3A_4 = arith.divf %broadcast_in_dim3A, %div3A_3 : vector<256x1xf32>
    %add3A = arith.constant 1.1920929E-7 : f32
    %add3A_5 = vector.broadcast %add3A : f32 to vector<256x1xf32>
    %add3A_6 = arith.addf %div3A_4, %add3A_5 : vector<256x1xf32>
    %rsqrt3A = math.rsqrt %add3A_6 : vector<256x1xf32>
    %mul3A_7 = vector.broadcast %rsqrt3A : vector<256x1xf32> to vector<256x768xf32>
    %mul3A_8 = arith.mulf %get3A_1, %mul3A_7 : vector<256x768xf32>
    %get3A_9 = arith.constant 0 : index
    %get3A_10 = arith.constant 0 : index
    %get3A_11 = vector.load %arg2[%get3A_9, %get3A_10] : memref<1x768xf32, #tpu.memory_space<vmem>>, vector<1x768xf32>
    %mul3A_12 = vector.broadcast %get3A_11 : vector<1x768xf32> to vector<256x768xf32>
    %mul3A_13 = arith.mulf %mul3A_8, %mul3A_12 : vector<256x768xf32>
    %get3A_14 = arith.constant 0 : index
    %get3A_15 = arith.constant 0 : index
    %get3A_16 = vector.load %arg3[%get3A_14, %get3A_15] : memref<768x768xf32, #tpu.memory_space<vmem>>, vector<768x768xf32>
    %dot_general3A = arith.constant dense<0.000000e+00> : vector<256x768xf32>
    %dot_general3A_17 = tpu.matmul %mul3A_13, %get3A_16, %dot_general3A {dimension_numbers = #tpu.dot_dimension_numbers<[1], [0], [0], [1], [0, 0, 1, 1], [], []>, transpose_lhs_hint = false} : vector<256x768xf32>, vector<768x768xf32>, vector<256x768xf32> -> vector<256x768xf32>
    %swap3A = arith.constant 0 : index
    %swap3A_18 = arith.constant 0 : index
    %swap3A_19 = vector.load %arg7[%swap3A, %swap3A_18] : memref<256x768xf32, #tpu.memory_space<vmem>>, vector<256x768xf32>
    tpu.vector_store %arg7[%swap3A, %swap3A_18], %dot_general3A_17 {strides = array<i32>} : memref<256x768xf32, #tpu.memory_space<vmem>>, vector<256x768xf32>,
    %get3A_20 = arith.constant 0 : index
    %get3A_21 = arith.constant 0 : index
    %get3A_22 = vector.load %arg4[%get3A_20, %get3A_21] : memref<768x768xf32, #tpu.memory_space<vmem>>, vector<768x768xf32>
    %dot_general3A_23 = arith.constant dense<0.000000e+00> : vector<256x768xf32>
    %dot_general3A_24 = tpu.matmul %mul3A_13, %get3A_22, %dot_general3A_23 {dimension_numbers = #tpu.dot_dimension_numbers<[1], [0], [0], [1], [0, 0, 1, 1], [], []>, transpose_lhs_hint = false} : vector<256x768xf32>, vector<768x768xf32>, vector<256x768xf32> -> vector<256x768xf32>
    %swap3A_25 = arith.constant 0 : index
    %swap3A_26 = arith.constant 0 : index
    %swap3A_27 = vector.load %arg8[%swap3A_25, %swap3A_26] : memref<256x768xf32, #tpu.memory_space<vmem>>, vector<256x768xf32>
    tpu.vector_store %arg8[%swap3A_25, %swap3A_26], %dot_general3A_24 {strides = array<i32>} : memref<256x768xf32, #tpu.memory_space<vmem>>, vector<256x768xf32>,
    %get3A_28 = arith.constant 0 : index
    %get3A_29 = arith.constant 0 : index
    %get3A_30 = vector.load %arg5[%get3A_28, %get3A_29] : memref<768x768xf32, #tpu.memory_space<vmem>>, vector<768x768xf32>
    %dot_general3A_31 = arith.constant dense<0.000000e+00> : vector<256x768xf32>
    %dot_general3A_32 = tpu.matmul %mul3A_13, %get3A_30, %dot_general3A_31 {dimension_numbers = #tpu.dot_dimension_numbers<[1], [0], [0], [1], [0, 0, 1, 1], [], []>, transpose_lhs_hint = false} : vector<256x768xf32>, vector<768x768xf32>, vector<256x768xf32> -> vector<256x768xf32>
    %swap3A_33 = arith.constant 0 : index
    %swap3A_34 = arith.constant 0 : index
    %swap3A_35 = vector.load %arg9[%swap3A_33, %swap3A_34] : memref<256x768xf32, #tpu.memory_space<vmem>>, vector<256x768xf32>
    tpu.vector_store %arg9[%swap3A_33, %swap3A_34], %dot_general3A_32 {strides = array<i32>} : memref<256x768xf32, #tpu.memory_space<vmem>>, vector<256x768xf32>,
    %get3A_36 = arith.constant 0 : index
    %get3A_37 = arith.constant 0 : index
    %get3A_38 = vector.load %arg6[%get3A_36, %get3A_37] : memref<768x36xf32, #tpu.memory_space<vmem>>, vector<768x36xf32>
    %dot_general3A_39 = arith.constant dense<0.000000e+00> : vector<256x36xf32>
    %dot_general3A_40 = tpu.matmul %mul3A_13, %get3A_38, %dot_general3A_39 {dimension_numbers = #tpu.dot_dimension_numbers<[1], [0], [0], [1], [0, 0, 1, 1], [], []>, transpose_lhs_hint = false} : vector<256x768xf32>, vector<768x36xf32>, vector<256x36xf32> -> vector<256x36xf32>
    %swap3A_41 = arith.constant 0 : index
    %swap3A_42 = arith.constant 0 : index
    %swap3A_43 = vector.load %arg10[%swap3A_41, %swap3A_42] : memref<256x36xf32, #tpu.memory_space<vmem>>, vector<256x36xf32>
    tpu.vector_store %arg10[%swap3A_41, %swap3A_42], %dot_general3A_40 {strides = array<i32>} : memref<256x36xf32, #tpu.memory_space<vmem>>, vector<256x36xf32>,
    return
  }
  func.func @transform_0(%arg0: i32) -> (i32, i32) {
    %c0_i32 = arith.constant 0 : i32
    %c0_i32_0 = arith.constant 0 : i32
    return %arg0, %c0_i32 : i32, i32
  }
  func.func @transform_1(%arg0: i32) -> (i32, i32) {
    %c0_i32 = arith.constant 0 : i32
    %c0_i32_0 = arith.constant 0 : i32
    %c0_i32_1 = arith.constant 0 : i32
    return %c0_i32, %c0_i32_0 : i32, i32
  }
  func.func @transform_2(%arg0: i32) -> (i32, i32) {
    %c0_i32 = arith.constant 0 : i32
    %c0_i32_0 = arith.constant 0 : i32
    %c0_i32_1 = arith.constant 0 : i32
    return %c0_i32, %c0_i32_0 : i32, i32
  }
  func.func @transform_3(%arg0: i32) -> (i32, i32) {
    %c0_i32 = arith.constant 0 : i32
    %c0_i32_0 = arith.constant 0 : i32
    %c0_i32_1 = arith.constant 0 : i32
    return %c0_i32, %c0_i32_0 : i32, i32
  }
  func.func @transform_4(%arg0: i32) -> (i32, i32) {
    %c0_i32 = arith.constant 0 : i32
    %c0_i32_0 = arith.constant 0 : i32
    %c0_i32_1 = arith.constant 0 : i32
    return %c0_i32, %c0_i32_0 : i32, i32
  }
  func.func @transform_5(%arg0: i32) -> (i32, i32) {
    %c0_i32 = arith.constant 0 : i32
    %c0_i32_0 = arith.constant 0 : i32
    %c0_i32_1 = arith.constant 0 : i32
    return %c0_i32, %c0_i32_0 : i32, i32
  }
  func.func @transform_6(%arg0: i32) -> (i32, i32) {
    %c0_i32 = arith.constant 0 : i32
    %c0_i32_0 = arith.constant 0 : i32
    return %arg0, %c0_i32 : i32, i32
  }
  func.func @transform_7(%arg0: i32) -> (i32, i32) {
    %c0_i32 = arith.constant 0 : i32
    %c0_i32_0 = arith.constant 0 : i32
    return %arg0, %c0_i32 : i32, i32
  }
  func.func @transform_8(%arg0: i32) -> (i32, i32) {
    %c0_i32 = arith.constant 0 : i32
    %c0_i32_0 = arith.constant 0 : i32
    return %arg0, %c0_i32 : i32, i32
  }
  func.func @transform_9(%arg0: i32) -> (i32, i32) {
    %c0_i32 = arith.constant 0 : i32
    %c0_i32_0 = arith.constant 0 : i32
    return %arg0, %c0_i32 : i32, i32
  }
}

module attributes {stable_mosaic.version = 14 : i64} {
  func.func @_cmlp_kernel(%arg0: i32, %arg1: memref<768x1024xf32, #tpu.memory_space<vmem>>, %arg2: memref<768x1024xf32, #tpu.memory_space<vmem>>, %arg3: memref<768x1024xf32, #tpu.memory_space<vmem>>, %arg4: memref<768x1024xf32, #tpu.memory_space<vmem>>, %arg5: memref<1024x1024xf32, #tpu.memory_space<vmem>>, %arg6: memref<1x1024xf32, #tpu.memory_space<vmem>>, %arg7: memref<1024x64xf32, #tpu.memory_space<vmem>>, %arg8: memref<1x64xf32, #tpu.memory_space<vmem>>, %arg9: memref<1024x1024xf32, #tpu.memory_space<vmem>>, %arg10: memref<1x1024xf32, #tpu.memory_space<vmem>>, %arg11: memref<1024x64xf32, #tpu.memory_space<vmem>>, %arg12: memref<1x64xf32, #tpu.memory_space<vmem>>, %arg13: memref<768x64xf32, #tpu.memory_space<vmem>>, %arg14: memref<768x64xf32, #tpu.memory_space<vmem>>) attributes {dimension_semantics = [#tpu.dimension_semantics<arbitrary>], iteration_bounds = array<i64: 2>, scalar_prefetch = 0 : i64, scratch_operands = 0 : i64, tpu.core_type = #tpu.core_type<tc>, window_params = [{transform_indices = @transform_0, window_bounds = array<i64: 768, 1024>}, {transform_indices = @transform_1, window_bounds = array<i64: 768, 1024>}, {transform_indices = @transform_2, window_bounds = array<i64: 768, 1024>}, {transform_indices = @transform_3, window_bounds = array<i64: 768, 1024>}, {pipeline_mode = #tpu.pipeline_mode<synchronous>, transform_indices = @transform_4, window_bounds = array<i64: 1024, 1024>}, {pipeline_mode = #tpu.pipeline_mode<synchronous>, transform_indices = @transform_5, window_bounds = array<i64: 1, 1024>}, {pipeline_mode = #tpu.pipeline_mode<synchronous>, transform_indices = @transform_6, window_bounds = array<i64: 1024, 64>}, {pipeline_mode = #tpu.pipeline_mode<synchronous>, transform_indices = @transform_7, window_bounds = array<i64: 1, 64>}, {pipeline_mode = #tpu.pipeline_mode<synchronous>, transform_indices = @transform_8, window_bounds = array<i64: 1024, 1024>}, {pipeline_mode = #tpu.pipeline_mode<synchronous>, transform_indices = @transform_9, window_bounds = array<i64: 1, 1024>}, {pipeline_mode = #tpu.pipeline_mode<synchronous>, transform_indices = @transform_10, window_bounds = array<i64: 1024, 64>}, {pipeline_mode = #tpu.pipeline_mode<synchronous>, transform_indices = @transform_11, window_bounds = array<i64: 1, 64>}, {transform_indices = @transform_12, window_bounds = array<i64: 768, 64>}, {transform_indices = @transform_13, window_bounds = array<i64: 768, 64>}]} {
    %get3A = arith.constant 0 : index
    %get3A_0 = arith.constant 0 : index
    %get3A_1 = vector.load %arg1[%get3A, %get3A_0] : memref<768x1024xf32, #tpu.memory_space<vmem>>, vector<768x1024xf32>
    %get3A_2 = arith.constant 0 : index
    %get3A_3 = arith.constant 0 : index
    %get3A_4 = vector.load %arg3[%get3A_2, %get3A_3] : memref<768x1024xf32, #tpu.memory_space<vmem>>, vector<768x1024xf32>
    %add3A = arith.addf %get3A_1, %get3A_4 : vector<768x1024xf32>
    %get3A_5 = arith.constant 0 : index
    %get3A_6 = arith.constant 0 : index
    %get3A_7 = vector.load %arg2[%get3A_5, %get3A_6] : memref<768x1024xf32, #tpu.memory_space<vmem>>, vector<768x1024xf32>
    %get3A_8 = arith.constant 0 : index
    %get3A_9 = arith.constant 0 : index
    %get3A_10 = vector.load %arg4[%get3A_8, %get3A_9] : memref<768x1024xf32, #tpu.memory_space<vmem>>, vector<768x1024xf32>
    %add3A_11 = arith.addf %get3A_7, %get3A_10 : vector<768x1024xf32>
    %get3A_12 = arith.constant 0 : index
    %get3A_13 = arith.constant 0 : index
    %get3A_14 = vector.load %arg5[%get3A_12, %get3A_13] : memref<1024x1024xf32, #tpu.memory_space<vmem>>, vector<1024x1024xf32>
    %dot_general3A = arith.constant dense<0.000000e+00> : vector<768x1024xf32>
    %dot_general3A_15 = tpu.matmul %add3A, %get3A_14, %dot_general3A {dimension_numbers = #tpu.dot_dimension_numbers<[1], [0], [0], [1], [0, 0, 1, 1], [], []>, transpose_lhs_hint = false} : vector<768x1024xf32>, vector<1024x1024xf32>, vector<768x1024xf32> -> vector<768x1024xf32>
    %get3A_16 = arith.constant 0 : index
    %get3A_17 = arith.constant 0 : index
    %get3A_18 = vector.load %arg6[%get3A_16, %get3A_17] : memref<1x1024xf32, #tpu.memory_space<vmem>>, vector<1x1024xf32>
    %add3A_19 = vector.broadcast %get3A_18 : vector<1x1024xf32> to vector<768x1024xf32>
    %add3A_20 = arith.addf %dot_general3A_15, %add3A_19 : vector<768x1024xf32>
    %max3A = arith.constant 0.000000e+00 : f32
    %max3A_21 = vector.broadcast %max3A : f32 to vector<768x1024xf32>
    %max3A_22 = arith.maximumf %add3A_20, %max3A_21 : vector<768x1024xf32>
    %get3A_23 = arith.constant 0 : index
    %get3A_24 = arith.constant 0 : index
    %get3A_25 = vector.load %arg7[%get3A_23, %get3A_24] : memref<1024x64xf32, #tpu.memory_space<vmem>>, vector<1024x64xf32>
    %dot_general3A_26 = arith.constant dense<0.000000e+00> : vector<768x64xf32>
    %dot_general3A_27 = tpu.matmul %max3A_22, %get3A_25, %dot_general3A_26 {dimension_numbers = #tpu.dot_dimension_numbers<[1], [0], [0], [1], [0, 0, 1, 1], [], []>, transpose_lhs_hint = false} : vector<768x1024xf32>, vector<1024x64xf32>, vector<768x64xf32> -> vector<768x64xf32>
    %get3A_28 = arith.constant 0 : index
    %get3A_29 = arith.constant 0 : index
    %get3A_30 = vector.load %arg8[%get3A_28, %get3A_29] : memref<1x64xf32, #tpu.memory_space<vmem>>, vector<1x64xf32>
    %add3A_31 = vector.broadcast %get3A_30 : vector<1x64xf32> to vector<768x64xf32>
    %add3A_32 = arith.addf %dot_general3A_27, %add3A_31 : vector<768x64xf32>
    %swap3A = arith.constant 0 : index
    %swap3A_33 = arith.constant 0 : index
    %swap3A_34 = vector.load %arg13[%swap3A, %swap3A_33] : memref<768x64xf32, #tpu.memory_space<vmem>>, vector<768x64xf32>
    tpu.vector_store %arg13[%swap3A, %swap3A_33], %add3A_32 {strides = array<i32>} : memref<768x64xf32, #tpu.memory_space<vmem>>, vector<768x64xf32>,
    %get3A_35 = arith.constant 0 : index
    %get3A_36 = arith.constant 0 : index
    %get3A_37 = vector.load %arg9[%get3A_35, %get3A_36] : memref<1024x1024xf32, #tpu.memory_space<vmem>>, vector<1024x1024xf32>
    %dot_general3A_38 = arith.constant dense<0.000000e+00> : vector<768x1024xf32>
    %dot_general3A_39 = tpu.matmul %add3A_11, %get3A_37, %dot_general3A_38 {dimension_numbers = #tpu.dot_dimension_numbers<[1], [0], [0], [1], [0, 0, 1, 1], [], []>, transpose_lhs_hint = false} : vector<768x1024xf32>, vector<1024x1024xf32>, vector<768x1024xf32> -> vector<768x1024xf32>
    %get3A_40 = arith.constant 0 : index
    %get3A_41 = arith.constant 0 : index
    %get3A_42 = vector.load %arg10[%get3A_40, %get3A_41] : memref<1x1024xf32, #tpu.memory_space<vmem>>, vector<1x1024xf32>
    %add3A_43 = vector.broadcast %get3A_42 : vector<1x1024xf32> to vector<768x1024xf32>
    %add3A_44 = arith.addf %dot_general3A_39, %add3A_43 : vector<768x1024xf32>
    %max3A_45 = arith.constant 0.000000e+00 : f32
    %max3A_46 = vector.broadcast %max3A_45 : f32 to vector<768x1024xf32>
    %max3A_47 = arith.maximumf %add3A_44, %max3A_46 : vector<768x1024xf32>
    %get3A_48 = arith.constant 0 : index
    %get3A_49 = arith.constant 0 : index
    %get3A_50 = vector.load %arg11[%get3A_48, %get3A_49] : memref<1024x64xf32, #tpu.memory_space<vmem>>, vector<1024x64xf32>
    %dot_general3A_51 = arith.constant dense<0.000000e+00> : vector<768x64xf32>
    %dot_general3A_52 = tpu.matmul %max3A_47, %get3A_50, %dot_general3A_51 {dimension_numbers = #tpu.dot_dimension_numbers<[1], [0], [0], [1], [0, 0, 1, 1], [], []>, transpose_lhs_hint = false} : vector<768x1024xf32>, vector<1024x64xf32>, vector<768x64xf32> -> vector<768x64xf32>
    %get3A_53 = arith.constant 0 : index
    %get3A_54 = arith.constant 0 : index
    %get3A_55 = vector.load %arg12[%get3A_53, %get3A_54] : memref<1x64xf32, #tpu.memory_space<vmem>>, vector<1x64xf32>
    %add3A_56 = vector.broadcast %get3A_55 : vector<1x64xf32> to vector<768x64xf32>
    %add3A_57 = arith.addf %dot_general3A_52, %add3A_56 : vector<768x64xf32>
    %swap3A_58 = arith.constant 0 : index
    %swap3A_59 = arith.constant 0 : index
    %swap3A_60 = vector.load %arg14[%swap3A_58, %swap3A_59] : memref<768x64xf32, #tpu.memory_space<vmem>>, vector<768x64xf32>
    tpu.vector_store %arg14[%swap3A_58, %swap3A_59], %add3A_57 {strides = array<i32>} : memref<768x64xf32, #tpu.memory_space<vmem>>, vector<768x64xf32>,
    return
  }
  func.func @transform_0(%arg0: i32) -> (i32, i32) {
    %c0_i32 = arith.constant 0 : i32
    %c0_i32_0 = arith.constant 0 : i32
    return %arg0, %c0_i32 : i32, i32
  }
  func.func @transform_1(%arg0: i32) -> (i32, i32) {
    %c0_i32 = arith.constant 0 : i32
    %c0_i32_0 = arith.constant 0 : i32
    return %arg0, %c0_i32 : i32, i32
  }
  func.func @transform_2(%arg0: i32) -> (i32, i32) {
    %c0_i32 = arith.constant 0 : i32
    %c0_i32_0 = arith.constant 0 : i32
    return %arg0, %c0_i32 : i32, i32
  }
  func.func @transform_3(%arg0: i32) -> (i32, i32) {
    %c0_i32 = arith.constant 0 : i32
    %c0_i32_0 = arith.constant 0 : i32
    return %arg0, %c0_i32 : i32, i32
  }
  func.func @transform_4(%arg0: i32) -> (i32, i32) {
    %c0_i32 = arith.constant 0 : i32
    %c0_i32_0 = arith.constant 0 : i32
    %c0_i32_1 = arith.constant 0 : i32
    return %c0_i32, %c0_i32_0 : i32, i32
  }
  func.func @transform_5(%arg0: i32) -> (i32, i32) {
    %c0_i32 = arith.constant 0 : i32
    %c0_i32_0 = arith.constant 0 : i32
    %c0_i32_1 = arith.constant 0 : i32
    return %c0_i32, %c0_i32_0 : i32, i32
  }
  func.func @transform_6(%arg0: i32) -> (i32, i32) {
    %c0_i32 = arith.constant 0 : i32
    %c0_i32_0 = arith.constant 0 : i32
    %c0_i32_1 = arith.constant 0 : i32
    return %c0_i32, %c0_i32_0 : i32, i32
  }
  func.func @transform_7(%arg0: i32) -> (i32, i32) {
    %c0_i32 = arith.constant 0 : i32
    %c0_i32_0 = arith.constant 0 : i32
    %c0_i32_1 = arith.constant 0 : i32
    return %c0_i32, %c0_i32_0 : i32, i32
  }
  func.func @transform_8(%arg0: i32) -> (i32, i32) {
    %c0_i32 = arith.constant 0 : i32
    %c0_i32_0 = arith.constant 0 : i32
    %c0_i32_1 = arith.constant 0 : i32
    return %c0_i32, %c0_i32_0 : i32, i32
  }
  func.func @transform_9(%arg0: i32) -> (i32, i32) {
    %c0_i32 = arith.constant 0 : i32
    %c0_i32_0 = arith.constant 0 : i32
    %c0_i32_1 = arith.constant 0 : i32
    return %c0_i32, %c0_i32_0 : i32, i32
  }
  func.func @transform_10(%arg0: i32) -> (i32, i32) {
    %c0_i32 = arith.constant 0 : i32
    %c0_i32_0 = arith.constant 0 : i32
    %c0_i32_1 = arith.constant 0 : i32
    return %c0_i32, %c0_i32_0 : i32, i32
  }
  func.func @transform_11(%arg0: i32) -> (i32, i32) {
    %c0_i32 = arith.constant 0 : i32
    %c0_i32_0 = arith.constant 0 : i32
    %c0_i32_1 = arith.constant 0 : i32
    return %c0_i32, %c0_i32_0 : i32, i32
  }
  func.func @transform_12(%arg0: i32) -> (i32, i32) {
    %c0_i32 = arith.constant 0 : i32
    %c0_i32_0 = arith.constant 0 : i32
    return %arg0, %c0_i32 : i32, i32
  }
  func.func @transform_13(%arg0: i32) -> (i32, i32) {
    %c0_i32 = arith.constant 0 : i32
    %c0_i32_0 = arith.constant 0 : i32
    return %arg0, %c0_i32 : i32, i32
  }
}

module attributes {stable_mosaic.version = 14 : i64} {
  func.func @_ce_kernel(%arg0: i32, %arg1: i32, %arg2: memref<256x128xf32, #tpu.memory_space<vmem>>, %arg3: memref<2048x128xf32, #tpu.memory_space<vmem>>, %arg4: memref<2048x128xf32, #tpu.memory_space<vmem>>, %arg5: memref<2x132x64xf32, #tpu.memory_space<vmem>>, %arg6: memref<2x132x64xf32, #tpu.memory_space<vmem>>, %arg7: memref<2048x64xf32, #tpu.memory_space<vmem>>, %arg8: memref<2048x64xf32, #tpu.memory_space<vmem>>, %arg9: memref<64x64xf32, #tpu.memory_space<vmem>>, %arg10: memref<16x256xf32, #tpu.memory_space<vmem>>, %arg11: memref<256x128xf32, #tpu.memory_space<vmem>>, %arg12: memref<256x128xf32, #tpu.memory_space<vmem>>, %arg13: memref<256x128xf32, #tpu.memory_space<vmem>>, %arg14: memref<2x2048x64xf32, #tpu.memory_space<vmem>>, %arg15: memref<2x2048x128xf32, #tpu.memory_space<vmem>>, %arg16: memref<1x2xf32, #tpu.memory_space<vmem>>) attributes {dimension_semantics = [#tpu.dimension_semantics<arbitrary>, #tpu.dimension_semantics<arbitrary>], iteration_bounds = array<i64: 6, 8>, scalar_prefetch = 0 : i64, scratch_operands = 3 : i64, tpu.core_type = #tpu.core_type<tc>, window_params = [{transform_indices = @transform_0, window_bounds = array<i64: 256, 128>}, {transform_indices = @transform_1, window_bounds = array<i64: 2048, 128>}, {transform_indices = @transform_2, window_bounds = array<i64: 2048, 128>}, {transform_indices = @transform_3, window_bounds = array<i64: 2, 132, 64>}, {transform_indices = @transform_4, window_bounds = array<i64: 2, 132, 64>}, {pipeline_mode = #tpu.pipeline_mode<synchronous>, transform_indices = @transform_5, window_bounds = array<i64: 2048, 64>}, {pipeline_mode = #tpu.pipeline_mode<synchronous>, transform_indices = @transform_6, window_bounds = array<i64: 2048, 64>}, {pipeline_mode = #tpu.pipeline_mode<synchronous>, transform_indices = @transform_7, window_bounds = array<i64: 64, 64>}, {pipeline_mode = #tpu.pipeline_mode<synchronous>, transform_indices = @transform_8, window_bounds = array<i64: 16, 256>}, {transform_indices = @transform_9, window_bounds = array<i64: 256, 128>}, {transform_indices = @transform_10, window_bounds = array<i64: 256, 128>}, {transform_indices = @transform_11, window_bounds = array<i64: 256, 128>}]} {
    %get3A = arith.constant 0 : index
    %get3A_0 = arith.constant 0 : index
    %get3A_1 = vector.load %arg9[%get3A, %get3A_0] : memref<64x64xf32, #tpu.memory_space<vmem>>, vector<64x64xf32>
    %eq3A = arith.constant 0 : i32
    %eq3A_2 = arith.cmpi eq, %arg1, %eq3A : i32
    %convert_element_type3A = arith.extui %eq3A_2 : i1 to i32
    %cond3A = arith.constant 0 : i32
    %cond3A_3 = arith.cmpi ne, %convert_element_type3A, %cond3A : i32
    scf.if %cond3A_3 {
      %iota3A_1411 = tpu.iota {dimensions = array<i32: 1>} : vector<2048x64xi32>
      %eq3A_1412 = arith.constant 0 : i32
      %eq3A_1413 = vector.broadcast %eq3A_1412 : i32 to vector<2048x64xi32>
      %eq3A_1414 = arith.cmpi eq, %iota3A_1411, %eq3A_1413 : vector<2048x64xi32>
      %jit3A_1415 = arith.constant 1.000000e+00 : f32
      %jit3A_1416 = arith.constant 0.000000e+00 : f32
      %broadcast_in_dim3A_1417 = vector.broadcast %jit3A_1415 : f32 to vector<2048x64xf32>
      %broadcast_in_dim3A_1418 = vector.broadcast %jit3A_1416 : f32 to vector<2048x64xf32>
      %select_n3A_1419 = arith.select %eq3A_1414, %broadcast_in_dim3A_1417, %broadcast_in_dim3A_1418 : vector<2048x64xi1>, vector<2048x64xf32>
      %get3A_1420 = arith.constant 0 : index
      %get3A_1421 = arith.constant 0 : index
      %get3A_1422 = vector.load %arg3[%get3A_1420, %get3A_1421] : memref<2048x128xf32, #tpu.memory_space<vmem>>, vector<2048x64xf32>
      %get3A_1423 = arith.constant 0 : index
      %get3A_1424 = arith.constant 0 : index
      %get3A_1425 = vector.load %arg7[%get3A_1423, %get3A_1424] : memref<2048x64xf32, #tpu.memory_space<vmem>>, vector<2048x64xf32>
      %mul3A_1426 = arith.mulf %get3A_1422, %get3A_1425 : vector<2048x64xf32>
      %dot_general3A_1427 = arith.constant dense<0.000000e+00> : vector<2048x64xf32>
      %dot_general3A_1428 = tpu.matmul %get3A_1422, %get3A_1, %dot_general3A_1427 {dimension_numbers = #tpu.dot_dimension_numbers<[1], [0], [0], [1], [0, 0, 1, 1], [], []>, transpose_lhs_hint = false} : vector<2048x64xf32>, vector<64x64xf32>, vector<2048x64xf32> -> vector<2048x64xf32>
      %get3A_1429 = arith.constant 0 : index
      %get3A_1430 = arith.constant 0 : index
      %get3A_1431 = vector.load %arg8[%get3A_1429, %get3A_1430] : memref<2048x64xf32, #tpu.memory_space<vmem>>, vector<2048x64xf32>
      %mul3A_1432 = arith.mulf %dot_general3A_1428, %get3A_1431 : vector<2048x64xf32>
      %add3A_1433 = arith.addf %mul3A_1426, %mul3A_1432 : vector<2048x64xf32>
      %swap3A_1434 = arith.constant 0 : index
      %swap3A_1435 = arith.constant 0 : index
      %swap3A_1436 = arith.constant 0 : index
      %swap3A_1437 = vector.load %arg14[%swap3A_1434, %swap3A_1435, %swap3A_1436] : memref<2x2048x64xf32, #tpu.memory_space<vmem>>, vector<1x2048x64xf32>
      %swap3A_1438 = vector.shape_cast %swap3A_1437 : vector<1x2048x64xf32> to vector<2048x64xf32>
      %swap3A_1439 = vector.shape_cast %add3A_1433 : vector<2048x64xf32> to vector<1x2048x64xf32>
      tpu.vector_store %arg14[%swap3A_1434, %swap3A_1435, %swap3A_1436], %swap3A_1439 {strides = array<i32>} : memref<2x2048x64xf32, #tpu.memory_space<vmem>>, vector<1x2048x64xf32>,
      %get3A_1440 = arith.constant 0 : index
      %get3A_1441 = arith.constant 0 : index
      %get3A_1442 = vector.load %arg4[%get3A_1440, %get3A_1441] : memref<2048x128xf32, #tpu.memory_space<vmem>>, vector<2048x64xf32>
      %swap3A_1443 = arith.constant 0 : index
      %swap3A_1444 = arith.constant 0 : index
      %swap3A_1445 = arith.constant 0 : index
      %swap3A_1446 = vector.load %arg15[%swap3A_1443, %swap3A_1444, %swap3A_1445] : memref<2x2048x128xf32, #tpu.memory_space<vmem>>, vector<1x2048x64xf32>
      %swap3A_1447 = vector.shape_cast %swap3A_1446 : vector<1x2048x64xf32> to vector<2048x64xf32>
      %swap3A_1448 = vector.shape_cast %get3A_1442 : vector<2048x64xf32> to vector<1x2048x64xf32>
      tpu.vector_store %arg15[%swap3A_1443, %swap3A_1444, %swap3A_1445], %swap3A_1448 {strides = array<i32>} : memref<2x2048x128xf32, #tpu.memory_space<vmem>>, vector<1x2048x64xf32>,
      %swap3A_1449 = arith.constant 0 : index
      %swap3A_1450 = arith.constant 0 : index
      %swap3A_1451 = arith.constant 64 : index
      %swap3A_1452 = vector.load %arg15[%swap3A_1449, %swap3A_1450, %swap3A_1451] : memref<2x2048x128xf32, #tpu.memory_space<vmem>>, vector<1x2048x64xf32>
      %swap3A_1453 = vector.shape_cast %swap3A_1452 : vector<1x2048x64xf32> to vector<2048x64xf32>
      %swap3A_1454 = vector.shape_cast %select_n3A_1419 : vector<2048x64xf32> to vector<1x2048x64xf32>
      tpu.vector_store %arg15[%swap3A_1449, %swap3A_1450, %swap3A_1451], %swap3A_1454 {strides = array<i32>} : memref<2x2048x128xf32, #tpu.memory_space<vmem>>, vector<1x2048x64xf32>,
      %mul3A_1455 = arith.mulf %add3A_1433, %add3A_1433 : vector<2048x64xf32>
      %reduce_sum3A_1456 = arith.constant dense<0.000000e+00> : vector<2048xf32>
      %reduce_sum3A_1457 = vector.multi_reduction <add>, %mul3A_1455, %reduce_sum3A_1456 [1] : vector<2048x64xf32> to vector<2048xf32>
      %broadcast_in_dim3A_1458 = vector.shape_cast %reduce_sum3A_1457 : vector<2048xf32> to vector<2048x1xf32>
      %reduce_max3A_1459 = arith.constant dense<0xFF800000> : vector<1xf32>
      %reduce_max3A_1460 = vector.multi_reduction <maximumf>, %broadcast_in_dim3A_1458, %reduce_max3A_1459 [0] : vector<2048x1xf32> to vector<1xf32>
      %broadcast_in_dim3A_1461 = vector.shape_cast %reduce_max3A_1460 : vector<1xf32> to vector<1x1xf32>
      %swap3A_1462 = arith.constant 0 : index
      %swap3A_1463 = arith.constant 0 : index
      %swap3A_1464 = vector.load %arg16[%swap3A_1462, %swap3A_1463] : memref<1x2xf32, #tpu.memory_space<vmem>>, vector<1x1xf32>
      tpu.vector_store %arg16[%swap3A_1462, %swap3A_1463], %broadcast_in_dim3A_1461 {strides = array<i32>} : memref<1x2xf32, #tpu.memory_space<vmem>>, vector<1x1xf32>,
      %get3A_1465 = arith.constant 0 : index
      %get3A_1466 = arith.constant 64 : index
      %get3A_1467 = vector.load %arg3[%get3A_1465, %get3A_1466] : memref<2048x128xf32, #tpu.memory_space<vmem>>, vector<2048x64xf32>
      %get3A_1468 = arith.constant 0 : index
      %get3A_1469 = arith.constant 0 : index
      %get3A_1470 = vector.load %arg7[%get3A_1468, %get3A_1469] : memref<2048x64xf32, #tpu.memory_space<vmem>>, vector<2048x64xf32>
      %mul3A_1471 = arith.mulf %get3A_1467, %get3A_1470 : vector<2048x64xf32>
      %dot_general3A_1472 = arith.constant dense<0.000000e+00> : vector<2048x64xf32>
      %dot_general3A_1473 = tpu.matmul %get3A_1467, %get3A_1, %dot_general3A_1472 {dimension_numbers = #tpu.dot_dimension_numbers<[1], [0], [0], [1], [0, 0, 1, 1], [], []>, transpose_lhs_hint = false} : vector<2048x64xf32>, vector<64x64xf32>, vector<2048x64xf32> -> vector<2048x64xf32>
      %get3A_1474 = arith.constant 0 : index
      %get3A_1475 = arith.constant 0 : index
      %get3A_1476 = vector.load %arg8[%get3A_1474, %get3A_1475] : memref<2048x64xf32, #tpu.memory_space<vmem>>, vector<2048x64xf32>
      %mul3A_1477 = arith.mulf %dot_general3A_1473, %get3A_1476 : vector<2048x64xf32>
      %add3A_1478 = arith.addf %mul3A_1471, %mul3A_1477 : vector<2048x64xf32>
      %swap3A_1479 = arith.constant 1 : index
      %swap3A_1480 = arith.constant 0 : index
      %swap3A_1481 = arith.constant 0 : index
      %swap3A_1482 = vector.load %arg14[%swap3A_1479, %swap3A_1480, %swap3A_1481] : memref<2x2048x64xf32, #tpu.memory_space<vmem>>, vector<1x2048x64xf32>
      %swap3A_1483 = vector.shape_cast %swap3A_1482 : vector<1x2048x64xf32> to vector<2048x64xf32>
      %swap3A_1484 = vector.shape_cast %add3A_1478 : vector<2048x64xf32> to vector<1x2048x64xf32>
      tpu.vector_store %arg14[%swap3A_1479, %swap3A_1480, %swap3A_1481], %swap3A_1484 {strides = array<i32>} : memref<2x2048x64xf32, #tpu.memory_space<vmem>>, vector<1x2048x64xf32>,
      %get3A_1485 = arith.constant 0 : index
      %get3A_1486 = arith.constant 64 : index
      %get3A_1487 = vector.load %arg4[%get3A_1485, %get3A_1486] : memref<2048x128xf32, #tpu.memory_space<vmem>>, vector<2048x64xf32>
      %swap3A_1488 = arith.constant 1 : index
      %swap3A_1489 = arith.constant 0 : index
      %swap3A_1490 = arith.constant 0 : index
      %swap3A_1491 = vector.load %arg15[%swap3A_1488, %swap3A_1489, %swap3A_1490] : memref<2x2048x128xf32, #tpu.memory_space<vmem>>, vector<1x2048x64xf32>
      %swap3A_1492 = vector.shape_cast %swap3A_1491 : vector<1x2048x64xf32> to vector<2048x64xf32>
      %swap3A_1493 = vector.shape_cast %get3A_1487 : vector<2048x64xf32> to vector<1x2048x64xf32>
      tpu.vector_store %arg15[%swap3A_1488, %swap3A_1489, %swap3A_1490], %swap3A_1493 {strides = array<i32>} : memref<2x2048x128xf32, #tpu.memory_space<vmem>>, vector<1x2048x64xf32>,
      %swap3A_1494 = arith.constant 1 : index
      %swap3A_1495 = arith.constant 0 : index
      %swap3A_1496 = arith.constant 64 : index
      %swap3A_1497 = vector.load %arg15[%swap3A_1494, %swap3A_1495, %swap3A_1496] : memref<2x2048x128xf32, #tpu.memory_space<vmem>>, vector<1x2048x64xf32>
      %swap3A_1498 = vector.shape_cast %swap3A_1497 : vector<1x2048x64xf32> to vector<2048x64xf32>
      %swap3A_1499 = vector.shape_cast %select_n3A_1419 : vector<2048x64xf32> to vector<1x2048x64xf32>
      tpu.vector_store %arg15[%swap3A_1494, %swap3A_1495, %swap3A_1496], %swap3A_1499 {strides = array<i32>} : memref<2x2048x128xf32, #tpu.memory_space<vmem>>, vector<1x2048x64xf32>,
      %mul3A_1500 = arith.mulf %add3A_1478, %add3A_1478 : vector<2048x64xf32>
      %reduce_sum3A_1501 = arith.constant dense<0.000000e+00> : vector<2048xf32>
      %reduce_sum3A_1502 = vector.multi_reduction <add>, %mul3A_1500, %reduce_sum3A_1501 [1] : vector<2048x64xf32> to vector<2048xf32>
      %broadcast_in_dim3A_1503 = vector.shape_cast %reduce_sum3A_1502 : vector<2048xf32> to vector<2048x1xf32>
      %reduce_max3A_1504 = arith.constant dense<0xFF800000> : vector<1xf32>
      %reduce_max3A_1505 = vector.multi_reduction <maximumf>, %broadcast_in_dim3A_1503, %reduce_max3A_1504 [0] : vector<2048x1xf32> to vector<1xf32>
      %broadcast_in_dim3A_1506 = vector.shape_cast %reduce_max3A_1505 : vector<1xf32> to vector<1x1xf32>
      %swap3A_1507 = arith.constant 0 : index
      %swap3A_1508 = arith.constant 1 : index
      %swap3A_1509 = vector.load %arg16[%swap3A_1507, %swap3A_1508] : memref<1x2xf32, #tpu.memory_space<vmem>>, vector<1x1xf32>
      tpu.vector_store %arg16[%swap3A_1507, %swap3A_1508], %broadcast_in_dim3A_1506 {strides = array<i32>} : memref<1x2xf32, #tpu.memory_space<vmem>>, vector<1x1xf32>,
    } else {
    }
    %mul3A = arith.constant 256 : i32
    %mul3A_4 = arith.muli %arg1, %mul3A : i32
    %iota3A = tpu.iota {dimensions = array<i32: 0>} : vector<256x132xi32>
    %add3A = vector.broadcast %mul3A_4 : i32 to vector<256x132xi32>
    %add3A_5 = arith.addi %add3A, %iota3A : vector<256x132xi32>
    %iota3A_6 = tpu.iota {dimensions = array<i32: 1>} : vector<256x132xi32>
    %lt3A = arith.constant 4 : i32
    %lt3A_7 = vector.broadcast %lt3A : i32 to vector<256x132xi32>
    %lt3A_8 = arith.cmpi slt, %iota3A_6, %lt3A_7 : vector<256x132xi32>
    %sub3A = arith.constant 4 : i32
    %sub3A_9 = vector.broadcast %sub3A : i32 to vector<256x132xi32>
    %sub3A_10 = arith.subi %iota3A_6, %sub3A_9 : vector<256x132xi32>
    %add3A_11 = arith.constant 1 : i32
    %add3A_12 = vector.broadcast %add3A_11 : i32 to vector<256x132xi32>
    %add3A_13 = arith.addi %sub3A_10, %add3A_12 : vector<256x132xi32>
    %mul3A_14 = arith.constant 16 : i32
    %mul3A_15 = vector.broadcast %mul3A_14 : i32 to vector<256x132xi32>
    %mul3A_16 = arith.muli %add3A_13, %mul3A_15 : vector<256x132xi32>
    %sub3A_17 = arith.constant 1 : i32
    %sub3A_18 = vector.broadcast %sub3A_17 : i32 to vector<256x132xi32>
    %sub3A_19 = arith.subi %mul3A_16, %sub3A_18 : vector<256x132xi32>
    %jit3A = arith.constant -1 : i32
    %broadcast_in_dim3A = vector.broadcast %jit3A : i32 to vector<256x132xi32>
    %select_n3A = arith.select %lt3A_8, %broadcast_in_dim3A, %sub3A_19 : vector<256x132xi1>, vector<256x132xi32>
    %lt3A_20 = arith.cmpi slt, %select_n3A, %add3A_5 : vector<256x132xi32>
    %mul3A_21 = arith.constant 256 : i32
    %mul3A_22 = arith.muli %arg1, %mul3A_21 : i32
    %get3A_23 = arith.index_cast %mul3A_22 : i32 to index
    %get3A_24 = arith.constant 0 : index
    %get3A_25 = vector.load %arg7[%get3A_23, %get3A_24] : memref<2048x64xf32, #tpu.memory_space<vmem>>, vector<256x64xf32>
    %mul3A_26 = arith.constant 256 : i32
    %mul3A_27 = arith.muli %arg1, %mul3A_26 : i32
    %get3A_28 = arith.index_cast %mul3A_27 : i32 to index
    %get3A_29 = arith.constant 0 : index
    %get3A_30 = vector.load %arg8[%get3A_28, %get3A_29] : memref<2048x64xf32, #tpu.memory_space<vmem>>, vector<256x64xf32>
    %mul3A_31 = arith.constant 256 : i32
    %mul3A_32 = arith.muli %arg1, %mul3A_31 : i32
    %iota3A_33 = tpu.iota {dimensions = array<i32: 0>} : vector<256x1xi32>
    %add3A_34 = vector.broadcast %mul3A_32 : i32 to vector<256x1xi32>
    %add3A_35 = arith.addi %add3A_34, %iota3A_33 : vector<256x1xi32>
    %jit3A_36 = arith.constant 16 : i32
    %div3A = vector.broadcast %jit3A_36 : i32 to vector<256x1xi32>
    %div3A_37 = arith.divsi %add3A_35, %div3A : vector<256x1xi32>
    %sign3A = arith.constant 0 : i32
    %sign3A_38 = vector.broadcast %sign3A : i32 to vector<256x1xi32>
    %sign3A_39 = arith.cmpi sgt, %add3A_35, %sign3A_38 : vector<256x1xi32>
    %sign3A_40 = arith.extui %sign3A_39 : vector<256x1xi1> to vector<256x1xi32>
    %sign3A_41 = arith.constant 0 : i32
    %sign3A_42 = vector.broadcast %sign3A_41 : i32 to vector<256x1xi32>
    %sign3A_43 = arith.cmpi slt, %add3A_35, %sign3A_42 : vector<256x1xi32>
    %sign3A_44 = arith.extui %sign3A_43 : vector<256x1xi1> to vector<256x1xi32>
    %sign3A_45 = arith.subi %sign3A_40, %sign3A_44 : vector<256x1xi32>
    %sign3A_46 = arith.constant 0 : i32
    %sign3A_47 = arith.cmpi sgt, %jit3A_36, %sign3A_46 : i32
    %sign3A_48 = arith.extui %sign3A_47 : i1 to i32
    %sign3A_49 = arith.constant 0 : i32
    %sign3A_50 = arith.cmpi slt, %jit3A_36, %sign3A_49 : i32
    %sign3A_51 = arith.extui %sign3A_50 : i1 to i32
    %sign3A_52 = arith.subi %sign3A_48, %sign3A_51 : i32
    %ne3A = vector.broadcast %sign3A_52 : i32 to vector<256x1xi32>
    %ne3A_53 = arith.cmpi ne, %sign3A_45, %ne3A : vector<256x1xi32>
    %rem3A = vector.broadcast %jit3A_36 : i32 to vector<256x1xi32>
    %rem3A_54 = arith.remsi %add3A_35, %rem3A : vector<256x1xi32>
    %ne3A_55 = arith.constant 0 : i32
    %ne3A_56 = vector.broadcast %ne3A_55 : i32 to vector<256x1xi32>
    %ne3A_57 = arith.cmpi ne, %rem3A_54, %ne3A_56 : vector<256x1xi32>
    %and3A = arith.andi %ne3A_53, %ne3A_57 : vector<256x1xi1>
    %sub3A_58 = arith.constant 1 : i32
    %sub3A_59 = vector.broadcast %sub3A_58 : i32 to vector<256x1xi32>
    %sub3A_60 = arith.subi %div3A_37, %sub3A_59 : vector<256x1xi32>
    %select_n3A_61 = arith.select %and3A, %sub3A_60, %div3A_37 : vector<256x1xi1>, vector<256x1xi32>
    %get3A_62 = arith.constant 0 : index
    %get3A_63 = arith.constant 0 : index
    %get3A_64 = vector.load %arg10[%get3A_62, %get3A_63] : memref<16x256xf32, #tpu.memory_space<vmem>>, vector<16x256xf32>
    %iota3A_65 = tpu.iota {dimensions = array<i32: 1>} : vector<256x16xi32>
    %mul3A_66 = arith.constant 256 : i32
    %mul3A_67 = arith.muli %arg1, %mul3A_66 : i32
    %sub3A_68 = arith.constant 128 : i32
    %sub3A_69 = arith.subi %mul3A_67, %sub3A_68 : i32
    %max3A = arith.constant 0 : i32
    %max3A_70 = arith.maxsi %sub3A_69, %max3A : i32
    %multiple_of3A = tpu.assume_multiple %max3A_70, 128 : i32
    %iota3A_71 = tpu.iota {dimensions = array<i32: 1>} : vector<256x384xi32>
    %add3A_72 = vector.broadcast %multiple_of3A : i32 to vector<256x384xi32>
    %add3A_73 = arith.addi %add3A_72, %iota3A_71 : vector<256x384xi32>
    %mul3A_74 = arith.constant 256 : i32
    %mul3A_75 = arith.muli %arg1, %mul3A_74 : i32
    %iota3A_76 = tpu.iota {dimensions = array<i32: 0>} : vector<256x384xi32>
    %add3A_77 = vector.broadcast %mul3A_75 : i32 to vector<256x384xi32>
    %add3A_78 = arith.addi %add3A_77, %iota3A_76 : vector<256x384xi32>
    %le3A = arith.cmpi sle, %add3A_73, %add3A_78 : vector<256x384xi32>
    %sub3A_79 = arith.subi %add3A_78, %add3A_73 : vector<256x384xi32>
    %le3A_80 = arith.constant 64 : i32
    %le3A_81 = vector.broadcast %le3A_80 : i32 to vector<256x384xi32>
    %le3A_82 = arith.cmpi sle, %sub3A_79, %le3A_81 : vector<256x384xi32>
    %and3A_83 = arith.andi %le3A, %le3A_82 : vector<256x384xi1>
    %get3A_84 = arith.constant 0 : index
    %get3A_85 = arith.constant 0 : index
    %get3A_86 = vector.load %arg2[%get3A_84, %get3A_85] : memref<256x128xf32, #tpu.memory_space<vmem>>, vector<256x64xf32>
    %get3A_87 = arith.constant 0 : index
    %get3A_88 = arith.constant 0 : index
    %get3A_89 = arith.constant 0 : index
    %get3A_90 = vector.load %arg5[%get3A_87, %get3A_88, %get3A_89] : memref<2x132x64xf32, #tpu.memory_space<vmem>>, vector<1x132x64xf32>
    %get3A_91 = vector.shape_cast %get3A_90 : vector<1x132x64xf32> to vector<132x64xf32>
    %get3A_92 = arith.constant 0 : index
    %get3A_93 = arith.constant 0 : index
    %get3A_94 = arith.constant 0 : index
    %get3A_95 = vector.load %arg6[%get3A_92, %get3A_93, %get3A_94] : memref<2x132x64xf32, #tpu.memory_space<vmem>>, vector<1x132x64xf32>
    %get3A_96 = vector.shape_cast %get3A_95 : vector<1x132x64xf32> to vector<132x64xf32>
    %dot_general3A = arith.constant dense<0.000000e+00> : vector<256x132xf32>
    %dot_general3A_97 = tpu.matmul %get3A_86, %get3A_91, %dot_general3A {dimension_numbers = #tpu.dot_dimension_numbers<[1], [1], [0], [0], [0, 0, 1, 0], [], []>, transpose_lhs_hint = false} : vector<256x64xf32>, vector<132x64xf32>, vector<256x132xf32> -> vector<256x132xf32>
    %mul3A_98 = arith.constant 1.250000e-01 : f32
    %mul3A_99 = vector.broadcast %mul3A_98 : f32 to vector<256x132xf32>
    %mul3A_100 = arith.mulf %dot_general3A_97, %mul3A_99 : vector<256x132xf32>
    %jit3A_101 = arith.constant -1.000000e+30 : f32
    %broadcast_in_dim3A_102 = vector.broadcast %jit3A_101 : f32 to vector<256x132xf32>
    %select_n3A_103 = arith.select %lt3A_20, %mul3A_100, %broadcast_in_dim3A_102 : vector<256x132xi1>, vector<256x132xf32>
    %reduce_max3A = arith.constant dense<0xFF800000> : vector<256xf32>
    %reduce_max3A_104 = vector.multi_reduction <maximumf>, %select_n3A_103, %reduce_max3A [1] : vector<256x132xf32> to vector<256xf32>
    %broadcast_in_dim3A_105 = vector.shape_cast %reduce_max3A_104 : vector<256xf32> to vector<256x1xf32>
    %sub3A_106 = vector.broadcast %broadcast_in_dim3A_105 : vector<256x1xf32> to vector<256x132xf32>
    %sub3A_107 = arith.subf %select_n3A_103, %sub3A_106 : vector<256x132xf32>
    %exp3A = math.exp %sub3A_107 : vector<256x132xf32>
    %reduce_sum3A = arith.constant dense<0.000000e+00> : vector<256xf32>
    %reduce_sum3A_108 = vector.multi_reduction <add>, %exp3A, %reduce_sum3A [1] : vector<256x132xf32> to vector<256xf32>
    %broadcast_in_dim3A_109 = vector.shape_cast %reduce_sum3A_108 : vector<256xf32> to vector<256x1xf32>
    %div3A_110 = vector.broadcast %broadcast_in_dim3A_109 : vector<256x1xf32> to vector<256x132xf32>
    %div3A_111 = arith.divf %exp3A, %div3A_110 : vector<256x132xf32>
    %dot_general3A_112 = arith.constant dense<0.000000e+00> : vector<256x64xf32>
    %dot_general3A_113 = tpu.matmul %div3A_111, %get3A_96, %dot_general3A_112 {dimension_numbers = #tpu.dot_dimension_numbers<[1], [0], [0], [1], [0, 0, 1, 1], [], []>, transpose_lhs_hint = false} : vector<256x132xf32>, vector<132x64xf32>, vector<256x64xf32> -> vector<256x64xf32>
    %swap3A = arith.constant 0 : index
    %swap3A_114 = arith.constant 0 : index
    %swap3A_115 = vector.load %arg11[%swap3A, %swap3A_114] : memref<256x128xf32, #tpu.memory_space<vmem>>, vector<256x64xf32>
    tpu.vector_store %arg11[%swap3A, %swap3A_114], %dot_general3A_113 {strides = array<i32>} : memref<256x128xf32, #tpu.memory_space<vmem>>, vector<256x64xf32>,
    %bitcast_convert_type3A = tpu.bitcast %div3A_111 : vector<256x132xf32> -> vector<256x132xi32>
    %and3A_116 = arith.constant -256 : i32
    %and3A_117 = vector.broadcast %and3A_116 : i32 to vector<256x132xi32>
    %and3A_118 = arith.andi %bitcast_convert_type3A, %and3A_117 : vector<256x132xi32>
    %sub3A_119 = arith.constant 255 : i32
    %sub3A_120 = vector.broadcast %sub3A_119 : i32 to vector<256x132xi32>
    %sub3A_121 = arith.subi %sub3A_120, %iota3A_6 : vector<256x132xi32>
    %or3A = arith.ori %and3A_118, %sub3A_121 : vector<256x132xi32>
    %ge3A = arith.constant 4 : i32
    %ge3A_122 = vector.broadcast %ge3A : i32 to vector<256x132xi32>
    %ge3A_123 = arith.cmpi sge, %iota3A_6, %ge3A_122 : vector<256x132xi32>
    %jit3A_124 = arith.constant -1 : i32
    %broadcast_in_dim3A_125 = vector.broadcast %jit3A_124 : i32 to vector<256x132xi32>
    %select_n3A_126 = arith.select %ge3A_123, %or3A, %broadcast_in_dim3A_125 : vector<256x132xi1>, vector<256x132xi32>
    %reduce_max3A_127 = arith.constant dense<-2147483648> : vector<256xi32>
    %reduce_max3A_128 = vector.multi_reduction <maxsi>, %select_n3A_126, %reduce_max3A_127 [1] : vector<256x132xi32> to vector<256xi32>
    %broadcast_in_dim3A_129 = vector.shape_cast %reduce_max3A_128 : vector<256xi32> to vector<256x1xi32>
    %eq3A_130 = vector.broadcast %broadcast_in_dim3A_129 : vector<256x1xi32> to vector<256x132xi32>
    %eq3A_131 = arith.cmpi eq, %select_n3A_126, %eq3A_130 : vector<256x132xi32>
    %jit3A_132 = arith.constant -1 : i32
    %broadcast_in_dim3A_133 = vector.broadcast %jit3A_132 : i32 to vector<256x132xi32>
    %select_n3A_134 = arith.select %eq3A_131, %broadcast_in_dim3A_133, %select_n3A_126 : vector<256x132xi1>, vector<256x132xi32>
    %and3A_135 = arith.constant 255 : i32
    %and3A_136 = vector.broadcast %and3A_135 : i32 to vector<256x1xi32>
    %and3A_137 = arith.andi %broadcast_in_dim3A_129, %and3A_136 : vector<256x1xi32>
    %sub3A_138 = arith.constant 255 : i32
    %sub3A_139 = vector.broadcast %sub3A_138 : i32 to vector<256x1xi32>
    %sub3A_140 = arith.subi %sub3A_139, %and3A_137 : vector<256x1xi32>
    %sub3A_141 = arith.constant 4 : i32
    %sub3A_142 = vector.broadcast %sub3A_141 : i32 to vector<256x1xi32>
    %sub3A_143 = arith.subi %sub3A_140, %sub3A_142 : vector<256x1xi32>
    %and3A_144 = arith.constant -256 : i32
    %and3A_145 = vector.broadcast %and3A_144 : i32 to vector<256x1xi32>
    %and3A_146 = arith.andi %broadcast_in_dim3A_129, %and3A_145 : vector<256x1xi32>
    %bitcast_convert_type3A_147 = tpu.bitcast %and3A_146 : vector<256x1xi32> -> vector<256x1xf32>
    %gt3A = arith.constant 1.000000e-10 : f32
    %gt3A_148 = vector.broadcast %gt3A : f32 to vector<256x1xf32>
    %gt3A_149 = arith.cmpf ogt, %bitcast_convert_type3A_147, %gt3A_148 : vector<256x1xf32>
    %reduce_max3A_150 = arith.constant dense<-2147483648> : vector<256xi32>
    %reduce_max3A_151 = vector.multi_reduction <maxsi>, %select_n3A_134, %reduce_max3A_150 [1] : vector<256x132xi32> to vector<256xi32>
    %broadcast_in_dim3A_152 = vector.shape_cast %reduce_max3A_151 : vector<256xi32> to vector<256x1xi32>
    %eq3A_153 = vector.broadcast %broadcast_in_dim3A_152 : vector<256x1xi32> to vector<256x132xi32>
    %eq3A_154 = arith.cmpi eq, %select_n3A_134, %eq3A_153 : vector<256x132xi32>
    %jit3A_155 = arith.constant -1 : i32
    %broadcast_in_dim3A_156 = vector.broadcast %jit3A_155 : i32 to vector<256x132xi32>
    %select_n3A_157 = arith.select %eq3A_154, %broadcast_in_dim3A_156, %select_n3A_134 : vector<256x132xi1>, vector<256x132xi32>
    %and3A_158 = arith.constant 255 : i32
    %and3A_159 = vector.broadcast %and3A_158 : i32 to vector<256x1xi32>
    %and3A_160 = arith.andi %broadcast_in_dim3A_152, %and3A_159 : vector<256x1xi32>
    %sub3A_161 = arith.constant 255 : i32
    %sub3A_162 = vector.broadcast %sub3A_161 : i32 to vector<256x1xi32>
    %sub3A_163 = arith.subi %sub3A_162, %and3A_160 : vector<256x1xi32>
    %sub3A_164 = arith.constant 4 : i32
    %sub3A_165 = vector.broadcast %sub3A_164 : i32 to vector<256x1xi32>
    %sub3A_166 = arith.subi %sub3A_163, %sub3A_165 : vector<256x1xi32>
    %and3A_167 = arith.constant -256 : i32
    %and3A_168 = vector.broadcast %and3A_167 : i32 to vector<256x1xi32>
    %and3A_169 = arith.andi %broadcast_in_dim3A_152, %and3A_168 : vector<256x1xi32>
    %bitcast_convert_type3A_170 = tpu.bitcast %and3A_169 : vector<256x1xi32> -> vector<256x1xf32>
    %gt3A_171 = arith.constant 1.000000e-10 : f32
    %gt3A_172 = vector.broadcast %gt3A_171 : f32 to vector<256x1xf32>
    %gt3A_173 = arith.cmpf ogt, %bitcast_convert_type3A_170, %gt3A_172 : vector<256x1xf32>
    %reduce_max3A_174 = arith.constant dense<-2147483648> : vector<256xi32>
    %reduce_max3A_175 = vector.multi_reduction <maxsi>, %select_n3A_157, %reduce_max3A_174 [1] : vector<256x132xi32> to vector<256xi32>
    %broadcast_in_dim3A_176 = vector.shape_cast %reduce_max3A_175 : vector<256xi32> to vector<256x1xi32>
    %eq3A_177 = vector.broadcast %broadcast_in_dim3A_176 : vector<256x1xi32> to vector<256x132xi32>
    %eq3A_178 = arith.cmpi eq, %select_n3A_157, %eq3A_177 : vector<256x132xi32>
    %jit3A_179 = arith.constant -1 : i32
    %broadcast_in_dim3A_180 = vector.broadcast %jit3A_179 : i32 to vector<256x132xi32>
    %select_n3A_181 = arith.select %eq3A_178, %broadcast_in_dim3A_180, %select_n3A_157 : vector<256x132xi1>, vector<256x132xi32>
    %and3A_182 = arith.constant 255 : i32
    %and3A_183 = vector.broadcast %and3A_182 : i32 to vector<256x1xi32>
    %and3A_184 = arith.andi %broadcast_in_dim3A_176, %and3A_183 : vector<256x1xi32>
    %sub3A_185 = arith.constant 255 : i32
    %sub3A_186 = vector.broadcast %sub3A_185 : i32 to vector<256x1xi32>
    %sub3A_187 = arith.subi %sub3A_186, %and3A_184 : vector<256x1xi32>
    %sub3A_188 = arith.constant 4 : i32
    %sub3A_189 = vector.broadcast %sub3A_188 : i32 to vector<256x1xi32>
    %sub3A_190 = arith.subi %sub3A_187, %sub3A_189 : vector<256x1xi32>
    %and3A_191 = arith.constant -256 : i32
    %and3A_192 = vector.broadcast %and3A_191 : i32 to vector<256x1xi32>
    %and3A_193 = arith.andi %broadcast_in_dim3A_176, %and3A_192 : vector<256x1xi32>
    %bitcast_convert_type3A_194 = tpu.bitcast %and3A_193 : vector<256x1xi32> -> vector<256x1xf32>
    %gt3A_195 = arith.constant 1.000000e-10 : f32
    %gt3A_196 = vector.broadcast %gt3A_195 : f32 to vector<256x1xf32>
    %gt3A_197 = arith.cmpf ogt, %bitcast_convert_type3A_194, %gt3A_196 : vector<256x1xf32>
    %reduce_max3A_198 = arith.constant dense<-2147483648> : vector<256xi32>
    %reduce_max3A_199 = vector.multi_reduction <maxsi>, %select_n3A_181, %reduce_max3A_198 [1] : vector<256x132xi32> to vector<256xi32>
    %broadcast_in_dim3A_200 = vector.shape_cast %reduce_max3A_199 : vector<256xi32> to vector<256x1xi32>
    %and3A_201 = arith.constant 255 : i32
    %and3A_202 = vector.broadcast %and3A_201 : i32 to vector<256x1xi32>
    %and3A_203 = arith.andi %broadcast_in_dim3A_200, %and3A_202 : vector<256x1xi32>
    %sub3A_204 = arith.constant 255 : i32
    %sub3A_205 = vector.broadcast %sub3A_204 : i32 to vector<256x1xi32>
    %sub3A_206 = arith.subi %sub3A_205, %and3A_203 : vector<256x1xi32>
    %sub3A_207 = arith.constant 4 : i32
    %sub3A_208 = vector.broadcast %sub3A_207 : i32 to vector<256x1xi32>
    %sub3A_209 = arith.subi %sub3A_206, %sub3A_208 : vector<256x1xi32>
    %and3A_210 = arith.constant -256 : i32
    %and3A_211 = vector.broadcast %and3A_210 : i32 to vector<256x1xi32>
    %and3A_212 = arith.andi %broadcast_in_dim3A_200, %and3A_211 : vector<256x1xi32>
    %bitcast_convert_type3A_213 = tpu.bitcast %and3A_212 : vector<256x1xi32> -> vector<256x1xf32>
    %gt3A_214 = arith.constant 1.000000e-10 : f32
    %gt3A_215 = vector.broadcast %gt3A_214 : f32 to vector<256x1xf32>
    %gt3A_216 = arith.cmpf ogt, %bitcast_convert_type3A_213, %gt3A_215 : vector<256x1xf32>
    %mul3A_217 = arith.mulf %get3A_86, %get3A_25 : vector<256x64xf32>
    %dot_general3A_218 = arith.constant dense<0.000000e+00> : vector<256x64xf32>
    %dot_general3A_219 = tpu.matmul %get3A_86, %get3A_1, %dot_general3A_218 {dimension_numbers = #tpu.dot_dimension_numbers<[1], [0], [0], [1], [0, 0, 1, 1], [], []>, transpose_lhs_hint = false} : vector<256x64xf32>, vector<64x64xf32>, vector<256x64xf32> -> vector<256x64xf32>
    %mul3A_220 = arith.mulf %dot_general3A_219, %get3A_30 : vector<256x64xf32>
    %add3A_221 = arith.addf %mul3A_217, %mul3A_220 : vector<256x64xf32>
    %mul3A_222 = arith.constant 1.250000e-01 : f32
    %mul3A_223 = vector.broadcast %mul3A_222 : f32 to vector<256x64xf32>
    %mul3A_224 = arith.mulf %add3A_221, %mul3A_223 : vector<256x64xf32>
    %mul3A_225 = arith.mulf %mul3A_224, %mul3A_224 : vector<256x64xf32>
    %reduce_sum3A_226 = arith.constant dense<0.000000e+00> : vector<256xf32>
    %reduce_sum3A_227 = vector.multi_reduction <add>, %mul3A_225, %reduce_sum3A_226 [1] : vector<256x64xf32> to vector<256xf32>
    %broadcast_in_dim3A_228 = vector.shape_cast %reduce_sum3A_227 : vector<256xf32> to vector<256x1xf32>
    %sqrt3A = math.sqrt %broadcast_in_dim3A_228 : vector<256x1xf32>
    %get3A_229 = arith.constant 0 : index
    %get3A_230 = arith.constant 0 : index
    %get3A_231 = vector.load %arg16[%get3A_229, %get3A_230] : memref<1x2xf32, #tpu.memory_space<vmem>>, vector<1x1xf32>
    %sqrt3A_232 = math.sqrt %get3A_231 : vector<1x1xf32>
    %mul3A_233 = vector.broadcast %sqrt3A_232 : vector<1x1xf32> to vector<256x1xf32>
    %mul3A_234 = arith.mulf %sqrt3A, %mul3A_233 : vector<256x1xf32>
    %broadcast_in_dim3A_235 = arith.constant 0.000000e+00 : f32
    %broadcast_in_dim3A_236 = vector.broadcast %broadcast_in_dim3A_235 : f32 to vector<256x128xf32>
    %get3A_237 = arith.constant 0 : index
    %get3A_238 = arith.constant 0 : index
    %get3A_239 = arith.constant 0 : index
    %get3A_240 = vector.load %arg14[%get3A_237, %get3A_238, %get3A_239] : memref<2x2048x64xf32, #tpu.memory_space<vmem>>, vector<1x256x64xf32>
    %get3A_241 = vector.shape_cast %get3A_240 : vector<1x256x64xf32> to vector<256x64xf32>
    %get3A_242 = arith.constant 0 : index
    %get3A_243 = arith.constant 0 : index
    %get3A_244 = arith.constant 0 : index
    %get3A_245 = vector.load %arg15[%get3A_242, %get3A_243, %get3A_244] : memref<2x2048x128xf32, #tpu.memory_space<vmem>>, vector<1x256x128xf32>
    %get3A_246 = vector.shape_cast %get3A_245 : vector<1x256x128xf32> to vector<256x128xf32>
    %dot_general3A_247 = arith.constant dense<0.000000e+00> : vector<256x256xf32>
    %dot_general3A_248 = tpu.matmul %mul3A_224, %get3A_241, %dot_general3A_247 {dimension_numbers = #tpu.dot_dimension_numbers<[1], [1], [0], [0], [0, 0, 1, 0], [], []>, transpose_lhs_hint = false} : vector<256x64xf32>, vector<256x64xf32>, vector<256x256xf32> -> vector<256x256xf32>
    %broadcast_in_dim3A_249 = arith.constant 0.000000e+00 : f32
    %broadcast_in_dim3A_250 = vector.broadcast %broadcast_in_dim3A_249 : f32 to vector<256x16xf32>
    %add3A_251 = arith.constant 0 : i32
    %add3A_252 = vector.broadcast %add3A_251 : i32 to vector<256x16xi32>
    %add3A_253 = arith.addi %add3A_252, %iota3A_65 : vector<256x16xi32>
    %eq3A_254 = vector.broadcast %sub3A_143 : vector<256x1xi32> to vector<256x16xi32>
    %eq3A_255 = arith.cmpi eq, %eq3A_254, %add3A_253 : vector<256x16xi32>
    %and3A_256 = vector.broadcast %gt3A_149 : vector<256x1xi1> to vector<256x16xi1>
    %and3A_257 = arith.andi %eq3A_255, %and3A_256 : vector<256x16xi1>
    %convert_element_type3A_258 = arith.extui %and3A_257 : vector<256x16xi1> to vector<256x16xi32>
    %convert_element_type3A_259 = arith.sitofp %convert_element_type3A_258 : vector<256x16xi32> to vector<256x16xf32>
    %add3A_260 = arith.addf %broadcast_in_dim3A_250, %convert_element_type3A_259 : vector<256x16xf32>
    %eq3A_261 = vector.broadcast %sub3A_166 : vector<256x1xi32> to vector<256x16xi32>
    %eq3A_262 = arith.cmpi eq, %eq3A_261, %add3A_253 : vector<256x16xi32>
    %and3A_263 = vector.broadcast %gt3A_173 : vector<256x1xi1> to vector<256x16xi1>
    %and3A_264 = arith.andi %eq3A_262, %and3A_263 : vector<256x16xi1>
    %convert_element_type3A_265 = arith.extui %and3A_264 : vector<256x16xi1> to vector<256x16xi32>
    %convert_element_type3A_266 = arith.sitofp %convert_element_type3A_265 : vector<256x16xi32> to vector<256x16xf32>
    %add3A_267 = arith.addf %add3A_260, %convert_element_type3A_266 : vector<256x16xf32>
    %eq3A_268 = vector.broadcast %sub3A_190 : vector<256x1xi32> to vector<256x16xi32>
    %eq3A_269 = arith.cmpi eq, %eq3A_268, %add3A_253 : vector<256x16xi32>
    %and3A_270 = vector.broadcast %gt3A_197 : vector<256x1xi1> to vector<256x16xi1>
    %and3A_271 = arith.andi %eq3A_269, %and3A_270 : vector<256x16xi1>
    %convert_element_type3A_272 = arith.extui %and3A_271 : vector<256x16xi1> to vector<256x16xi32>
    %convert_element_type3A_273 = arith.sitofp %convert_element_type3A_272 : vector<256x16xi32> to vector<256x16xf32>
    %add3A_274 = arith.addf %add3A_267, %convert_element_type3A_273 : vector<256x16xf32>
    %eq3A_275 = vector.broadcast %sub3A_209 : vector<256x1xi32> to vector<256x16xi32>
    %eq3A_276 = arith.cmpi eq, %eq3A_275, %add3A_253 : vector<256x16xi32>
    %and3A_277 = vector.broadcast %gt3A_216 : vector<256x1xi1> to vector<256x16xi1>
    %and3A_278 = arith.andi %eq3A_276, %and3A_277 : vector<256x16xi1>
    %convert_element_type3A_279 = arith.extui %and3A_278 : vector<256x16xi1> to vector<256x16xi32>
    %convert_element_type3A_280 = arith.sitofp %convert_element_type3A_279 : vector<256x16xi32> to vector<256x16xf32>
    %add3A_281 = arith.addf %add3A_274, %convert_element_type3A_280 : vector<256x16xf32>
    %dot_general3A_282 = arith.constant dense<0.000000e+00> : vector<256x256xf32>
    %dot_general3A_283 = tpu.matmul %add3A_281, %get3A_64, %dot_general3A_282 {dimension_numbers = #tpu.dot_dimension_numbers<[1], [0], [0], [1], [0, 0, 1, 1], [], []>, transpose_lhs_hint = false} : vector<256x16xf32>, vector<16x256xf32>, vector<256x256xf32> -> vector<256x256xf32>
    %sub3A_284 = vector.broadcast %mul3A_234 : vector<256x1xf32> to vector<256x256xf32>
    %sub3A_285 = arith.subf %dot_general3A_248, %sub3A_284 : vector<256x256xf32>
    %exp3A_286 = math.exp %sub3A_285 : vector<256x256xf32>
    %mul3A_287 = arith.mulf %dot_general3A_283, %exp3A_286 : vector<256x256xf32>
    %dot_general3A_288 = arith.constant dense<0.000000e+00> : vector<256x128xf32>
    %dot_general3A_289 = tpu.matmul %mul3A_287, %get3A_246, %dot_general3A_288 {dimension_numbers = #tpu.dot_dimension_numbers<[1], [0], [0], [1], [0, 0, 1, 1], [], []>, transpose_lhs_hint = false} : vector<256x256xf32>, vector<256x128xf32>, vector<256x128xf32> -> vector<256x128xf32>
    %add3A_290 = arith.addf %broadcast_in_dim3A_236, %dot_general3A_289 : vector<256x128xf32>
    %get3A_291 = arith.constant 0 : index
    %get3A_292 = arith.constant 256 : index
    %get3A_293 = arith.constant 0 : index
    %get3A_294 = vector.load %arg14[%get3A_291, %get3A_292, %get3A_293] : memref<2x2048x64xf32, #tpu.memory_space<vmem>>, vector<1x256x64xf32>
    %get3A_295 = vector.shape_cast %get3A_294 : vector<1x256x64xf32> to vector<256x64xf32>
    %get3A_296 = arith.constant 0 : index
    %get3A_297 = arith.constant 256 : index
    %get3A_298 = arith.constant 0 : index
    %get3A_299 = vector.load %arg15[%get3A_296, %get3A_297, %get3A_298] : memref<2x2048x128xf32, #tpu.memory_space<vmem>>, vector<1x256x128xf32>
    %get3A_300 = vector.shape_cast %get3A_299 : vector<1x256x128xf32> to vector<256x128xf32>
    %dot_general3A_301 = arith.constant dense<0.000000e+00> : vector<256x256xf32>
    %dot_general3A_302 = tpu.matmul %mul3A_224, %get3A_295, %dot_general3A_301 {dimension_numbers = #tpu.dot_dimension_numbers<[1], [1], [0], [0], [0, 0, 1, 0], [], []>, transpose_lhs_hint = false} : vector<256x64xf32>, vector<256x64xf32>, vector<256x256xf32> -> vector<256x256xf32>
    %broadcast_in_dim3A_303 = arith.constant 0.000000e+00 : f32
    %broadcast_in_dim3A_304 = vector.broadcast %broadcast_in_dim3A_303 : f32 to vector<256x16xf32>
    %add3A_305 = arith.constant 16 : i32
    %add3A_306 = vector.broadcast %add3A_305 : i32 to vector<256x16xi32>
    %add3A_307 = arith.addi %add3A_306, %iota3A_65 : vector<256x16xi32>
    %eq3A_308 = vector.broadcast %sub3A_143 : vector<256x1xi32> to vector<256x16xi32>
    %eq3A_309 = arith.cmpi eq, %eq3A_308, %add3A_307 : vector<256x16xi32>
    %and3A_310 = vector.broadcast %gt3A_149 : vector<256x1xi1> to vector<256x16xi1>
    %and3A_311 = arith.andi %eq3A_309, %and3A_310 : vector<256x16xi1>
    %convert_element_type3A_312 = arith.extui %and3A_311 : vector<256x16xi1> to vector<256x16xi32>
    %convert_element_type3A_313 = arith.sitofp %convert_element_type3A_312 : vector<256x16xi32> to vector<256x16xf32>
    %add3A_314 = arith.addf %broadcast_in_dim3A_304, %convert_element_type3A_313 : vector<256x16xf32>
    %eq3A_315 = vector.broadcast %sub3A_166 : vector<256x1xi32> to vector<256x16xi32>
    %eq3A_316 = arith.cmpi eq, %eq3A_315, %add3A_307 : vector<256x16xi32>
    %and3A_317 = vector.broadcast %gt3A_173 : vector<256x1xi1> to vector<256x16xi1>
    %and3A_318 = arith.andi %eq3A_316, %and3A_317 : vector<256x16xi1>
    %convert_element_type3A_319 = arith.extui %and3A_318 : vector<256x16xi1> to vector<256x16xi32>
    %convert_element_type3A_320 = arith.sitofp %convert_element_type3A_319 : vector<256x16xi32> to vector<256x16xf32>
    %add3A_321 = arith.addf %add3A_314, %convert_element_type3A_320 : vector<256x16xf32>
    %eq3A_322 = vector.broadcast %sub3A_190 : vector<256x1xi32> to vector<256x16xi32>
    %eq3A_323 = arith.cmpi eq, %eq3A_322, %add3A_307 : vector<256x16xi32>
    %and3A_324 = vector.broadcast %gt3A_197 : vector<256x1xi1> to vector<256x16xi1>
    %and3A_325 = arith.andi %eq3A_323, %and3A_324 : vector<256x16xi1>
    %convert_element_type3A_326 = arith.extui %and3A_325 : vector<256x16xi1> to vector<256x16xi32>
    %convert_element_type3A_327 = arith.sitofp %convert_element_type3A_326 : vector<256x16xi32> to vector<256x16xf32>
    %add3A_328 = arith.addf %add3A_321, %convert_element_type3A_327 : vector<256x16xf32>
    %eq3A_329 = vector.broadcast %sub3A_209 : vector<256x1xi32> to vector<256x16xi32>
    %eq3A_330 = arith.cmpi eq, %eq3A_329, %add3A_307 : vector<256x16xi32>
    %and3A_331 = vector.broadcast %gt3A_216 : vector<256x1xi1> to vector<256x16xi1>
    %and3A_332 = arith.andi %eq3A_330, %and3A_331 : vector<256x16xi1>
    %convert_element_type3A_333 = arith.extui %and3A_332 : vector<256x16xi1> to vector<256x16xi32>
    %convert_element_type3A_334 = arith.sitofp %convert_element_type3A_333 : vector<256x16xi32> to vector<256x16xf32>
    %add3A_335 = arith.addf %add3A_328, %convert_element_type3A_334 : vector<256x16xf32>
    %dot_general3A_336 = arith.constant dense<0.000000e+00> : vector<256x256xf32>
    %dot_general3A_337 = tpu.matmul %add3A_335, %get3A_64, %dot_general3A_336 {dimension_numbers = #tpu.dot_dimension_numbers<[1], [0], [0], [1], [0, 0, 1, 1], [], []>, transpose_lhs_hint = false} : vector<256x16xf32>, vector<16x256xf32>, vector<256x256xf32> -> vector<256x256xf32>
    %sub3A_338 = vector.broadcast %mul3A_234 : vector<256x1xf32> to vector<256x256xf32>
    %sub3A_339 = arith.subf %dot_general3A_302, %sub3A_338 : vector<256x256xf32>
    %exp3A_340 = math.exp %sub3A_339 : vector<256x256xf32>
    %mul3A_341 = arith.mulf %dot_general3A_337, %exp3A_340 : vector<256x256xf32>
    %dot_general3A_342 = arith.constant dense<0.000000e+00> : vector<256x128xf32>
    %dot_general3A_343 = tpu.matmul %mul3A_341, %get3A_300, %dot_general3A_342 {dimension_numbers = #tpu.dot_dimension_numbers<[1], [0], [0], [1], [0, 0, 1, 1], [], []>, transpose_lhs_hint = false} : vector<256x256xf32>, vector<256x128xf32>, vector<256x128xf32> -> vector<256x128xf32>
    %add3A_344 = arith.addf %add3A_290, %dot_general3A_343 : vector<256x128xf32>
    %get3A_345 = arith.constant 0 : index
    %get3A_346 = arith.constant 512 : index
    %get3A_347 = arith.constant 0 : index
    %get3A_348 = vector.load %arg14[%get3A_345, %get3A_346, %get3A_347] : memref<2x2048x64xf32, #tpu.memory_space<vmem>>, vector<1x256x64xf32>
    %get3A_349 = vector.shape_cast %get3A_348 : vector<1x256x64xf32> to vector<256x64xf32>
    %get3A_350 = arith.constant 0 : index
    %get3A_351 = arith.constant 512 : index
    %get3A_352 = arith.constant 0 : index
    %get3A_353 = vector.load %arg15[%get3A_350, %get3A_351, %get3A_352] : memref<2x2048x128xf32, #tpu.memory_space<vmem>>, vector<1x256x128xf32>
    %get3A_354 = vector.shape_cast %get3A_353 : vector<1x256x128xf32> to vector<256x128xf32>
    %dot_general3A_355 = arith.constant dense<0.000000e+00> : vector<256x256xf32>
    %dot_general3A_356 = tpu.matmul %mul3A_224, %get3A_349, %dot_general3A_355 {dimension_numbers = #tpu.dot_dimension_numbers<[1], [1], [0], [0], [0, 0, 1, 0], [], []>, transpose_lhs_hint = false} : vector<256x64xf32>, vector<256x64xf32>, vector<256x256xf32> -> vector<256x256xf32>
    %broadcast_in_dim3A_357 = arith.constant 0.000000e+00 : f32
    %broadcast_in_dim3A_358 = vector.broadcast %broadcast_in_dim3A_357 : f32 to vector<256x16xf32>
    %add3A_359 = arith.constant 32 : i32
    %add3A_360 = vector.broadcast %add3A_359 : i32 to vector<256x16xi32>
    %add3A_361 = arith.addi %add3A_360, %iota3A_65 : vector<256x16xi32>
    %eq3A_362 = vector.broadcast %sub3A_143 : vector<256x1xi32> to vector<256x16xi32>
    %eq3A_363 = arith.cmpi eq, %eq3A_362, %add3A_361 : vector<256x16xi32>
    %and3A_364 = vector.broadcast %gt3A_149 : vector<256x1xi1> to vector<256x16xi1>
    %and3A_365 = arith.andi %eq3A_363, %and3A_364 : vector<256x16xi1>
    %convert_element_type3A_366 = arith.extui %and3A_365 : vector<256x16xi1> to vector<256x16xi32>
    %convert_element_type3A_367 = arith.sitofp %convert_element_type3A_366 : vector<256x16xi32> to vector<256x16xf32>
    %add3A_368 = arith.addf %broadcast_in_dim3A_358, %convert_element_type3A_367 : vector<256x16xf32>
    %eq3A_369 = vector.broadcast %sub3A_166 : vector<256x1xi32> to vector<256x16xi32>
    %eq3A_370 = arith.cmpi eq, %eq3A_369, %add3A_361 : vector<256x16xi32>
    %and3A_371 = vector.broadcast %gt3A_173 : vector<256x1xi1> to vector<256x16xi1>
    %and3A_372 = arith.andi %eq3A_370, %and3A_371 : vector<256x16xi1>
    %convert_element_type3A_373 = arith.extui %and3A_372 : vector<256x16xi1> to vector<256x16xi32>
    %convert_element_type3A_374 = arith.sitofp %convert_element_type3A_373 : vector<256x16xi32> to vector<256x16xf32>
    %add3A_375 = arith.addf %add3A_368, %convert_element_type3A_374 : vector<256x16xf32>
    %eq3A_376 = vector.broadcast %sub3A_190 : vector<256x1xi32> to vector<256x16xi32>
    %eq3A_377 = arith.cmpi eq, %eq3A_376, %add3A_361 : vector<256x16xi32>
    %and3A_378 = vector.broadcast %gt3A_197 : vector<256x1xi1> to vector<256x16xi1>
    %and3A_379 = arith.andi %eq3A_377, %and3A_378 : vector<256x16xi1>
    %convert_element_type3A_380 = arith.extui %and3A_379 : vector<256x16xi1> to vector<256x16xi32>
    %convert_element_type3A_381 = arith.sitofp %convert_element_type3A_380 : vector<256x16xi32> to vector<256x16xf32>
    %add3A_382 = arith.addf %add3A_375, %convert_element_type3A_381 : vector<256x16xf32>
    %eq3A_383 = vector.broadcast %sub3A_209 : vector<256x1xi32> to vector<256x16xi32>
    %eq3A_384 = arith.cmpi eq, %eq3A_383, %add3A_361 : vector<256x16xi32>
    %and3A_385 = vector.broadcast %gt3A_216 : vector<256x1xi1> to vector<256x16xi1>
    %and3A_386 = arith.andi %eq3A_384, %and3A_385 : vector<256x16xi1>
    %convert_element_type3A_387 = arith.extui %and3A_386 : vector<256x16xi1> to vector<256x16xi32>
    %convert_element_type3A_388 = arith.sitofp %convert_element_type3A_387 : vector<256x16xi32> to vector<256x16xf32>
    %add3A_389 = arith.addf %add3A_382, %convert_element_type3A_388 : vector<256x16xf32>
    %dot_general3A_390 = arith.constant dense<0.000000e+00> : vector<256x256xf32>
    %dot_general3A_391 = tpu.matmul %add3A_389, %get3A_64, %dot_general3A_390 {dimension_numbers = #tpu.dot_dimension_numbers<[1], [0], [0], [1], [0, 0, 1, 1], [], []>, transpose_lhs_hint = false} : vector<256x16xf32>, vector<16x256xf32>, vector<256x256xf32> -> vector<256x256xf32>
    %sub3A_392 = vector.broadcast %mul3A_234 : vector<256x1xf32> to vector<256x256xf32>
    %sub3A_393 = arith.subf %dot_general3A_356, %sub3A_392 : vector<256x256xf32>
    %exp3A_394 = math.exp %sub3A_393 : vector<256x256xf32>
    %mul3A_395 = arith.mulf %dot_general3A_391, %exp3A_394 : vector<256x256xf32>
    %dot_general3A_396 = arith.constant dense<0.000000e+00> : vector<256x128xf32>
    %dot_general3A_397 = tpu.matmul %mul3A_395, %get3A_354, %dot_general3A_396 {dimension_numbers = #tpu.dot_dimension_numbers<[1], [0], [0], [1], [0, 0, 1, 1], [], []>, transpose_lhs_hint = false} : vector<256x256xf32>, vector<256x128xf32>, vector<256x128xf32> -> vector<256x128xf32>
    %add3A_398 = arith.addf %add3A_344, %dot_general3A_397 : vector<256x128xf32>
    %get3A_399 = arith.constant 0 : index
    %get3A_400 = arith.constant 768 : index
    %get3A_401 = arith.constant 0 : index
    %get3A_402 = vector.load %arg14[%get3A_399, %get3A_400, %get3A_401] : memref<2x2048x64xf32, #tpu.memory_space<vmem>>, vector<1x256x64xf32>
    %get3A_403 = vector.shape_cast %get3A_402 : vector<1x256x64xf32> to vector<256x64xf32>
    %get3A_404 = arith.constant 0 : index
    %get3A_405 = arith.constant 768 : index
    %get3A_406 = arith.constant 0 : index
    %get3A_407 = vector.load %arg15[%get3A_404, %get3A_405, %get3A_406] : memref<2x2048x128xf32, #tpu.memory_space<vmem>>, vector<1x256x128xf32>
    %get3A_408 = vector.shape_cast %get3A_407 : vector<1x256x128xf32> to vector<256x128xf32>
    %dot_general3A_409 = arith.constant dense<0.000000e+00> : vector<256x256xf32>
    %dot_general3A_410 = tpu.matmul %mul3A_224, %get3A_403, %dot_general3A_409 {dimension_numbers = #tpu.dot_dimension_numbers<[1], [1], [0], [0], [0, 0, 1, 0], [], []>, transpose_lhs_hint = false} : vector<256x64xf32>, vector<256x64xf32>, vector<256x256xf32> -> vector<256x256xf32>
    %broadcast_in_dim3A_411 = arith.constant 0.000000e+00 : f32
    %broadcast_in_dim3A_412 = vector.broadcast %broadcast_in_dim3A_411 : f32 to vector<256x16xf32>
    %add3A_413 = arith.constant 48 : i32
    %add3A_414 = vector.broadcast %add3A_413 : i32 to vector<256x16xi32>
    %add3A_415 = arith.addi %add3A_414, %iota3A_65 : vector<256x16xi32>
    %eq3A_416 = vector.broadcast %sub3A_143 : vector<256x1xi32> to vector<256x16xi32>
    %eq3A_417 = arith.cmpi eq, %eq3A_416, %add3A_415 : vector<256x16xi32>
    %and3A_418 = vector.broadcast %gt3A_149 : vector<256x1xi1> to vector<256x16xi1>
    %and3A_419 = arith.andi %eq3A_417, %and3A_418 : vector<256x16xi1>
    %convert_element_type3A_420 = arith.extui %and3A_419 : vector<256x16xi1> to vector<256x16xi32>
    %convert_element_type3A_421 = arith.sitofp %convert_element_type3A_420 : vector<256x16xi32> to vector<256x16xf32>
    %add3A_422 = arith.addf %broadcast_in_dim3A_412, %convert_element_type3A_421 : vector<256x16xf32>
    %eq3A_423 = vector.broadcast %sub3A_166 : vector<256x1xi32> to vector<256x16xi32>
    %eq3A_424 = arith.cmpi eq, %eq3A_423, %add3A_415 : vector<256x16xi32>
    %and3A_425 = vector.broadcast %gt3A_173 : vector<256x1xi1> to vector<256x16xi1>
    %and3A_426 = arith.andi %eq3A_424, %and3A_425 : vector<256x16xi1>
    %convert_element_type3A_427 = arith.extui %and3A_426 : vector<256x16xi1> to vector<256x16xi32>
    %convert_element_type3A_428 = arith.sitofp %convert_element_type3A_427 : vector<256x16xi32> to vector<256x16xf32>
    %add3A_429 = arith.addf %add3A_422, %convert_element_type3A_428 : vector<256x16xf32>
    %eq3A_430 = vector.broadcast %sub3A_190 : vector<256x1xi32> to vector<256x16xi32>
    %eq3A_431 = arith.cmpi eq, %eq3A_430, %add3A_415 : vector<256x16xi32>
    %and3A_432 = vector.broadcast %gt3A_197 : vector<256x1xi1> to vector<256x16xi1>
    %and3A_433 = arith.andi %eq3A_431, %and3A_432 : vector<256x16xi1>
    %convert_element_type3A_434 = arith.extui %and3A_433 : vector<256x16xi1> to vector<256x16xi32>
    %convert_element_type3A_435 = arith.sitofp %convert_element_type3A_434 : vector<256x16xi32> to vector<256x16xf32>
    %add3A_436 = arith.addf %add3A_429, %convert_element_type3A_435 : vector<256x16xf32>
    %eq3A_437 = vector.broadcast %sub3A_209 : vector<256x1xi32> to vector<256x16xi32>
    %eq3A_438 = arith.cmpi eq, %eq3A_437, %add3A_415 : vector<256x16xi32>
    %and3A_439 = vector.broadcast %gt3A_216 : vector<256x1xi1> to vector<256x16xi1>
    %and3A_440 = arith.andi %eq3A_438, %and3A_439 : vector<256x16xi1>
    %convert_element_type3A_441 = arith.extui %and3A_440 : vector<256x16xi1> to vector<256x16xi32>
    %convert_element_type3A_442 = arith.sitofp %convert_element_type3A_441 : vector<256x16xi32> to vector<256x16xf32>
    %add3A_443 = arith.addf %add3A_436, %convert_element_type3A_442 : vector<256x16xf32>
    %dot_general3A_444 = arith.constant dense<0.000000e+00> : vector<256x256xf32>
    %dot_general3A_445 = tpu.matmul %add3A_443, %get3A_64, %dot_general3A_444 {dimension_numbers = #tpu.dot_dimension_numbers<[1], [0], [0], [1], [0, 0, 1, 1], [], []>, transpose_lhs_hint = false} : vector<256x16xf32>, vector<16x256xf32>, vector<256x256xf32> -> vector<256x256xf32>
    %sub3A_446 = vector.broadcast %mul3A_234 : vector<256x1xf32> to vector<256x256xf32>
    %sub3A_447 = arith.subf %dot_general3A_410, %sub3A_446 : vector<256x256xf32>
    %exp3A_448 = math.exp %sub3A_447 : vector<256x256xf32>
    %mul3A_449 = arith.mulf %dot_general3A_445, %exp3A_448 : vector<256x256xf32>
    %dot_general3A_450 = arith.constant dense<0.000000e+00> : vector<256x128xf32>
    %dot_general3A_451 = tpu.matmul %mul3A_449, %get3A_408, %dot_general3A_450 {dimension_numbers = #tpu.dot_dimension_numbers<[1], [0], [0], [1], [0, 0, 1, 1], [], []>, transpose_lhs_hint = false} : vector<256x256xf32>, vector<256x128xf32>, vector<256x128xf32> -> vector<256x128xf32>
    %add3A_452 = arith.addf %add3A_398, %dot_general3A_451 : vector<256x128xf32>
    %get3A_453 = arith.constant 0 : index
    %get3A_454 = arith.constant 1024 : index
    %get3A_455 = arith.constant 0 : index
    %get3A_456 = vector.load %arg14[%get3A_453, %get3A_454, %get3A_455] : memref<2x2048x64xf32, #tpu.memory_space<vmem>>, vector<1x256x64xf32>
    %get3A_457 = vector.shape_cast %get3A_456 : vector<1x256x64xf32> to vector<256x64xf32>
    %get3A_458 = arith.constant 0 : index
    %get3A_459 = arith.constant 1024 : index
    %get3A_460 = arith.constant 0 : index
    %get3A_461 = vector.load %arg15[%get3A_458, %get3A_459, %get3A_460] : memref<2x2048x128xf32, #tpu.memory_space<vmem>>, vector<1x256x128xf32>
    %get3A_462 = vector.shape_cast %get3A_461 : vector<1x256x128xf32> to vector<256x128xf32>
    %dot_general3A_463 = arith.constant dense<0.000000e+00> : vector<256x256xf32>
    %dot_general3A_464 = tpu.matmul %mul3A_224, %get3A_457, %dot_general3A_463 {dimension_numbers = #tpu.dot_dimension_numbers<[1], [1], [0], [0], [0, 0, 1, 0], [], []>, transpose_lhs_hint = false} : vector<256x64xf32>, vector<256x64xf32>, vector<256x256xf32> -> vector<256x256xf32>
    %broadcast_in_dim3A_465 = arith.constant 0.000000e+00 : f32
    %broadcast_in_dim3A_466 = vector.broadcast %broadcast_in_dim3A_465 : f32 to vector<256x16xf32>
    %add3A_467 = arith.constant 64 : i32
    %add3A_468 = vector.broadcast %add3A_467 : i32 to vector<256x16xi32>
    %add3A_469 = arith.addi %add3A_468, %iota3A_65 : vector<256x16xi32>
    %eq3A_470 = vector.broadcast %sub3A_143 : vector<256x1xi32> to vector<256x16xi32>
    %eq3A_471 = arith.cmpi eq, %eq3A_470, %add3A_469 : vector<256x16xi32>
    %and3A_472 = vector.broadcast %gt3A_149 : vector<256x1xi1> to vector<256x16xi1>
    %and3A_473 = arith.andi %eq3A_471, %and3A_472 : vector<256x16xi1>
    %convert_element_type3A_474 = arith.extui %and3A_473 : vector<256x16xi1> to vector<256x16xi32>
    %convert_element_type3A_475 = arith.sitofp %convert_element_type3A_474 : vector<256x16xi32> to vector<256x16xf32>
    %add3A_476 = arith.addf %broadcast_in_dim3A_466, %convert_element_type3A_475 : vector<256x16xf32>
    %eq3A_477 = vector.broadcast %sub3A_166 : vector<256x1xi32> to vector<256x16xi32>
    %eq3A_478 = arith.cmpi eq, %eq3A_477, %add3A_469 : vector<256x16xi32>
    %and3A_479 = vector.broadcast %gt3A_173 : vector<256x1xi1> to vector<256x16xi1>
    %and3A_480 = arith.andi %eq3A_478, %and3A_479 : vector<256x16xi1>
    %convert_element_type3A_481 = arith.extui %and3A_480 : vector<256x16xi1> to vector<256x16xi32>
    %convert_element_type3A_482 = arith.sitofp %convert_element_type3A_481 : vector<256x16xi32> to vector<256x16xf32>
    %add3A_483 = arith.addf %add3A_476, %convert_element_type3A_482 : vector<256x16xf32>
    %eq3A_484 = vector.broadcast %sub3A_190 : vector<256x1xi32> to vector<256x16xi32>
    %eq3A_485 = arith.cmpi eq, %eq3A_484, %add3A_469 : vector<256x16xi32>
    %and3A_486 = vector.broadcast %gt3A_197 : vector<256x1xi1> to vector<256x16xi1>
    %and3A_487 = arith.andi %eq3A_485, %and3A_486 : vector<256x16xi1>
    %convert_element_type3A_488 = arith.extui %and3A_487 : vector<256x16xi1> to vector<256x16xi32>
    %convert_element_type3A_489 = arith.sitofp %convert_element_type3A_488 : vector<256x16xi32> to vector<256x16xf32>
    %add3A_490 = arith.addf %add3A_483, %convert_element_type3A_489 : vector<256x16xf32>
    %eq3A_491 = vector.broadcast %sub3A_209 : vector<256x1xi32> to vector<256x16xi32>
    %eq3A_492 = arith.cmpi eq, %eq3A_491, %add3A_469 : vector<256x16xi32>
    %and3A_493 = vector.broadcast %gt3A_216 : vector<256x1xi1> to vector<256x16xi1>
    %and3A_494 = arith.andi %eq3A_492, %and3A_493 : vector<256x16xi1>
    %convert_element_type3A_495 = arith.extui %and3A_494 : vector<256x16xi1> to vector<256x16xi32>
    %convert_element_type3A_496 = arith.sitofp %convert_element_type3A_495 : vector<256x16xi32> to vector<256x16xf32>
    %add3A_497 = arith.addf %add3A_490, %convert_element_type3A_496 : vector<256x16xf32>
    %dot_general3A_498 = arith.constant dense<0.000000e+00> : vector<256x256xf32>
    %dot_general3A_499 = tpu.matmul %add3A_497, %get3A_64, %dot_general3A_498 {dimension_numbers = #tpu.dot_dimension_numbers<[1], [0], [0], [1], [0, 0, 1, 1], [], []>, transpose_lhs_hint = false} : vector<256x16xf32>, vector<16x256xf32>, vector<256x256xf32> -> vector<256x256xf32>
    %sub3A_500 = vector.broadcast %mul3A_234 : vector<256x1xf32> to vector<256x256xf32>
    %sub3A_501 = arith.subf %dot_general3A_464, %sub3A_500 : vector<256x256xf32>
    %exp3A_502 = math.exp %sub3A_501 : vector<256x256xf32>
    %mul3A_503 = arith.mulf %dot_general3A_499, %exp3A_502 : vector<256x256xf32>
    %dot_general3A_504 = arith.constant dense<0.000000e+00> : vector<256x128xf32>
    %dot_general3A_505 = tpu.matmul %mul3A_503, %get3A_462, %dot_general3A_504 {dimension_numbers = #tpu.dot_dimension_numbers<[1], [0], [0], [1], [0, 0, 1, 1], [], []>, transpose_lhs_hint = false} : vector<256x256xf32>, vector<256x128xf32>, vector<256x128xf32> -> vector<256x128xf32>
    %add3A_506 = arith.addf %add3A_452, %dot_general3A_505 : vector<256x128xf32>
    %get3A_507 = arith.constant 0 : index
    %get3A_508 = arith.constant 1280 : index
    %get3A_509 = arith.constant 0 : index
    %get3A_510 = vector.load %arg14[%get3A_507, %get3A_508, %get3A_509] : memref<2x2048x64xf32, #tpu.memory_space<vmem>>, vector<1x256x64xf32>
    %get3A_511 = vector.shape_cast %get3A_510 : vector<1x256x64xf32> to vector<256x64xf32>
    %get3A_512 = arith.constant 0 : index
    %get3A_513 = arith.constant 1280 : index
    %get3A_514 = arith.constant 0 : index
    %get3A_515 = vector.load %arg15[%get3A_512, %get3A_513, %get3A_514] : memref<2x2048x128xf32, #tpu.memory_space<vmem>>, vector<1x256x128xf32>
    %get3A_516 = vector.shape_cast %get3A_515 : vector<1x256x128xf32> to vector<256x128xf32>
    %dot_general3A_517 = arith.constant dense<0.000000e+00> : vector<256x256xf32>
    %dot_general3A_518 = tpu.matmul %mul3A_224, %get3A_511, %dot_general3A_517 {dimension_numbers = #tpu.dot_dimension_numbers<[1], [1], [0], [0], [0, 0, 1, 0], [], []>, transpose_lhs_hint = false} : vector<256x64xf32>, vector<256x64xf32>, vector<256x256xf32> -> vector<256x256xf32>
    %broadcast_in_dim3A_519 = arith.constant 0.000000e+00 : f32
    %broadcast_in_dim3A_520 = vector.broadcast %broadcast_in_dim3A_519 : f32 to vector<256x16xf32>
    %add3A_521 = arith.constant 80 : i32
    %add3A_522 = vector.broadcast %add3A_521 : i32 to vector<256x16xi32>
    %add3A_523 = arith.addi %add3A_522, %iota3A_65 : vector<256x16xi32>
    %eq3A_524 = vector.broadcast %sub3A_143 : vector<256x1xi32> to vector<256x16xi32>
    %eq3A_525 = arith.cmpi eq, %eq3A_524, %add3A_523 : vector<256x16xi32>
    %and3A_526 = vector.broadcast %gt3A_149 : vector<256x1xi1> to vector<256x16xi1>
    %and3A_527 = arith.andi %eq3A_525, %and3A_526 : vector<256x16xi1>
    %convert_element_type3A_528 = arith.extui %and3A_527 : vector<256x16xi1> to vector<256x16xi32>
    %convert_element_type3A_529 = arith.sitofp %convert_element_type3A_528 : vector<256x16xi32> to vector<256x16xf32>
    %add3A_530 = arith.addf %broadcast_in_dim3A_520, %convert_element_type3A_529 : vector<256x16xf32>
    %eq3A_531 = vector.broadcast %sub3A_166 : vector<256x1xi32> to vector<256x16xi32>
    %eq3A_532 = arith.cmpi eq, %eq3A_531, %add3A_523 : vector<256x16xi32>
    %and3A_533 = vector.broadcast %gt3A_173 : vector<256x1xi1> to vector<256x16xi1>
    %and3A_534 = arith.andi %eq3A_532, %and3A_533 : vector<256x16xi1>
    %convert_element_type3A_535 = arith.extui %and3A_534 : vector<256x16xi1> to vector<256x16xi32>
    %convert_element_type3A_536 = arith.sitofp %convert_element_type3A_535 : vector<256x16xi32> to vector<256x16xf32>
    %add3A_537 = arith.addf %add3A_530, %convert_element_type3A_536 : vector<256x16xf32>
    %eq3A_538 = vector.broadcast %sub3A_190 : vector<256x1xi32> to vector<256x16xi32>
    %eq3A_539 = arith.cmpi eq, %eq3A_538, %add3A_523 : vector<256x16xi32>
    %and3A_540 = vector.broadcast %gt3A_197 : vector<256x1xi1> to vector<256x16xi1>
    %and3A_541 = arith.andi %eq3A_539, %and3A_540 : vector<256x16xi1>
    %convert_element_type3A_542 = arith.extui %and3A_541 : vector<256x16xi1> to vector<256x16xi32>
    %convert_element_type3A_543 = arith.sitofp %convert_element_type3A_542 : vector<256x16xi32> to vector<256x16xf32>
    %add3A_544 = arith.addf %add3A_537, %convert_element_type3A_543 : vector<256x16xf32>
    %eq3A_545 = vector.broadcast %sub3A_209 : vector<256x1xi32> to vector<256x16xi32>
    %eq3A_546 = arith.cmpi eq, %eq3A_545, %add3A_523 : vector<256x16xi32>
    %and3A_547 = vector.broadcast %gt3A_216 : vector<256x1xi1> to vector<256x16xi1>
    %and3A_548 = arith.andi %eq3A_546, %and3A_547 : vector<256x16xi1>
    %convert_element_type3A_549 = arith.extui %and3A_548 : vector<256x16xi1> to vector<256x16xi32>
    %convert_element_type3A_550 = arith.sitofp %convert_element_type3A_549 : vector<256x16xi32> to vector<256x16xf32>
    %add3A_551 = arith.addf %add3A_544, %convert_element_type3A_550 : vector<256x16xf32>
    %dot_general3A_552 = arith.constant dense<0.000000e+00> : vector<256x256xf32>
    %dot_general3A_553 = tpu.matmul %add3A_551, %get3A_64, %dot_general3A_552 {dimension_numbers = #tpu.dot_dimension_numbers<[1], [0], [0], [1], [0, 0, 1, 1], [], []>, transpose_lhs_hint = false} : vector<256x16xf32>, vector<16x256xf32>, vector<256x256xf32> -> vector<256x256xf32>
    %sub3A_554 = vector.broadcast %mul3A_234 : vector<256x1xf32> to vector<256x256xf32>
    %sub3A_555 = arith.subf %dot_general3A_518, %sub3A_554 : vector<256x256xf32>
    %exp3A_556 = math.exp %sub3A_555 : vector<256x256xf32>
    %mul3A_557 = arith.mulf %dot_general3A_553, %exp3A_556 : vector<256x256xf32>
    %dot_general3A_558 = arith.constant dense<0.000000e+00> : vector<256x128xf32>
    %dot_general3A_559 = tpu.matmul %mul3A_557, %get3A_516, %dot_general3A_558 {dimension_numbers = #tpu.dot_dimension_numbers<[1], [0], [0], [1], [0, 0, 1, 1], [], []>, transpose_lhs_hint = false} : vector<256x256xf32>, vector<256x128xf32>, vector<256x128xf32> -> vector<256x128xf32>
    %add3A_560 = arith.addf %add3A_506, %dot_general3A_559 : vector<256x128xf32>
    %get3A_561 = arith.constant 0 : index
    %get3A_562 = arith.constant 1536 : index
    %get3A_563 = arith.constant 0 : index
    %get3A_564 = vector.load %arg14[%get3A_561, %get3A_562, %get3A_563] : memref<2x2048x64xf32, #tpu.memory_space<vmem>>, vector<1x256x64xf32>
    %get3A_565 = vector.shape_cast %get3A_564 : vector<1x256x64xf32> to vector<256x64xf32>
    %get3A_566 = arith.constant 0 : index
    %get3A_567 = arith.constant 1536 : index
    %get3A_568 = arith.constant 0 : index
    %get3A_569 = vector.load %arg15[%get3A_566, %get3A_567, %get3A_568] : memref<2x2048x128xf32, #tpu.memory_space<vmem>>, vector<1x256x128xf32>
    %get3A_570 = vector.shape_cast %get3A_569 : vector<1x256x128xf32> to vector<256x128xf32>
    %dot_general3A_571 = arith.constant dense<0.000000e+00> : vector<256x256xf32>
    %dot_general3A_572 = tpu.matmul %mul3A_224, %get3A_565, %dot_general3A_571 {dimension_numbers = #tpu.dot_dimension_numbers<[1], [1], [0], [0], [0, 0, 1, 0], [], []>, transpose_lhs_hint = false} : vector<256x64xf32>, vector<256x64xf32>, vector<256x256xf32> -> vector<256x256xf32>
    %broadcast_in_dim3A_573 = arith.constant 0.000000e+00 : f32
    %broadcast_in_dim3A_574 = vector.broadcast %broadcast_in_dim3A_573 : f32 to vector<256x16xf32>
    %add3A_575 = arith.constant 96 : i32
    %add3A_576 = vector.broadcast %add3A_575 : i32 to vector<256x16xi32>
    %add3A_577 = arith.addi %add3A_576, %iota3A_65 : vector<256x16xi32>
    %eq3A_578 = vector.broadcast %sub3A_143 : vector<256x1xi32> to vector<256x16xi32>
    %eq3A_579 = arith.cmpi eq, %eq3A_578, %add3A_577 : vector<256x16xi32>
    %and3A_580 = vector.broadcast %gt3A_149 : vector<256x1xi1> to vector<256x16xi1>
    %and3A_581 = arith.andi %eq3A_579, %and3A_580 : vector<256x16xi1>
    %convert_element_type3A_582 = arith.extui %and3A_581 : vector<256x16xi1> to vector<256x16xi32>
    %convert_element_type3A_583 = arith.sitofp %convert_element_type3A_582 : vector<256x16xi32> to vector<256x16xf32>
    %add3A_584 = arith.addf %broadcast_in_dim3A_574, %convert_element_type3A_583 : vector<256x16xf32>
    %eq3A_585 = vector.broadcast %sub3A_166 : vector<256x1xi32> to vector<256x16xi32>
    %eq3A_586 = arith.cmpi eq, %eq3A_585, %add3A_577 : vector<256x16xi32>
    %and3A_587 = vector.broadcast %gt3A_173 : vector<256x1xi1> to vector<256x16xi1>
    %and3A_588 = arith.andi %eq3A_586, %and3A_587 : vector<256x16xi1>
    %convert_element_type3A_589 = arith.extui %and3A_588 : vector<256x16xi1> to vector<256x16xi32>
    %convert_element_type3A_590 = arith.sitofp %convert_element_type3A_589 : vector<256x16xi32> to vector<256x16xf32>
    %add3A_591 = arith.addf %add3A_584, %convert_element_type3A_590 : vector<256x16xf32>
    %eq3A_592 = vector.broadcast %sub3A_190 : vector<256x1xi32> to vector<256x16xi32>
    %eq3A_593 = arith.cmpi eq, %eq3A_592, %add3A_577 : vector<256x16xi32>
    %and3A_594 = vector.broadcast %gt3A_197 : vector<256x1xi1> to vector<256x16xi1>
    %and3A_595 = arith.andi %eq3A_593, %and3A_594 : vector<256x16xi1>
    %convert_element_type3A_596 = arith.extui %and3A_595 : vector<256x16xi1> to vector<256x16xi32>
    %convert_element_type3A_597 = arith.sitofp %convert_element_type3A_596 : vector<256x16xi32> to vector<256x16xf32>
    %add3A_598 = arith.addf %add3A_591, %convert_element_type3A_597 : vector<256x16xf32>
    %eq3A_599 = vector.broadcast %sub3A_209 : vector<256x1xi32> to vector<256x16xi32>
    %eq3A_600 = arith.cmpi eq, %eq3A_599, %add3A_577 : vector<256x16xi32>
    %and3A_601 = vector.broadcast %gt3A_216 : vector<256x1xi1> to vector<256x16xi1>
    %and3A_602 = arith.andi %eq3A_600, %and3A_601 : vector<256x16xi1>
    %convert_element_type3A_603 = arith.extui %and3A_602 : vector<256x16xi1> to vector<256x16xi32>
    %convert_element_type3A_604 = arith.sitofp %convert_element_type3A_603 : vector<256x16xi32> to vector<256x16xf32>
    %add3A_605 = arith.addf %add3A_598, %convert_element_type3A_604 : vector<256x16xf32>
    %dot_general3A_606 = arith.constant dense<0.000000e+00> : vector<256x256xf32>
    %dot_general3A_607 = tpu.matmul %add3A_605, %get3A_64, %dot_general3A_606 {dimension_numbers = #tpu.dot_dimension_numbers<[1], [0], [0], [1], [0, 0, 1, 1], [], []>, transpose_lhs_hint = false} : vector<256x16xf32>, vector<16x256xf32>, vector<256x256xf32> -> vector<256x256xf32>
    %sub3A_608 = vector.broadcast %mul3A_234 : vector<256x1xf32> to vector<256x256xf32>
    %sub3A_609 = arith.subf %dot_general3A_572, %sub3A_608 : vector<256x256xf32>
    %exp3A_610 = math.exp %sub3A_609 : vector<256x256xf32>
    %mul3A_611 = arith.mulf %dot_general3A_607, %exp3A_610 : vector<256x256xf32>
    %dot_general3A_612 = arith.constant dense<0.000000e+00> : vector<256x128xf32>
    %dot_general3A_613 = tpu.matmul %mul3A_611, %get3A_570, %dot_general3A_612 {dimension_numbers = #tpu.dot_dimension_numbers<[1], [0], [0], [1], [0, 0, 1, 1], [], []>, transpose_lhs_hint = false} : vector<256x256xf32>, vector<256x128xf32>, vector<256x128xf32> -> vector<256x128xf32>
    %add3A_614 = arith.addf %add3A_560, %dot_general3A_613 : vector<256x128xf32>
    %get3A_615 = arith.constant 0 : index
    %get3A_616 = arith.constant 1792 : index
    %get3A_617 = arith.constant 0 : index
    %get3A_618 = vector.load %arg14[%get3A_615, %get3A_616, %get3A_617] : memref<2x2048x64xf32, #tpu.memory_space<vmem>>, vector<1x256x64xf32>
    %get3A_619 = vector.shape_cast %get3A_618 : vector<1x256x64xf32> to vector<256x64xf32>
    %get3A_620 = arith.constant 0 : index
    %get3A_621 = arith.constant 1792 : index
    %get3A_622 = arith.constant 0 : index
    %get3A_623 = vector.load %arg15[%get3A_620, %get3A_621, %get3A_622] : memref<2x2048x128xf32, #tpu.memory_space<vmem>>, vector<1x256x128xf32>
    %get3A_624 = vector.shape_cast %get3A_623 : vector<1x256x128xf32> to vector<256x128xf32>
    %dot_general3A_625 = arith.constant dense<0.000000e+00> : vector<256x256xf32>
    %dot_general3A_626 = tpu.matmul %mul3A_224, %get3A_619, %dot_general3A_625 {dimension_numbers = #tpu.dot_dimension_numbers<[1], [1], [0], [0], [0, 0, 1, 0], [], []>, transpose_lhs_hint = false} : vector<256x64xf32>, vector<256x64xf32>, vector<256x256xf32> -> vector<256x256xf32>
    %broadcast_in_dim3A_627 = arith.constant 0.000000e+00 : f32
    %broadcast_in_dim3A_628 = vector.broadcast %broadcast_in_dim3A_627 : f32 to vector<256x16xf32>
    %add3A_629 = arith.constant 112 : i32
    %add3A_630 = vector.broadcast %add3A_629 : i32 to vector<256x16xi32>
    %add3A_631 = arith.addi %add3A_630, %iota3A_65 : vector<256x16xi32>
    %eq3A_632 = vector.broadcast %sub3A_143 : vector<256x1xi32> to vector<256x16xi32>
    %eq3A_633 = arith.cmpi eq, %eq3A_632, %add3A_631 : vector<256x16xi32>
    %and3A_634 = vector.broadcast %gt3A_149 : vector<256x1xi1> to vector<256x16xi1>
    %and3A_635 = arith.andi %eq3A_633, %and3A_634 : vector<256x16xi1>
    %convert_element_type3A_636 = arith.extui %and3A_635 : vector<256x16xi1> to vector<256x16xi32>
    %convert_element_type3A_637 = arith.sitofp %convert_element_type3A_636 : vector<256x16xi32> to vector<256x16xf32>
    %add3A_638 = arith.addf %broadcast_in_dim3A_628, %convert_element_type3A_637 : vector<256x16xf32>
    %eq3A_639 = vector.broadcast %sub3A_166 : vector<256x1xi32> to vector<256x16xi32>
    %eq3A_640 = arith.cmpi eq, %eq3A_639, %add3A_631 : vector<256x16xi32>
    %and3A_641 = vector.broadcast %gt3A_173 : vector<256x1xi1> to vector<256x16xi1>
    %and3A_642 = arith.andi %eq3A_640, %and3A_641 : vector<256x16xi1>
    %convert_element_type3A_643 = arith.extui %and3A_642 : vector<256x16xi1> to vector<256x16xi32>
    %convert_element_type3A_644 = arith.sitofp %convert_element_type3A_643 : vector<256x16xi32> to vector<256x16xf32>
    %add3A_645 = arith.addf %add3A_638, %convert_element_type3A_644 : vector<256x16xf32>
    %eq3A_646 = vector.broadcast %sub3A_190 : vector<256x1xi32> to vector<256x16xi32>
    %eq3A_647 = arith.cmpi eq, %eq3A_646, %add3A_631 : vector<256x16xi32>
    %and3A_648 = vector.broadcast %gt3A_197 : vector<256x1xi1> to vector<256x16xi1>
    %and3A_649 = arith.andi %eq3A_647, %and3A_648 : vector<256x16xi1>
    %convert_element_type3A_650 = arith.extui %and3A_649 : vector<256x16xi1> to vector<256x16xi32>
    %convert_element_type3A_651 = arith.sitofp %convert_element_type3A_650 : vector<256x16xi32> to vector<256x16xf32>
    %add3A_652 = arith.addf %add3A_645, %convert_element_type3A_651 : vector<256x16xf32>
    %eq3A_653 = vector.broadcast %sub3A_209 : vector<256x1xi32> to vector<256x16xi32>
    %eq3A_654 = arith.cmpi eq, %eq3A_653, %add3A_631 : vector<256x16xi32>
    %and3A_655 = vector.broadcast %gt3A_216 : vector<256x1xi1> to vector<256x16xi1>
    %and3A_656 = arith.andi %eq3A_654, %and3A_655 : vector<256x16xi1>
    %convert_element_type3A_657 = arith.extui %and3A_656 : vector<256x16xi1> to vector<256x16xi32>
    %convert_element_type3A_658 = arith.sitofp %convert_element_type3A_657 : vector<256x16xi32> to vector<256x16xf32>
    %add3A_659 = arith.addf %add3A_652, %convert_element_type3A_658 : vector<256x16xf32>
    %dot_general3A_660 = arith.constant dense<0.000000e+00> : vector<256x256xf32>
    %dot_general3A_661 = tpu.matmul %add3A_659, %get3A_64, %dot_general3A_660 {dimension_numbers = #tpu.dot_dimension_numbers<[1], [0], [0], [1], [0, 0, 1, 1], [], []>, transpose_lhs_hint = false} : vector<256x16xf32>, vector<16x256xf32>, vector<256x256xf32> -> vector<256x256xf32>
    %sub3A_662 = vector.broadcast %mul3A_234 : vector<256x1xf32> to vector<256x256xf32>
    %sub3A_663 = arith.subf %dot_general3A_626, %sub3A_662 : vector<256x256xf32>
    %exp3A_664 = math.exp %sub3A_663 : vector<256x256xf32>
    %mul3A_665 = arith.mulf %dot_general3A_661, %exp3A_664 : vector<256x256xf32>
    %dot_general3A_666 = arith.constant dense<0.000000e+00> : vector<256x128xf32>
    %dot_general3A_667 = tpu.matmul %mul3A_665, %get3A_624, %dot_general3A_666 {dimension_numbers = #tpu.dot_dimension_numbers<[1], [0], [0], [1], [0, 0, 1, 1], [], []>, transpose_lhs_hint = false} : vector<256x256xf32>, vector<256x128xf32>, vector<256x128xf32> -> vector<256x128xf32>
    %add3A_668 = arith.addf %add3A_614, %dot_general3A_667 : vector<256x128xf32>
    %get3A_669 = arith.constant 0 : index
    %get3A_670 = arith.index_cast %multiple_of3A : i32 to index
    %get3A_671 = arith.constant 0 : index
    %get3A_672 = vector.load %arg14[%get3A_669, %get3A_670, %get3A_671] : memref<2x2048x64xf32, #tpu.memory_space<vmem>>, vector<1x384x64xf32>
    %get3A_673 = vector.shape_cast %get3A_672 : vector<1x384x64xf32> to vector<384x64xf32>
    %get3A_674 = arith.constant 0 : index
    %get3A_675 = arith.index_cast %multiple_of3A : i32 to index
    %get3A_676 = arith.constant 0 : index
    %get3A_677 = vector.load %arg15[%get3A_674, %get3A_675, %get3A_676] : memref<2x2048x128xf32, #tpu.memory_space<vmem>>, vector<1x384x128xf32>
    %get3A_678 = vector.shape_cast %get3A_677 : vector<1x384x128xf32> to vector<384x128xf32>
    %dot_general3A_679 = arith.constant dense<0.000000e+00> : vector<256x384xf32>
    %dot_general3A_680 = tpu.matmul %mul3A_224, %get3A_673, %dot_general3A_679 {dimension_numbers = #tpu.dot_dimension_numbers<[1], [1], [0], [0], [0, 0, 1, 0], [], []>, transpose_lhs_hint = false} : vector<256x64xf32>, vector<384x64xf32>, vector<256x384xf32> -> vector<256x384xf32>
    %sub3A_681 = vector.broadcast %mul3A_234 : vector<256x1xf32> to vector<256x384xf32>
    %sub3A_682 = arith.subf %dot_general3A_680, %sub3A_681 : vector<256x384xf32>
    %exp3A_683 = math.exp %sub3A_682 : vector<256x384xf32>
    %jit3A_684 = arith.constant 0.000000e+00 : f32
    %broadcast_in_dim3A_685 = vector.broadcast %jit3A_684 : f32 to vector<256x384xf32>
    %select_n3A_686 = arith.select %and3A_83, %exp3A_683, %broadcast_in_dim3A_685 : vector<256x384xi1>, vector<256x384xf32>
    %dot_general3A_687 = arith.constant dense<0.000000e+00> : vector<256x128xf32>
    %dot_general3A_688 = tpu.matmul %select_n3A_686, %get3A_678, %dot_general3A_687 {dimension_numbers = #tpu.dot_dimension_numbers<[1], [0], [0], [1], [0, 0, 1, 1], [], []>, transpose_lhs_hint = false} : vector<256x384xf32>, vector<384x128xf32>, vector<256x128xf32> -> vector<256x128xf32>
    %slice3A = vector.extract_strided_slice %dot_general3A_688 {offsets = [0, 0], sizes = [256, 64], strides = [1, 1]} : vector<256x128xf32> to vector<256x64xf32>
    %slice3A_689 = vector.extract_strided_slice %dot_general3A_688 {offsets = [0, 64], sizes = [256, 1], strides = [1, 1]} : vector<256x128xf32> to vector<256x1xf32>
    %div3A_690 = vector.broadcast %slice3A_689 : vector<256x1xf32> to vector<256x64xf32>
    %div3A_691 = arith.divf %slice3A, %div3A_690 : vector<256x64xf32>
    %swap3A_692 = arith.constant 0 : index
    %swap3A_693 = arith.constant 0 : index
    %swap3A_694 = vector.load %arg13[%swap3A_692, %swap3A_693] : memref<256x128xf32, #tpu.memory_space<vmem>>, vector<256x64xf32>
    tpu.vector_store %arg13[%swap3A_692, %swap3A_693], %div3A_691 {strides = array<i32>} : memref<256x128xf32, #tpu.memory_space<vmem>>, vector<256x64xf32>,
    %jit3A_695 = arith.constant 16 : i32
    %div3A_696 = vector.broadcast %jit3A_695 : i32 to vector<256x384xi32>
    %div3A_697 = arith.divsi %add3A_73, %div3A_696 : vector<256x384xi32>
    %sign3A_698 = arith.constant 0 : i32
    %sign3A_699 = vector.broadcast %sign3A_698 : i32 to vector<256x384xi32>
    %sign3A_700 = arith.cmpi sgt, %add3A_73, %sign3A_699 : vector<256x384xi32>
    %sign3A_701 = arith.extui %sign3A_700 : vector<256x384xi1> to vector<256x384xi32>
    %sign3A_702 = arith.constant 0 : i32
    %sign3A_703 = vector.broadcast %sign3A_702 : i32 to vector<256x384xi32>
    %sign3A_704 = arith.cmpi slt, %add3A_73, %sign3A_703 : vector<256x384xi32>
    %sign3A_705 = arith.extui %sign3A_704 : vector<256x384xi1> to vector<256x384xi32>
    %sign3A_706 = arith.subi %sign3A_701, %sign3A_705 : vector<256x384xi32>
    %sign3A_707 = arith.constant 0 : i32
    %sign3A_708 = arith.cmpi sgt, %jit3A_695, %sign3A_707 : i32
    %sign3A_709 = arith.extui %sign3A_708 : i1 to i32
    %sign3A_710 = arith.constant 0 : i32
    %sign3A_711 = arith.cmpi slt, %jit3A_695, %sign3A_710 : i32
    %sign3A_712 = arith.extui %sign3A_711 : i1 to i32
    %sign3A_713 = arith.subi %sign3A_709, %sign3A_712 : i32
    %ne3A_714 = vector.broadcast %sign3A_713 : i32 to vector<256x384xi32>
    %ne3A_715 = arith.cmpi ne, %sign3A_706, %ne3A_714 : vector<256x384xi32>
    %rem3A_716 = vector.broadcast %jit3A_695 : i32 to vector<256x384xi32>
    %rem3A_717 = arith.remsi %add3A_73, %rem3A_716 : vector<256x384xi32>
    %ne3A_718 = arith.constant 0 : i32
    %ne3A_719 = vector.broadcast %ne3A_718 : i32 to vector<256x384xi32>
    %ne3A_720 = arith.cmpi ne, %rem3A_717, %ne3A_719 : vector<256x384xi32>
    %and3A_721 = arith.andi %ne3A_715, %ne3A_720 : vector<256x384xi1>
    %sub3A_722 = arith.constant 1 : i32
    %sub3A_723 = vector.broadcast %sub3A_722 : i32 to vector<256x384xi32>
    %sub3A_724 = arith.subi %div3A_697, %sub3A_723 : vector<256x384xi32>
    %select_n3A_725 = arith.select %and3A_721, %sub3A_724, %div3A_697 : vector<256x384xi1>, vector<256x384xi32>
    %eq3A_726 = vector.broadcast %select_n3A_61 : vector<256x1xi32> to vector<256x384xi32>
    %eq3A_727 = arith.cmpi eq, %select_n3A_725, %eq3A_726 : vector<256x384xi32>
    %and3A_728 = arith.andi %le3A, %eq3A_727 : vector<256x384xi1>
    %jit3A_729 = arith.constant 0.000000e+00 : f32
    %broadcast_in_dim3A_730 = vector.broadcast %jit3A_729 : f32 to vector<256x384xf32>
    %select_n3A_731 = arith.select %and3A_728, %exp3A_683, %broadcast_in_dim3A_730 : vector<256x384xi1>, vector<256x384xf32>
    %dot_general3A_732 = arith.constant dense<0.000000e+00> : vector<256x128xf32>
    %dot_general3A_733 = tpu.matmul %select_n3A_731, %get3A_678, %dot_general3A_732 {dimension_numbers = #tpu.dot_dimension_numbers<[1], [0], [0], [1], [0, 0, 1, 1], [], []>, transpose_lhs_hint = false} : vector<256x384xf32>, vector<384x128xf32>, vector<256x128xf32> -> vector<256x128xf32>
    %add3A_734 = arith.addf %add3A_668, %dot_general3A_733 : vector<256x128xf32>
    %slice3A_735 = vector.extract_strided_slice %add3A_734 {offsets = [0, 0], sizes = [256, 64], strides = [1, 1]} : vector<256x128xf32> to vector<256x64xf32>
    %slice3A_736 = vector.extract_strided_slice %add3A_734 {offsets = [0, 64], sizes = [256, 1], strides = [1, 1]} : vector<256x128xf32> to vector<256x1xf32>
    %div3A_737 = vector.broadcast %slice3A_736 : vector<256x1xf32> to vector<256x64xf32>
    %div3A_738 = arith.divf %slice3A_735, %div3A_737 : vector<256x64xf32>
    %swap3A_739 = arith.constant 0 : index
    %swap3A_740 = arith.constant 0 : index
    %swap3A_741 = vector.load %arg12[%swap3A_739, %swap3A_740] : memref<256x128xf32, #tpu.memory_space<vmem>>, vector<256x64xf32>
    tpu.vector_store %arg12[%swap3A_739, %swap3A_740], %div3A_738 {strides = array<i32>} : memref<256x128xf32, #tpu.memory_space<vmem>>, vector<256x64xf32>,
    %get3A_742 = arith.constant 0 : index
    %get3A_743 = arith.constant 64 : index
    %get3A_744 = vector.load %arg2[%get3A_742, %get3A_743] : memref<256x128xf32, #tpu.memory_space<vmem>>, vector<256x64xf32>
    %get3A_745 = arith.constant 1 : index
    %get3A_746 = arith.constant 0 : index
    %get3A_747 = arith.constant 0 : index
    %get3A_748 = vector.load %arg5[%get3A_745, %get3A_746, %get3A_747] : memref<2x132x64xf32, #tpu.memory_space<vmem>>, vector<1x132x64xf32>
    %get3A_749 = vector.shape_cast %get3A_748 : vector<1x132x64xf32> to vector<132x64xf32>
    %get3A_750 = arith.constant 1 : index
    %get3A_751 = arith.constant 0 : index
    %get3A_752 = arith.constant 0 : index
    %get3A_753 = vector.load %arg6[%get3A_750, %get3A_751, %get3A_752] : memref<2x132x64xf32, #tpu.memory_space<vmem>>, vector<1x132x64xf32>
    %get3A_754 = vector.shape_cast %get3A_753 : vector<1x132x64xf32> to vector<132x64xf32>
    %dot_general3A_755 = arith.constant dense<0.000000e+00> : vector<256x132xf32>
    %dot_general3A_756 = tpu.matmul %get3A_744, %get3A_749, %dot_general3A_755 {dimension_numbers = #tpu.dot_dimension_numbers<[1], [1], [0], [0], [0, 0, 1, 0], [], []>, transpose_lhs_hint = false} : vector<256x64xf32>, vector<132x64xf32>, vector<256x132xf32> -> vector<256x132xf32>
    %mul3A_757 = arith.constant 1.250000e-01 : f32
    %mul3A_758 = vector.broadcast %mul3A_757 : f32 to vector<256x132xf32>
    %mul3A_759 = arith.mulf %dot_general3A_756, %mul3A_758 : vector<256x132xf32>
    %jit3A_760 = arith.constant -1.000000e+30 : f32
    %broadcast_in_dim3A_761 = vector.broadcast %jit3A_760 : f32 to vector<256x132xf32>
    %select_n3A_762 = arith.select %lt3A_20, %mul3A_759, %broadcast_in_dim3A_761 : vector<256x132xi1>, vector<256x132xf32>
    %reduce_max3A_763 = arith.constant dense<0xFF800000> : vector<256xf32>
    %reduce_max3A_764 = vector.multi_reduction <maximumf>, %select_n3A_762, %reduce_max3A_763 [1] : vector<256x132xf32> to vector<256xf32>
    %broadcast_in_dim3A_765 = vector.shape_cast %reduce_max3A_764 : vector<256xf32> to vector<256x1xf32>
    %sub3A_766 = vector.broadcast %broadcast_in_dim3A_765 : vector<256x1xf32> to vector<256x132xf32>
    %sub3A_767 = arith.subf %select_n3A_762, %sub3A_766 : vector<256x132xf32>
    %exp3A_768 = math.exp %sub3A_767 : vector<256x132xf32>
    %reduce_sum3A_769 = arith.constant dense<0.000000e+00> : vector<256xf32>
    %reduce_sum3A_770 = vector.multi_reduction <add>, %exp3A_768, %reduce_sum3A_769 [1] : vector<256x132xf32> to vector<256xf32>
    %broadcast_in_dim3A_771 = vector.shape_cast %reduce_sum3A_770 : vector<256xf32> to vector<256x1xf32>
    %div3A_772 = vector.broadcast %broadcast_in_dim3A_771 : vector<256x1xf32> to vector<256x132xf32>
    %div3A_773 = arith.divf %exp3A_768, %div3A_772 : vector<256x132xf32>
    %dot_general3A_774 = arith.constant dense<0.000000e+00> : vector<256x64xf32>
    %dot_general3A_775 = tpu.matmul %div3A_773, %get3A_754, %dot_general3A_774 {dimension_numbers = #tpu.dot_dimension_numbers<[1], [0], [0], [1], [0, 0, 1, 1], [], []>, transpose_lhs_hint = false} : vector<256x132xf32>, vector<132x64xf32>, vector<256x64xf32> -> vector<256x64xf32>
    %swap3A_776 = arith.constant 0 : index
    %swap3A_777 = arith.constant 64 : index
    %swap3A_778 = vector.load %arg11[%swap3A_776, %swap3A_777] : memref<256x128xf32, #tpu.memory_space<vmem>>, vector<256x64xf32>
    tpu.vector_store %arg11[%swap3A_776, %swap3A_777], %dot_general3A_775 {strides = array<i32>} : memref<256x128xf32, #tpu.memory_space<vmem>>, vector<256x64xf32>,
    %bitcast_convert_type3A_779 = tpu.bitcast %div3A_773 : vector<256x132xf32> -> vector<256x132xi32>
    %and3A_780 = arith.constant -256 : i32
    %and3A_781 = vector.broadcast %and3A_780 : i32 to vector<256x132xi32>
    %and3A_782 = arith.andi %bitcast_convert_type3A_779, %and3A_781 : vector<256x132xi32>
    %sub3A_783 = arith.constant 255 : i32
    %sub3A_784 = vector.broadcast %sub3A_783 : i32 to vector<256x132xi32>
    %sub3A_785 = arith.subi %sub3A_784, %iota3A_6 : vector<256x132xi32>
    %or3A_786 = arith.ori %and3A_782, %sub3A_785 : vector<256x132xi32>
    %ge3A_787 = arith.constant 4 : i32
    %ge3A_788 = vector.broadcast %ge3A_787 : i32 to vector<256x132xi32>
    %ge3A_789 = arith.cmpi sge, %iota3A_6, %ge3A_788 : vector<256x132xi32>
    %jit3A_790 = arith.constant -1 : i32
    %broadcast_in_dim3A_791 = vector.broadcast %jit3A_790 : i32 to vector<256x132xi32>
    %select_n3A_792 = arith.select %ge3A_789, %or3A_786, %broadcast_in_dim3A_791 : vector<256x132xi1>, vector<256x132xi32>
    %reduce_max3A_793 = arith.constant dense<-2147483648> : vector<256xi32>
    %reduce_max3A_794 = vector.multi_reduction <maxsi>, %select_n3A_792, %reduce_max3A_793 [1] : vector<256x132xi32> to vector<256xi32>
    %broadcast_in_dim3A_795 = vector.shape_cast %reduce_max3A_794 : vector<256xi32> to vector<256x1xi32>
    %eq3A_796 = vector.broadcast %broadcast_in_dim3A_795 : vector<256x1xi32> to vector<256x132xi32>
    %eq3A_797 = arith.cmpi eq, %select_n3A_792, %eq3A_796 : vector<256x132xi32>
    %jit3A_798 = arith.constant -1 : i32
    %broadcast_in_dim3A_799 = vector.broadcast %jit3A_798 : i32 to vector<256x132xi32>
    %select_n3A_800 = arith.select %eq3A_797, %broadcast_in_dim3A_799, %select_n3A_792 : vector<256x132xi1>, vector<256x132xi32>
    %and3A_801 = arith.constant 255 : i32
    %and3A_802 = vector.broadcast %and3A_801 : i32 to vector<256x1xi32>
    %and3A_803 = arith.andi %broadcast_in_dim3A_795, %and3A_802 : vector<256x1xi32>
    %sub3A_804 = arith.constant 255 : i32
    %sub3A_805 = vector.broadcast %sub3A_804 : i32 to vector<256x1xi32>
    %sub3A_806 = arith.subi %sub3A_805, %and3A_803 : vector<256x1xi32>
    %sub3A_807 = arith.constant 4 : i32
    %sub3A_808 = vector.broadcast %sub3A_807 : i32 to vector<256x1xi32>
    %sub3A_809 = arith.subi %sub3A_806, %sub3A_808 : vector<256x1xi32>
    %and3A_810 = arith.constant -256 : i32
    %and3A_811 = vector.broadcast %and3A_810 : i32 to vector<256x1xi32>
    %and3A_812 = arith.andi %broadcast_in_dim3A_795, %and3A_811 : vector<256x1xi32>
    %bitcast_convert_type3A_813 = tpu.bitcast %and3A_812 : vector<256x1xi32> -> vector<256x1xf32>
    %gt3A_814 = arith.constant 1.000000e-10 : f32
    %gt3A_815 = vector.broadcast %gt3A_814 : f32 to vector<256x1xf32>
    %gt3A_816 = arith.cmpf ogt, %bitcast_convert_type3A_813, %gt3A_815 : vector<256x1xf32>
    %reduce_max3A_817 = arith.constant dense<-2147483648> : vector<256xi32>
    %reduce_max3A_818 = vector.multi_reduction <maxsi>, %select_n3A_800, %reduce_max3A_817 [1] : vector<256x132xi32> to vector<256xi32>
    %broadcast_in_dim3A_819 = vector.shape_cast %reduce_max3A_818 : vector<256xi32> to vector<256x1xi32>
    %eq3A_820 = vector.broadcast %broadcast_in_dim3A_819 : vector<256x1xi32> to vector<256x132xi32>
    %eq3A_821 = arith.cmpi eq, %select_n3A_800, %eq3A_820 : vector<256x132xi32>
    %jit3A_822 = arith.constant -1 : i32
    %broadcast_in_dim3A_823 = vector.broadcast %jit3A_822 : i32 to vector<256x132xi32>
    %select_n3A_824 = arith.select %eq3A_821, %broadcast_in_dim3A_823, %select_n3A_800 : vector<256x132xi1>, vector<256x132xi32>
    %and3A_825 = arith.constant 255 : i32
    %and3A_826 = vector.broadcast %and3A_825 : i32 to vector<256x1xi32>
    %and3A_827 = arith.andi %broadcast_in_dim3A_819, %and3A_826 : vector<256x1xi32>
    %sub3A_828 = arith.constant 255 : i32
    %sub3A_829 = vector.broadcast %sub3A_828 : i32 to vector<256x1xi32>
    %sub3A_830 = arith.subi %sub3A_829, %and3A_827 : vector<256x1xi32>
    %sub3A_831 = arith.constant 4 : i32
    %sub3A_832 = vector.broadcast %sub3A_831 : i32 to vector<256x1xi32>
    %sub3A_833 = arith.subi %sub3A_830, %sub3A_832 : vector<256x1xi32>
    %and3A_834 = arith.constant -256 : i32
    %and3A_835 = vector.broadcast %and3A_834 : i32 to vector<256x1xi32>
    %and3A_836 = arith.andi %broadcast_in_dim3A_819, %and3A_835 : vector<256x1xi32>
    %bitcast_convert_type3A_837 = tpu.bitcast %and3A_836 : vector<256x1xi32> -> vector<256x1xf32>
    %gt3A_838 = arith.constant 1.000000e-10 : f32
    %gt3A_839 = vector.broadcast %gt3A_838 : f32 to vector<256x1xf32>
    %gt3A_840 = arith.cmpf ogt, %bitcast_convert_type3A_837, %gt3A_839 : vector<256x1xf32>
    %reduce_max3A_841 = arith.constant dense<-2147483648> : vector<256xi32>
    %reduce_max3A_842 = vector.multi_reduction <maxsi>, %select_n3A_824, %reduce_max3A_841 [1] : vector<256x132xi32> to vector<256xi32>
    %broadcast_in_dim3A_843 = vector.shape_cast %reduce_max3A_842 : vector<256xi32> to vector<256x1xi32>
    %eq3A_844 = vector.broadcast %broadcast_in_dim3A_843 : vector<256x1xi32> to vector<256x132xi32>
    %eq3A_845 = arith.cmpi eq, %select_n3A_824, %eq3A_844 : vector<256x132xi32>
    %jit3A_846 = arith.constant -1 : i32
    %broadcast_in_dim3A_847 = vector.broadcast %jit3A_846 : i32 to vector<256x132xi32>
    %select_n3A_848 = arith.select %eq3A_845, %broadcast_in_dim3A_847, %select_n3A_824 : vector<256x132xi1>, vector<256x132xi32>
    %and3A_849 = arith.constant 255 : i32
    %and3A_850 = vector.broadcast %and3A_849 : i32 to vector<256x1xi32>
    %and3A_851 = arith.andi %broadcast_in_dim3A_843, %and3A_850 : vector<256x1xi32>
    %sub3A_852 = arith.constant 255 : i32
    %sub3A_853 = vector.broadcast %sub3A_852 : i32 to vector<256x1xi32>
    %sub3A_854 = arith.subi %sub3A_853, %and3A_851 : vector<256x1xi32>
    %sub3A_855 = arith.constant 4 : i32
    %sub3A_856 = vector.broadcast %sub3A_855 : i32 to vector<256x1xi32>
    %sub3A_857 = arith.subi %sub3A_854, %sub3A_856 : vector<256x1xi32>
    %and3A_858 = arith.constant -256 : i32
    %and3A_859 = vector.broadcast %and3A_858 : i32 to vector<256x1xi32>
    %and3A_860 = arith.andi %broadcast_in_dim3A_843, %and3A_859 : vector<256x1xi32>
    %bitcast_convert_type3A_861 = tpu.bitcast %and3A_860 : vector<256x1xi32> -> vector<256x1xf32>
    %gt3A_862 = arith.constant 1.000000e-10 : f32
    %gt3A_863 = vector.broadcast %gt3A_862 : f32 to vector<256x1xf32>
    %gt3A_864 = arith.cmpf ogt, %bitcast_convert_type3A_861, %gt3A_863 : vector<256x1xf32>
    %reduce_max3A_865 = arith.constant dense<-2147483648> : vector<256xi32>
    %reduce_max3A_866 = vector.multi_reduction <maxsi>, %select_n3A_848, %reduce_max3A_865 [1] : vector<256x132xi32> to vector<256xi32>
    %broadcast_in_dim3A_867 = vector.shape_cast %reduce_max3A_866 : vector<256xi32> to vector<256x1xi32>
    %and3A_868 = arith.constant 255 : i32
    %and3A_869 = vector.broadcast %and3A_868 : i32 to vector<256x1xi32>
    %and3A_870 = arith.andi %broadcast_in_dim3A_867, %and3A_869 : vector<256x1xi32>
    %sub3A_871 = arith.constant 255 : i32
    %sub3A_872 = vector.broadcast %sub3A_871 : i32 to vector<256x1xi32>
    %sub3A_873 = arith.subi %sub3A_872, %and3A_870 : vector<256x1xi32>
    %sub3A_874 = arith.constant 4 : i32
    %sub3A_875 = vector.broadcast %sub3A_874 : i32 to vector<256x1xi32>
    %sub3A_876 = arith.subi %sub3A_873, %sub3A_875 : vector<256x1xi32>
    %and3A_877 = arith.constant -256 : i32
    %and3A_878 = vector.broadcast %and3A_877 : i32 to vector<256x1xi32>
    %and3A_879 = arith.andi %broadcast_in_dim3A_867, %and3A_878 : vector<256x1xi32>
    %bitcast_convert_type3A_880 = tpu.bitcast %and3A_879 : vector<256x1xi32> -> vector<256x1xf32>
    %gt3A_881 = arith.constant 1.000000e-10 : f32
    %gt3A_882 = vector.broadcast %gt3A_881 : f32 to vector<256x1xf32>
    %gt3A_883 = arith.cmpf ogt, %bitcast_convert_type3A_880, %gt3A_882 : vector<256x1xf32>
    %mul3A_884 = arith.mulf %get3A_744, %get3A_25 : vector<256x64xf32>
    %dot_general3A_885 = arith.constant dense<0.000000e+00> : vector<256x64xf32>
    %dot_general3A_886 = tpu.matmul %get3A_744, %get3A_1, %dot_general3A_885 {dimension_numbers = #tpu.dot_dimension_numbers<[1], [0], [0], [1], [0, 0, 1, 1], [], []>, transpose_lhs_hint = false} : vector<256x64xf32>, vector<64x64xf32>, vector<256x64xf32> -> vector<256x64xf32>
    %mul3A_887 = arith.mulf %dot_general3A_886, %get3A_30 : vector<256x64xf32>
    %add3A_888 = arith.addf %mul3A_884, %mul3A_887 : vector<256x64xf32>
    %mul3A_889 = arith.constant 1.250000e-01 : f32
    %mul3A_890 = vector.broadcast %mul3A_889 : f32 to vector<256x64xf32>
    %mul3A_891 = arith.mulf %add3A_888, %mul3A_890 : vector<256x64xf32>
    %mul3A_892 = arith.mulf %mul3A_891, %mul3A_891 : vector<256x64xf32>
    %reduce_sum3A_893 = arith.constant dense<0.000000e+00> : vector<256xf32>
    %reduce_sum3A_894 = vector.multi_reduction <add>, %mul3A_892, %reduce_sum3A_893 [1] : vector<256x64xf32> to vector<256xf32>
    %broadcast_in_dim3A_895 = vector.shape_cast %reduce_sum3A_894 : vector<256xf32> to vector<256x1xf32>
    %sqrt3A_896 = math.sqrt %broadcast_in_dim3A_895 : vector<256x1xf32>
    %get3A_897 = arith.constant 0 : index
    %get3A_898 = arith.constant 1 : index
    %get3A_899 = vector.load %arg16[%get3A_897, %get3A_898] : memref<1x2xf32, #tpu.memory_space<vmem>>, vector<1x1xf32>
    %sqrt3A_900 = math.sqrt %get3A_899 : vector<1x1xf32>
    %mul3A_901 = vector.broadcast %sqrt3A_900 : vector<1x1xf32> to vector<256x1xf32>
    %mul3A_902 = arith.mulf %sqrt3A_896, %mul3A_901 : vector<256x1xf32>
    %broadcast_in_dim3A_903 = arith.constant 0.000000e+00 : f32
    %broadcast_in_dim3A_904 = vector.broadcast %broadcast_in_dim3A_903 : f32 to vector<256x128xf32>
    %get3A_905 = arith.constant 1 : index
    %get3A_906 = arith.constant 0 : index
    %get3A_907 = arith.constant 0 : index
    %get3A_908 = vector.load %arg14[%get3A_905, %get3A_906, %get3A_907] : memref<2x2048x64xf32, #tpu.memory_space<vmem>>, vector<1x256x64xf32>
    %get3A_909 = vector.shape_cast %get3A_908 : vector<1x256x64xf32> to vector<256x64xf32>
    %get3A_910 = arith.constant 1 : index
    %get3A_911 = arith.constant 0 : index
    %get3A_912 = arith.constant 0 : index
    %get3A_913 = vector.load %arg15[%get3A_910, %get3A_911, %get3A_912] : memref<2x2048x128xf32, #tpu.memory_space<vmem>>, vector<1x256x128xf32>
    %get3A_914 = vector.shape_cast %get3A_913 : vector<1x256x128xf32> to vector<256x128xf32>
    %dot_general3A_915 = arith.constant dense<0.000000e+00> : vector<256x256xf32>
    %dot_general3A_916 = tpu.matmul %mul3A_891, %get3A_909, %dot_general3A_915 {dimension_numbers = #tpu.dot_dimension_numbers<[1], [1], [0], [0], [0, 0, 1, 0], [], []>, transpose_lhs_hint = false} : vector<256x64xf32>, vector<256x64xf32>, vector<256x256xf32> -> vector<256x256xf32>
    %broadcast_in_dim3A_917 = arith.constant 0.000000e+00 : f32
    %broadcast_in_dim3A_918 = vector.broadcast %broadcast_in_dim3A_917 : f32 to vector<256x16xf32>
    %add3A_919 = arith.constant 0 : i32
    %add3A_920 = vector.broadcast %add3A_919 : i32 to vector<256x16xi32>
    %add3A_921 = arith.addi %add3A_920, %iota3A_65 : vector<256x16xi32>
    %eq3A_922 = vector.broadcast %sub3A_809 : vector<256x1xi32> to vector<256x16xi32>
    %eq3A_923 = arith.cmpi eq, %eq3A_922, %add3A_921 : vector<256x16xi32>
    %and3A_924 = vector.broadcast %gt3A_816 : vector<256x1xi1> to vector<256x16xi1>
    %and3A_925 = arith.andi %eq3A_923, %and3A_924 : vector<256x16xi1>
    %convert_element_type3A_926 = arith.extui %and3A_925 : vector<256x16xi1> to vector<256x16xi32>
    %convert_element_type3A_927 = arith.sitofp %convert_element_type3A_926 : vector<256x16xi32> to vector<256x16xf32>
    %add3A_928 = arith.addf %broadcast_in_dim3A_918, %convert_element_type3A_927 : vector<256x16xf32>
    %eq3A_929 = vector.broadcast %sub3A_833 : vector<256x1xi32> to vector<256x16xi32>
    %eq3A_930 = arith.cmpi eq, %eq3A_929, %add3A_921 : vector<256x16xi32>
    %and3A_931 = vector.broadcast %gt3A_840 : vector<256x1xi1> to vector<256x16xi1>
    %and3A_932 = arith.andi %eq3A_930, %and3A_931 : vector<256x16xi1>
    %convert_element_type3A_933 = arith.extui %and3A_932 : vector<256x16xi1> to vector<256x16xi32>
    %convert_element_type3A_934 = arith.sitofp %convert_element_type3A_933 : vector<256x16xi32> to vector<256x16xf32>
    %add3A_935 = arith.addf %add3A_928, %convert_element_type3A_934 : vector<256x16xf32>
    %eq3A_936 = vector.broadcast %sub3A_857 : vector<256x1xi32> to vector<256x16xi32>
    %eq3A_937 = arith.cmpi eq, %eq3A_936, %add3A_921 : vector<256x16xi32>
    %and3A_938 = vector.broadcast %gt3A_864 : vector<256x1xi1> to vector<256x16xi1>
    %and3A_939 = arith.andi %eq3A_937, %and3A_938 : vector<256x16xi1>
    %convert_element_type3A_940 = arith.extui %and3A_939 : vector<256x16xi1> to vector<256x16xi32>
    %convert_element_type3A_941 = arith.sitofp %convert_element_type3A_940 : vector<256x16xi32> to vector<256x16xf32>
    %add3A_942 = arith.addf %add3A_935, %convert_element_type3A_941 : vector<256x16xf32>
    %eq3A_943 = vector.broadcast %sub3A_876 : vector<256x1xi32> to vector<256x16xi32>
    %eq3A_944 = arith.cmpi eq, %eq3A_943, %add3A_921 : vector<256x16xi32>
    %and3A_945 = vector.broadcast %gt3A_883 : vector<256x1xi1> to vector<256x16xi1>
    %and3A_946 = arith.andi %eq3A_944, %and3A_945 : vector<256x16xi1>
    %convert_element_type3A_947 = arith.extui %and3A_946 : vector<256x16xi1> to vector<256x16xi32>
    %convert_element_type3A_948 = arith.sitofp %convert_element_type3A_947 : vector<256x16xi32> to vector<256x16xf32>
    %add3A_949 = arith.addf %add3A_942, %convert_element_type3A_948 : vector<256x16xf32>
    %dot_general3A_950 = arith.constant dense<0.000000e+00> : vector<256x256xf32>
    %dot_general3A_951 = tpu.matmul %add3A_949, %get3A_64, %dot_general3A_950 {dimension_numbers = #tpu.dot_dimension_numbers<[1], [0], [0], [1], [0, 0, 1, 1], [], []>, transpose_lhs_hint = false} : vector<256x16xf32>, vector<16x256xf32>, vector<256x256xf32> -> vector<256x256xf32>
    %sub3A_952 = vector.broadcast %mul3A_902 : vector<256x1xf32> to vector<256x256xf32>
    %sub3A_953 = arith.subf %dot_general3A_916, %sub3A_952 : vector<256x256xf32>
    %exp3A_954 = math.exp %sub3A_953 : vector<256x256xf32>
    %mul3A_955 = arith.mulf %dot_general3A_951, %exp3A_954 : vector<256x256xf32>
    %dot_general3A_956 = arith.constant dense<0.000000e+00> : vector<256x128xf32>
    %dot_general3A_957 = tpu.matmul %mul3A_955, %get3A_914, %dot_general3A_956 {dimension_numbers = #tpu.dot_dimension_numbers<[1], [0], [0], [1], [0, 0, 1, 1], [], []>, transpose_lhs_hint = false} : vector<256x256xf32>, vector<256x128xf32>, vector<256x128xf32> -> vector<256x128xf32>
    %add3A_958 = arith.addf %broadcast_in_dim3A_904, %dot_general3A_957 : vector<256x128xf32>
    %get3A_959 = arith.constant 1 : index
    %get3A_960 = arith.constant 256 : index
    %get3A_961 = arith.constant 0 : index
    %get3A_962 = vector.load %arg14[%get3A_959, %get3A_960, %get3A_961] : memref<2x2048x64xf32, #tpu.memory_space<vmem>>, vector<1x256x64xf32>
    %get3A_963 = vector.shape_cast %get3A_962 : vector<1x256x64xf32> to vector<256x64xf32>
    %get3A_964 = arith.constant 1 : index
    %get3A_965 = arith.constant 256 : index
    %get3A_966 = arith.constant 0 : index
    %get3A_967 = vector.load %arg15[%get3A_964, %get3A_965, %get3A_966] : memref<2x2048x128xf32, #tpu.memory_space<vmem>>, vector<1x256x128xf32>
    %get3A_968 = vector.shape_cast %get3A_967 : vector<1x256x128xf32> to vector<256x128xf32>
    %dot_general3A_969 = arith.constant dense<0.000000e+00> : vector<256x256xf32>
    %dot_general3A_970 = tpu.matmul %mul3A_891, %get3A_963, %dot_general3A_969 {dimension_numbers = #tpu.dot_dimension_numbers<[1], [1], [0], [0], [0, 0, 1, 0], [], []>, transpose_lhs_hint = false} : vector<256x64xf32>, vector<256x64xf32>, vector<256x256xf32> -> vector<256x256xf32>
    %broadcast_in_dim3A_971 = arith.constant 0.000000e+00 : f32
    %broadcast_in_dim3A_972 = vector.broadcast %broadcast_in_dim3A_971 : f32 to vector<256x16xf32>
    %add3A_973 = arith.constant 16 : i32
    %add3A_974 = vector.broadcast %add3A_973 : i32 to vector<256x16xi32>
    %add3A_975 = arith.addi %add3A_974, %iota3A_65 : vector<256x16xi32>
    %eq3A_976 = vector.broadcast %sub3A_809 : vector<256x1xi32> to vector<256x16xi32>
    %eq3A_977 = arith.cmpi eq, %eq3A_976, %add3A_975 : vector<256x16xi32>
    %and3A_978 = vector.broadcast %gt3A_816 : vector<256x1xi1> to vector<256x16xi1>
    %and3A_979 = arith.andi %eq3A_977, %and3A_978 : vector<256x16xi1>
    %convert_element_type3A_980 = arith.extui %and3A_979 : vector<256x16xi1> to vector<256x16xi32>
    %convert_element_type3A_981 = arith.sitofp %convert_element_type3A_980 : vector<256x16xi32> to vector<256x16xf32>
    %add3A_982 = arith.addf %broadcast_in_dim3A_972, %convert_element_type3A_981 : vector<256x16xf32>
    %eq3A_983 = vector.broadcast %sub3A_833 : vector<256x1xi32> to vector<256x16xi32>
    %eq3A_984 = arith.cmpi eq, %eq3A_983, %add3A_975 : vector<256x16xi32>
    %and3A_985 = vector.broadcast %gt3A_840 : vector<256x1xi1> to vector<256x16xi1>
    %and3A_986 = arith.andi %eq3A_984, %and3A_985 : vector<256x16xi1>
    %convert_element_type3A_987 = arith.extui %and3A_986 : vector<256x16xi1> to vector<256x16xi32>
    %convert_element_type3A_988 = arith.sitofp %convert_element_type3A_987 : vector<256x16xi32> to vector<256x16xf32>
    %add3A_989 = arith.addf %add3A_982, %convert_element_type3A_988 : vector<256x16xf32>
    %eq3A_990 = vector.broadcast %sub3A_857 : vector<256x1xi32> to vector<256x16xi32>
    %eq3A_991 = arith.cmpi eq, %eq3A_990, %add3A_975 : vector<256x16xi32>
    %and3A_992 = vector.broadcast %gt3A_864 : vector<256x1xi1> to vector<256x16xi1>
    %and3A_993 = arith.andi %eq3A_991, %and3A_992 : vector<256x16xi1>
    %convert_element_type3A_994 = arith.extui %and3A_993 : vector<256x16xi1> to vector<256x16xi32>
    %convert_element_type3A_995 = arith.sitofp %convert_element_type3A_994 : vector<256x16xi32> to vector<256x16xf32>
    %add3A_996 = arith.addf %add3A_989, %convert_element_type3A_995 : vector<256x16xf32>
    %eq3A_997 = vector.broadcast %sub3A_876 : vector<256x1xi32> to vector<256x16xi32>
    %eq3A_998 = arith.cmpi eq, %eq3A_997, %add3A_975 : vector<256x16xi32>
    %and3A_999 = vector.broadcast %gt3A_883 : vector<256x1xi1> to vector<256x16xi1>
    %and3A_1000 = arith.andi %eq3A_998, %and3A_999 : vector<256x16xi1>
    %convert_element_type3A_1001 = arith.extui %and3A_1000 : vector<256x16xi1> to vector<256x16xi32>
    %convert_element_type3A_1002 = arith.sitofp %convert_element_type3A_1001 : vector<256x16xi32> to vector<256x16xf32>
    %add3A_1003 = arith.addf %add3A_996, %convert_element_type3A_1002 : vector<256x16xf32>
    %dot_general3A_1004 = arith.constant dense<0.000000e+00> : vector<256x256xf32>
    %dot_general3A_1005 = tpu.matmul %add3A_1003, %get3A_64, %dot_general3A_1004 {dimension_numbers = #tpu.dot_dimension_numbers<[1], [0], [0], [1], [0, 0, 1, 1], [], []>, transpose_lhs_hint = false} : vector<256x16xf32>, vector<16x256xf32>, vector<256x256xf32> -> vector<256x256xf32>
    %sub3A_1006 = vector.broadcast %mul3A_902 : vector<256x1xf32> to vector<256x256xf32>
    %sub3A_1007 = arith.subf %dot_general3A_970, %sub3A_1006 : vector<256x256xf32>
    %exp3A_1008 = math.exp %sub3A_1007 : vector<256x256xf32>
    %mul3A_1009 = arith.mulf %dot_general3A_1005, %exp3A_1008 : vector<256x256xf32>
    %dot_general3A_1010 = arith.constant dense<0.000000e+00> : vector<256x128xf32>
    %dot_general3A_1011 = tpu.matmul %mul3A_1009, %get3A_968, %dot_general3A_1010 {dimension_numbers = #tpu.dot_dimension_numbers<[1], [0], [0], [1], [0, 0, 1, 1], [], []>, transpose_lhs_hint = false} : vector<256x256xf32>, vector<256x128xf32>, vector<256x128xf32> -> vector<256x128xf32>
    %add3A_1012 = arith.addf %add3A_958, %dot_general3A_1011 : vector<256x128xf32>
    %get3A_1013 = arith.constant 1 : index
    %get3A_1014 = arith.constant 512 : index
    %get3A_1015 = arith.constant 0 : index
    %get3A_1016 = vector.load %arg14[%get3A_1013, %get3A_1014, %get3A_1015] : memref<2x2048x64xf32, #tpu.memory_space<vmem>>, vector<1x256x64xf32>
    %get3A_1017 = vector.shape_cast %get3A_1016 : vector<1x256x64xf32> to vector<256x64xf32>
    %get3A_1018 = arith.constant 1 : index
    %get3A_1019 = arith.constant 512 : index
    %get3A_1020 = arith.constant 0 : index
    %get3A_1021 = vector.load %arg15[%get3A_1018, %get3A_1019, %get3A_1020] : memref<2x2048x128xf32, #tpu.memory_space<vmem>>, vector<1x256x128xf32>
    %get3A_1022 = vector.shape_cast %get3A_1021 : vector<1x256x128xf32> to vector<256x128xf32>
    %dot_general3A_1023 = arith.constant dense<0.000000e+00> : vector<256x256xf32>
    %dot_general3A_1024 = tpu.matmul %mul3A_891, %get3A_1017, %dot_general3A_1023 {dimension_numbers = #tpu.dot_dimension_numbers<[1], [1], [0], [0], [0, 0, 1, 0], [], []>, transpose_lhs_hint = false} : vector<256x64xf32>, vector<256x64xf32>, vector<256x256xf32> -> vector<256x256xf32>
    %broadcast_in_dim3A_1025 = arith.constant 0.000000e+00 : f32
    %broadcast_in_dim3A_1026 = vector.broadcast %broadcast_in_dim3A_1025 : f32 to vector<256x16xf32>
    %add3A_1027 = arith.constant 32 : i32
    %add3A_1028 = vector.broadcast %add3A_1027 : i32 to vector<256x16xi32>
    %add3A_1029 = arith.addi %add3A_1028, %iota3A_65 : vector<256x16xi32>
    %eq3A_1030 = vector.broadcast %sub3A_809 : vector<256x1xi32> to vector<256x16xi32>
    %eq3A_1031 = arith.cmpi eq, %eq3A_1030, %add3A_1029 : vector<256x16xi32>
    %and3A_1032 = vector.broadcast %gt3A_816 : vector<256x1xi1> to vector<256x16xi1>
    %and3A_1033 = arith.andi %eq3A_1031, %and3A_1032 : vector<256x16xi1>
    %convert_element_type3A_1034 = arith.extui %and3A_1033 : vector<256x16xi1> to vector<256x16xi32>
    %convert_element_type3A_1035 = arith.sitofp %convert_element_type3A_1034 : vector<256x16xi32> to vector<256x16xf32>
    %add3A_1036 = arith.addf %broadcast_in_dim3A_1026, %convert_element_type3A_1035 : vector<256x16xf32>
    %eq3A_1037 = vector.broadcast %sub3A_833 : vector<256x1xi32> to vector<256x16xi32>
    %eq3A_1038 = arith.cmpi eq, %eq3A_1037, %add3A_1029 : vector<256x16xi32>
    %and3A_1039 = vector.broadcast %gt3A_840 : vector<256x1xi1> to vector<256x16xi1>
    %and3A_1040 = arith.andi %eq3A_1038, %and3A_1039 : vector<256x16xi1>
    %convert_element_type3A_1041 = arith.extui %and3A_1040 : vector<256x16xi1> to vector<256x16xi32>
    %convert_element_type3A_1042 = arith.sitofp %convert_element_type3A_1041 : vector<256x16xi32> to vector<256x16xf32>
    %add3A_1043 = arith.addf %add3A_1036, %convert_element_type3A_1042 : vector<256x16xf32>
    %eq3A_1044 = vector.broadcast %sub3A_857 : vector<256x1xi32> to vector<256x16xi32>
    %eq3A_1045 = arith.cmpi eq, %eq3A_1044, %add3A_1029 : vector<256x16xi32>
    %and3A_1046 = vector.broadcast %gt3A_864 : vector<256x1xi1> to vector<256x16xi1>
    %and3A_1047 = arith.andi %eq3A_1045, %and3A_1046 : vector<256x16xi1>
    %convert_element_type3A_1048 = arith.extui %and3A_1047 : vector<256x16xi1> to vector<256x16xi32>
    %convert_element_type3A_1049 = arith.sitofp %convert_element_type3A_1048 : vector<256x16xi32> to vector<256x16xf32>
    %add3A_1050 = arith.addf %add3A_1043, %convert_element_type3A_1049 : vector<256x16xf32>
    %eq3A_1051 = vector.broadcast %sub3A_876 : vector<256x1xi32> to vector<256x16xi32>
    %eq3A_1052 = arith.cmpi eq, %eq3A_1051, %add3A_1029 : vector<256x16xi32>
    %and3A_1053 = vector.broadcast %gt3A_883 : vector<256x1xi1> to vector<256x16xi1>
    %and3A_1054 = arith.andi %eq3A_1052, %and3A_1053 : vector<256x16xi1>
    %convert_element_type3A_1055 = arith.extui %and3A_1054 : vector<256x16xi1> to vector<256x16xi32>
    %convert_element_type3A_1056 = arith.sitofp %convert_element_type3A_1055 : vector<256x16xi32> to vector<256x16xf32>
    %add3A_1057 = arith.addf %add3A_1050, %convert_element_type3A_1056 : vector<256x16xf32>
    %dot_general3A_1058 = arith.constant dense<0.000000e+00> : vector<256x256xf32>
    %dot_general3A_1059 = tpu.matmul %add3A_1057, %get3A_64, %dot_general3A_1058 {dimension_numbers = #tpu.dot_dimension_numbers<[1], [0], [0], [1], [0, 0, 1, 1], [], []>, transpose_lhs_hint = false} : vector<256x16xf32>, vector<16x256xf32>, vector<256x256xf32> -> vector<256x256xf32>
    %sub3A_1060 = vector.broadcast %mul3A_902 : vector<256x1xf32> to vector<256x256xf32>
    %sub3A_1061 = arith.subf %dot_general3A_1024, %sub3A_1060 : vector<256x256xf32>
    %exp3A_1062 = math.exp %sub3A_1061 : vector<256x256xf32>
    %mul3A_1063 = arith.mulf %dot_general3A_1059, %exp3A_1062 : vector<256x256xf32>
    %dot_general3A_1064 = arith.constant dense<0.000000e+00> : vector<256x128xf32>
    %dot_general3A_1065 = tpu.matmul %mul3A_1063, %get3A_1022, %dot_general3A_1064 {dimension_numbers = #tpu.dot_dimension_numbers<[1], [0], [0], [1], [0, 0, 1, 1], [], []>, transpose_lhs_hint = false} : vector<256x256xf32>, vector<256x128xf32>, vector<256x128xf32> -> vector<256x128xf32>
    %add3A_1066 = arith.addf %add3A_1012, %dot_general3A_1065 : vector<256x128xf32>
    %get3A_1067 = arith.constant 1 : index
    %get3A_1068 = arith.constant 768 : index
    %get3A_1069 = arith.constant 0 : index
    %get3A_1070 = vector.load %arg14[%get3A_1067, %get3A_1068, %get3A_1069] : memref<2x2048x64xf32, #tpu.memory_space<vmem>>, vector<1x256x64xf32>
    %get3A_1071 = vector.shape_cast %get3A_1070 : vector<1x256x64xf32> to vector<256x64xf32>
    %get3A_1072 = arith.constant 1 : index
    %get3A_1073 = arith.constant 768 : index
    %get3A_1074 = arith.constant 0 : index
    %get3A_1075 = vector.load %arg15[%get3A_1072, %get3A_1073, %get3A_1074] : memref<2x2048x128xf32, #tpu.memory_space<vmem>>, vector<1x256x128xf32>
    %get3A_1076 = vector.shape_cast %get3A_1075 : vector<1x256x128xf32> to vector<256x128xf32>
    %dot_general3A_1077 = arith.constant dense<0.000000e+00> : vector<256x256xf32>
    %dot_general3A_1078 = tpu.matmul %mul3A_891, %get3A_1071, %dot_general3A_1077 {dimension_numbers = #tpu.dot_dimension_numbers<[1], [1], [0], [0], [0, 0, 1, 0], [], []>, transpose_lhs_hint = false} : vector<256x64xf32>, vector<256x64xf32>, vector<256x256xf32> -> vector<256x256xf32>
    %broadcast_in_dim3A_1079 = arith.constant 0.000000e+00 : f32
    %broadcast_in_dim3A_1080 = vector.broadcast %broadcast_in_dim3A_1079 : f32 to vector<256x16xf32>
    %add3A_1081 = arith.constant 48 : i32
    %add3A_1082 = vector.broadcast %add3A_1081 : i32 to vector<256x16xi32>
    %add3A_1083 = arith.addi %add3A_1082, %iota3A_65 : vector<256x16xi32>
    %eq3A_1084 = vector.broadcast %sub3A_809 : vector<256x1xi32> to vector<256x16xi32>
    %eq3A_1085 = arith.cmpi eq, %eq3A_1084, %add3A_1083 : vector<256x16xi32>
    %and3A_1086 = vector.broadcast %gt3A_816 : vector<256x1xi1> to vector<256x16xi1>
    %and3A_1087 = arith.andi %eq3A_1085, %and3A_1086 : vector<256x16xi1>
    %convert_element_type3A_1088 = arith.extui %and3A_1087 : vector<256x16xi1> to vector<256x16xi32>
    %convert_element_type3A_1089 = arith.sitofp %convert_element_type3A_1088 : vector<256x16xi32> to vector<256x16xf32>
    %add3A_1090 = arith.addf %broadcast_in_dim3A_1080, %convert_element_type3A_1089 : vector<256x16xf32>
    %eq3A_1091 = vector.broadcast %sub3A_833 : vector<256x1xi32> to vector<256x16xi32>
    %eq3A_1092 = arith.cmpi eq, %eq3A_1091, %add3A_1083 : vector<256x16xi32>
    %and3A_1093 = vector.broadcast %gt3A_840 : vector<256x1xi1> to vector<256x16xi1>
    %and3A_1094 = arith.andi %eq3A_1092, %and3A_1093 : vector<256x16xi1>
    %convert_element_type3A_1095 = arith.extui %and3A_1094 : vector<256x16xi1> to vector<256x16xi32>
    %convert_element_type3A_1096 = arith.sitofp %convert_element_type3A_1095 : vector<256x16xi32> to vector<256x16xf32>
    %add3A_1097 = arith.addf %add3A_1090, %convert_element_type3A_1096 : vector<256x16xf32>
    %eq3A_1098 = vector.broadcast %sub3A_857 : vector<256x1xi32> to vector<256x16xi32>
    %eq3A_1099 = arith.cmpi eq, %eq3A_1098, %add3A_1083 : vector<256x16xi32>
    %and3A_1100 = vector.broadcast %gt3A_864 : vector<256x1xi1> to vector<256x16xi1>
    %and3A_1101 = arith.andi %eq3A_1099, %and3A_1100 : vector<256x16xi1>
    %convert_element_type3A_1102 = arith.extui %and3A_1101 : vector<256x16xi1> to vector<256x16xi32>
    %convert_element_type3A_1103 = arith.sitofp %convert_element_type3A_1102 : vector<256x16xi32> to vector<256x16xf32>
    %add3A_1104 = arith.addf %add3A_1097, %convert_element_type3A_1103 : vector<256x16xf32>
    %eq3A_1105 = vector.broadcast %sub3A_876 : vector<256x1xi32> to vector<256x16xi32>
    %eq3A_1106 = arith.cmpi eq, %eq3A_1105, %add3A_1083 : vector<256x16xi32>
    %and3A_1107 = vector.broadcast %gt3A_883 : vector<256x1xi1> to vector<256x16xi1>
    %and3A_1108 = arith.andi %eq3A_1106, %and3A_1107 : vector<256x16xi1>
    %convert_element_type3A_1109 = arith.extui %and3A_1108 : vector<256x16xi1> to vector<256x16xi32>
    %convert_element_type3A_1110 = arith.sitofp %convert_element_type3A_1109 : vector<256x16xi32> to vector<256x16xf32>
    %add3A_1111 = arith.addf %add3A_1104, %convert_element_type3A_1110 : vector<256x16xf32>
    %dot_general3A_1112 = arith.constant dense<0.000000e+00> : vector<256x256xf32>
    %dot_general3A_1113 = tpu.matmul %add3A_1111, %get3A_64, %dot_general3A_1112 {dimension_numbers = #tpu.dot_dimension_numbers<[1], [0], [0], [1], [0, 0, 1, 1], [], []>, transpose_lhs_hint = false} : vector<256x16xf32>, vector<16x256xf32>, vector<256x256xf32> -> vector<256x256xf32>
    %sub3A_1114 = vector.broadcast %mul3A_902 : vector<256x1xf32> to vector<256x256xf32>
    %sub3A_1115 = arith.subf %dot_general3A_1078, %sub3A_1114 : vector<256x256xf32>
    %exp3A_1116 = math.exp %sub3A_1115 : vector<256x256xf32>
    %mul3A_1117 = arith.mulf %dot_general3A_1113, %exp3A_1116 : vector<256x256xf32>
    %dot_general3A_1118 = arith.constant dense<0.000000e+00> : vector<256x128xf32>
    %dot_general3A_1119 = tpu.matmul %mul3A_1117, %get3A_1076, %dot_general3A_1118 {dimension_numbers = #tpu.dot_dimension_numbers<[1], [0], [0], [1], [0, 0, 1, 1], [], []>, transpose_lhs_hint = false} : vector<256x256xf32>, vector<256x128xf32>, vector<256x128xf32> -> vector<256x128xf32>
    %add3A_1120 = arith.addf %add3A_1066, %dot_general3A_1119 : vector<256x128xf32>
    %get3A_1121 = arith.constant 1 : index
    %get3A_1122 = arith.constant 1024 : index
    %get3A_1123 = arith.constant 0 : index
    %get3A_1124 = vector.load %arg14[%get3A_1121, %get3A_1122, %get3A_1123] : memref<2x2048x64xf32, #tpu.memory_space<vmem>>, vector<1x256x64xf32>
    %get3A_1125 = vector.shape_cast %get3A_1124 : vector<1x256x64xf32> to vector<256x64xf32>
    %get3A_1126 = arith.constant 1 : index
    %get3A_1127 = arith.constant 1024 : index
    %get3A_1128 = arith.constant 0 : index
    %get3A_1129 = vector.load %arg15[%get3A_1126, %get3A_1127, %get3A_1128] : memref<2x2048x128xf32, #tpu.memory_space<vmem>>, vector<1x256x128xf32>
    %get3A_1130 = vector.shape_cast %get3A_1129 : vector<1x256x128xf32> to vector<256x128xf32>
    %dot_general3A_1131 = arith.constant dense<0.000000e+00> : vector<256x256xf32>
    %dot_general3A_1132 = tpu.matmul %mul3A_891, %get3A_1125, %dot_general3A_1131 {dimension_numbers = #tpu.dot_dimension_numbers<[1], [1], [0], [0], [0, 0, 1, 0], [], []>, transpose_lhs_hint = false} : vector<256x64xf32>, vector<256x64xf32>, vector<256x256xf32> -> vector<256x256xf32>
    %broadcast_in_dim3A_1133 = arith.constant 0.000000e+00 : f32
    %broadcast_in_dim3A_1134 = vector.broadcast %broadcast_in_dim3A_1133 : f32 to vector<256x16xf32>
    %add3A_1135 = arith.constant 64 : i32
    %add3A_1136 = vector.broadcast %add3A_1135 : i32 to vector<256x16xi32>
    %add3A_1137 = arith.addi %add3A_1136, %iota3A_65 : vector<256x16xi32>
    %eq3A_1138 = vector.broadcast %sub3A_809 : vector<256x1xi32> to vector<256x16xi32>
    %eq3A_1139 = arith.cmpi eq, %eq3A_1138, %add3A_1137 : vector<256x16xi32>
    %and3A_1140 = vector.broadcast %gt3A_816 : vector<256x1xi1> to vector<256x16xi1>
    %and3A_1141 = arith.andi %eq3A_1139, %and3A_1140 : vector<256x16xi1>
    %convert_element_type3A_1142 = arith.extui %and3A_1141 : vector<256x16xi1> to vector<256x16xi32>
    %convert_element_type3A_1143 = arith.sitofp %convert_element_type3A_1142 : vector<256x16xi32> to vector<256x16xf32>
    %add3A_1144 = arith.addf %broadcast_in_dim3A_1134, %convert_element_type3A_1143 : vector<256x16xf32>
    %eq3A_1145 = vector.broadcast %sub3A_833 : vector<256x1xi32> to vector<256x16xi32>
    %eq3A_1146 = arith.cmpi eq, %eq3A_1145, %add3A_1137 : vector<256x16xi32>
    %and3A_1147 = vector.broadcast %gt3A_840 : vector<256x1xi1> to vector<256x16xi1>
    %and3A_1148 = arith.andi %eq3A_1146, %and3A_1147 : vector<256x16xi1>
    %convert_element_type3A_1149 = arith.extui %and3A_1148 : vector<256x16xi1> to vector<256x16xi32>
    %convert_element_type3A_1150 = arith.sitofp %convert_element_type3A_1149 : vector<256x16xi32> to vector<256x16xf32>
    %add3A_1151 = arith.addf %add3A_1144, %convert_element_type3A_1150 : vector<256x16xf32>
    %eq3A_1152 = vector.broadcast %sub3A_857 : vector<256x1xi32> to vector<256x16xi32>
    %eq3A_1153 = arith.cmpi eq, %eq3A_1152, %add3A_1137 : vector<256x16xi32>
    %and3A_1154 = vector.broadcast %gt3A_864 : vector<256x1xi1> to vector<256x16xi1>
    %and3A_1155 = arith.andi %eq3A_1153, %and3A_1154 : vector<256x16xi1>
    %convert_element_type3A_1156 = arith.extui %and3A_1155 : vector<256x16xi1> to vector<256x16xi32>
    %convert_element_type3A_1157 = arith.sitofp %convert_element_type3A_1156 : vector<256x16xi32> to vector<256x16xf32>
    %add3A_1158 = arith.addf %add3A_1151, %convert_element_type3A_1157 : vector<256x16xf32>
    %eq3A_1159 = vector.broadcast %sub3A_876 : vector<256x1xi32> to vector<256x16xi32>
    %eq3A_1160 = arith.cmpi eq, %eq3A_1159, %add3A_1137 : vector<256x16xi32>
    %and3A_1161 = vector.broadcast %gt3A_883 : vector<256x1xi1> to vector<256x16xi1>
    %and3A_1162 = arith.andi %eq3A_1160, %and3A_1161 : vector<256x16xi1>
    %convert_element_type3A_1163 = arith.extui %and3A_1162 : vector<256x16xi1> to vector<256x16xi32>
    %convert_element_type3A_1164 = arith.sitofp %convert_element_type3A_1163 : vector<256x16xi32> to vector<256x16xf32>
    %add3A_1165 = arith.addf %add3A_1158, %convert_element_type3A_1164 : vector<256x16xf32>
    %dot_general3A_1166 = arith.constant dense<0.000000e+00> : vector<256x256xf32>
    %dot_general3A_1167 = tpu.matmul %add3A_1165, %get3A_64, %dot_general3A_1166 {dimension_numbers = #tpu.dot_dimension_numbers<[1], [0], [0], [1], [0, 0, 1, 1], [], []>, transpose_lhs_hint = false} : vector<256x16xf32>, vector<16x256xf32>, vector<256x256xf32> -> vector<256x256xf32>
    %sub3A_1168 = vector.broadcast %mul3A_902 : vector<256x1xf32> to vector<256x256xf32>
    %sub3A_1169 = arith.subf %dot_general3A_1132, %sub3A_1168 : vector<256x256xf32>
    %exp3A_1170 = math.exp %sub3A_1169 : vector<256x256xf32>
    %mul3A_1171 = arith.mulf %dot_general3A_1167, %exp3A_1170 : vector<256x256xf32>
    %dot_general3A_1172 = arith.constant dense<0.000000e+00> : vector<256x128xf32>
    %dot_general3A_1173 = tpu.matmul %mul3A_1171, %get3A_1130, %dot_general3A_1172 {dimension_numbers = #tpu.dot_dimension_numbers<[1], [0], [0], [1], [0, 0, 1, 1], [], []>, transpose_lhs_hint = false} : vector<256x256xf32>, vector<256x128xf32>, vector<256x128xf32> -> vector<256x128xf32>
    %add3A_1174 = arith.addf %add3A_1120, %dot_general3A_1173 : vector<256x128xf32>
    %get3A_1175 = arith.constant 1 : index
    %get3A_1176 = arith.constant 1280 : index
    %get3A_1177 = arith.constant 0 : index
    %get3A_1178 = vector.load %arg14[%get3A_1175, %get3A_1176, %get3A_1177] : memref<2x2048x64xf32, #tpu.memory_space<vmem>>, vector<1x256x64xf32>
    %get3A_1179 = vector.shape_cast %get3A_1178 : vector<1x256x64xf32> to vector<256x64xf32>
    %get3A_1180 = arith.constant 1 : index
    %get3A_1181 = arith.constant 1280 : index
    %get3A_1182 = arith.constant 0 : index
    %get3A_1183 = vector.load %arg15[%get3A_1180, %get3A_1181, %get3A_1182] : memref<2x2048x128xf32, #tpu.memory_space<vmem>>, vector<1x256x128xf32>
    %get3A_1184 = vector.shape_cast %get3A_1183 : vector<1x256x128xf32> to vector<256x128xf32>
    %dot_general3A_1185 = arith.constant dense<0.000000e+00> : vector<256x256xf32>
    %dot_general3A_1186 = tpu.matmul %mul3A_891, %get3A_1179, %dot_general3A_1185 {dimension_numbers = #tpu.dot_dimension_numbers<[1], [1], [0], [0], [0, 0, 1, 0], [], []>, transpose_lhs_hint = false} : vector<256x64xf32>, vector<256x64xf32>, vector<256x256xf32> -> vector<256x256xf32>
    %broadcast_in_dim3A_1187 = arith.constant 0.000000e+00 : f32
    %broadcast_in_dim3A_1188 = vector.broadcast %broadcast_in_dim3A_1187 : f32 to vector<256x16xf32>
    %add3A_1189 = arith.constant 80 : i32
    %add3A_1190 = vector.broadcast %add3A_1189 : i32 to vector<256x16xi32>
    %add3A_1191 = arith.addi %add3A_1190, %iota3A_65 : vector<256x16xi32>
    %eq3A_1192 = vector.broadcast %sub3A_809 : vector<256x1xi32> to vector<256x16xi32>
    %eq3A_1193 = arith.cmpi eq, %eq3A_1192, %add3A_1191 : vector<256x16xi32>
    %and3A_1194 = vector.broadcast %gt3A_816 : vector<256x1xi1> to vector<256x16xi1>
    %and3A_1195 = arith.andi %eq3A_1193, %and3A_1194 : vector<256x16xi1>
    %convert_element_type3A_1196 = arith.extui %and3A_1195 : vector<256x16xi1> to vector<256x16xi32>
    %convert_element_type3A_1197 = arith.sitofp %convert_element_type3A_1196 : vector<256x16xi32> to vector<256x16xf32>
    %add3A_1198 = arith.addf %broadcast_in_dim3A_1188, %convert_element_type3A_1197 : vector<256x16xf32>
    %eq3A_1199 = vector.broadcast %sub3A_833 : vector<256x1xi32> to vector<256x16xi32>
    %eq3A_1200 = arith.cmpi eq, %eq3A_1199, %add3A_1191 : vector<256x16xi32>
    %and3A_1201 = vector.broadcast %gt3A_840 : vector<256x1xi1> to vector<256x16xi1>
    %and3A_1202 = arith.andi %eq3A_1200, %and3A_1201 : vector<256x16xi1>
    %convert_element_type3A_1203 = arith.extui %and3A_1202 : vector<256x16xi1> to vector<256x16xi32>
    %convert_element_type3A_1204 = arith.sitofp %convert_element_type3A_1203 : vector<256x16xi32> to vector<256x16xf32>
    %add3A_1205 = arith.addf %add3A_1198, %convert_element_type3A_1204 : vector<256x16xf32>
    %eq3A_1206 = vector.broadcast %sub3A_857 : vector<256x1xi32> to vector<256x16xi32>
    %eq3A_1207 = arith.cmpi eq, %eq3A_1206, %add3A_1191 : vector<256x16xi32>
    %and3A_1208 = vector.broadcast %gt3A_864 : vector<256x1xi1> to vector<256x16xi1>
    %and3A_1209 = arith.andi %eq3A_1207, %and3A_1208 : vector<256x16xi1>
    %convert_element_type3A_1210 = arith.extui %and3A_1209 : vector<256x16xi1> to vector<256x16xi32>
    %convert_element_type3A_1211 = arith.sitofp %convert_element_type3A_1210 : vector<256x16xi32> to vector<256x16xf32>
    %add3A_1212 = arith.addf %add3A_1205, %convert_element_type3A_1211 : vector<256x16xf32>
    %eq3A_1213 = vector.broadcast %sub3A_876 : vector<256x1xi32> to vector<256x16xi32>
    %eq3A_1214 = arith.cmpi eq, %eq3A_1213, %add3A_1191 : vector<256x16xi32>
    %and3A_1215 = vector.broadcast %gt3A_883 : vector<256x1xi1> to vector<256x16xi1>
    %and3A_1216 = arith.andi %eq3A_1214, %and3A_1215 : vector<256x16xi1>
    %convert_element_type3A_1217 = arith.extui %and3A_1216 : vector<256x16xi1> to vector<256x16xi32>
    %convert_element_type3A_1218 = arith.sitofp %convert_element_type3A_1217 : vector<256x16xi32> to vector<256x16xf32>
    %add3A_1219 = arith.addf %add3A_1212, %convert_element_type3A_1218 : vector<256x16xf32>
    %dot_general3A_1220 = arith.constant dense<0.000000e+00> : vector<256x256xf32>
    %dot_general3A_1221 = tpu.matmul %add3A_1219, %get3A_64, %dot_general3A_1220 {dimension_numbers = #tpu.dot_dimension_numbers<[1], [0], [0], [1], [0, 0, 1, 1], [], []>, transpose_lhs_hint = false} : vector<256x16xf32>, vector<16x256xf32>, vector<256x256xf32> -> vector<256x256xf32>
    %sub3A_1222 = vector.broadcast %mul3A_902 : vector<256x1xf32> to vector<256x256xf32>
    %sub3A_1223 = arith.subf %dot_general3A_1186, %sub3A_1222 : vector<256x256xf32>
    %exp3A_1224 = math.exp %sub3A_1223 : vector<256x256xf32>
    %mul3A_1225 = arith.mulf %dot_general3A_1221, %exp3A_1224 : vector<256x256xf32>
    %dot_general3A_1226 = arith.constant dense<0.000000e+00> : vector<256x128xf32>
    %dot_general3A_1227 = tpu.matmul %mul3A_1225, %get3A_1184, %dot_general3A_1226 {dimension_numbers = #tpu.dot_dimension_numbers<[1], [0], [0], [1], [0, 0, 1, 1], [], []>, transpose_lhs_hint = false} : vector<256x256xf32>, vector<256x128xf32>, vector<256x128xf32> -> vector<256x128xf32>
    %add3A_1228 = arith.addf %add3A_1174, %dot_general3A_1227 : vector<256x128xf32>
    %get3A_1229 = arith.constant 1 : index
    %get3A_1230 = arith.constant 1536 : index
    %get3A_1231 = arith.constant 0 : index
    %get3A_1232 = vector.load %arg14[%get3A_1229, %get3A_1230, %get3A_1231] : memref<2x2048x64xf32, #tpu.memory_space<vmem>>, vector<1x256x64xf32>
    %get3A_1233 = vector.shape_cast %get3A_1232 : vector<1x256x64xf32> to vector<256x64xf32>
    %get3A_1234 = arith.constant 1 : index
    %get3A_1235 = arith.constant 1536 : index
    %get3A_1236 = arith.constant 0 : index
    %get3A_1237 = vector.load %arg15[%get3A_1234, %get3A_1235, %get3A_1236] : memref<2x2048x128xf32, #tpu.memory_space<vmem>>, vector<1x256x128xf32>
    %get3A_1238 = vector.shape_cast %get3A_1237 : vector<1x256x128xf32> to vector<256x128xf32>
    %dot_general3A_1239 = arith.constant dense<0.000000e+00> : vector<256x256xf32>
    %dot_general3A_1240 = tpu.matmul %mul3A_891, %get3A_1233, %dot_general3A_1239 {dimension_numbers = #tpu.dot_dimension_numbers<[1], [1], [0], [0], [0, 0, 1, 0], [], []>, transpose_lhs_hint = false} : vector<256x64xf32>, vector<256x64xf32>, vector<256x256xf32> -> vector<256x256xf32>
    %broadcast_in_dim3A_1241 = arith.constant 0.000000e+00 : f32
    %broadcast_in_dim3A_1242 = vector.broadcast %broadcast_in_dim3A_1241 : f32 to vector<256x16xf32>
    %add3A_1243 = arith.constant 96 : i32
    %add3A_1244 = vector.broadcast %add3A_1243 : i32 to vector<256x16xi32>
    %add3A_1245 = arith.addi %add3A_1244, %iota3A_65 : vector<256x16xi32>
    %eq3A_1246 = vector.broadcast %sub3A_809 : vector<256x1xi32> to vector<256x16xi32>
    %eq3A_1247 = arith.cmpi eq, %eq3A_1246, %add3A_1245 : vector<256x16xi32>
    %and3A_1248 = vector.broadcast %gt3A_816 : vector<256x1xi1> to vector<256x16xi1>
    %and3A_1249 = arith.andi %eq3A_1247, %and3A_1248 : vector<256x16xi1>
    %convert_element_type3A_1250 = arith.extui %and3A_1249 : vector<256x16xi1> to vector<256x16xi32>
    %convert_element_type3A_1251 = arith.sitofp %convert_element_type3A_1250 : vector<256x16xi32> to vector<256x16xf32>
    %add3A_1252 = arith.addf %broadcast_in_dim3A_1242, %convert_element_type3A_1251 : vector<256x16xf32>
    %eq3A_1253 = vector.broadcast %sub3A_833 : vector<256x1xi32> to vector<256x16xi32>
    %eq3A_1254 = arith.cmpi eq, %eq3A_1253, %add3A_1245 : vector<256x16xi32>
    %and3A_1255 = vector.broadcast %gt3A_840 : vector<256x1xi1> to vector<256x16xi1>
    %and3A_1256 = arith.andi %eq3A_1254, %and3A_1255 : vector<256x16xi1>
    %convert_element_type3A_1257 = arith.extui %and3A_1256 : vector<256x16xi1> to vector<256x16xi32>
    %convert_element_type3A_1258 = arith.sitofp %convert_element_type3A_1257 : vector<256x16xi32> to vector<256x16xf32>
    %add3A_1259 = arith.addf %add3A_1252, %convert_element_type3A_1258 : vector<256x16xf32>
    %eq3A_1260 = vector.broadcast %sub3A_857 : vector<256x1xi32> to vector<256x16xi32>
    %eq3A_1261 = arith.cmpi eq, %eq3A_1260, %add3A_1245 : vector<256x16xi32>
    %and3A_1262 = vector.broadcast %gt3A_864 : vector<256x1xi1> to vector<256x16xi1>
    %and3A_1263 = arith.andi %eq3A_1261, %and3A_1262 : vector<256x16xi1>
    %convert_element_type3A_1264 = arith.extui %and3A_1263 : vector<256x16xi1> to vector<256x16xi32>
    %convert_element_type3A_1265 = arith.sitofp %convert_element_type3A_1264 : vector<256x16xi32> to vector<256x16xf32>
    %add3A_1266 = arith.addf %add3A_1259, %convert_element_type3A_1265 : vector<256x16xf32>
    %eq3A_1267 = vector.broadcast %sub3A_876 : vector<256x1xi32> to vector<256x16xi32>
    %eq3A_1268 = arith.cmpi eq, %eq3A_1267, %add3A_1245 : vector<256x16xi32>
    %and3A_1269 = vector.broadcast %gt3A_883 : vector<256x1xi1> to vector<256x16xi1>
    %and3A_1270 = arith.andi %eq3A_1268, %and3A_1269 : vector<256x16xi1>
    %convert_element_type3A_1271 = arith.extui %and3A_1270 : vector<256x16xi1> to vector<256x16xi32>
    %convert_element_type3A_1272 = arith.sitofp %convert_element_type3A_1271 : vector<256x16xi32> to vector<256x16xf32>
    %add3A_1273 = arith.addf %add3A_1266, %convert_element_type3A_1272 : vector<256x16xf32>
    %dot_general3A_1274 = arith.constant dense<0.000000e+00> : vector<256x256xf32>
    %dot_general3A_1275 = tpu.matmul %add3A_1273, %get3A_64, %dot_general3A_1274 {dimension_numbers = #tpu.dot_dimension_numbers<[1], [0], [0], [1], [0, 0, 1, 1], [], []>, transpose_lhs_hint = false} : vector<256x16xf32>, vector<16x256xf32>, vector<256x256xf32> -> vector<256x256xf32>
    %sub3A_1276 = vector.broadcast %mul3A_902 : vector<256x1xf32> to vector<256x256xf32>
    %sub3A_1277 = arith.subf %dot_general3A_1240, %sub3A_1276 : vector<256x256xf32>
    %exp3A_1278 = math.exp %sub3A_1277 : vector<256x256xf32>
    %mul3A_1279 = arith.mulf %dot_general3A_1275, %exp3A_1278 : vector<256x256xf32>
    %dot_general3A_1280 = arith.constant dense<0.000000e+00> : vector<256x128xf32>
    %dot_general3A_1281 = tpu.matmul %mul3A_1279, %get3A_1238, %dot_general3A_1280 {dimension_numbers = #tpu.dot_dimension_numbers<[1], [0], [0], [1], [0, 0, 1, 1], [], []>, transpose_lhs_hint = false} : vector<256x256xf32>, vector<256x128xf32>, vector<256x128xf32> -> vector<256x128xf32>
    %add3A_1282 = arith.addf %add3A_1228, %dot_general3A_1281 : vector<256x128xf32>
    %get3A_1283 = arith.constant 1 : index
    %get3A_1284 = arith.constant 1792 : index
    %get3A_1285 = arith.constant 0 : index
    %get3A_1286 = vector.load %arg14[%get3A_1283, %get3A_1284, %get3A_1285] : memref<2x2048x64xf32, #tpu.memory_space<vmem>>, vector<1x256x64xf32>
    %get3A_1287 = vector.shape_cast %get3A_1286 : vector<1x256x64xf32> to vector<256x64xf32>
    %get3A_1288 = arith.constant 1 : index
    %get3A_1289 = arith.constant 1792 : index
    %get3A_1290 = arith.constant 0 : index
    %get3A_1291 = vector.load %arg15[%get3A_1288, %get3A_1289, %get3A_1290] : memref<2x2048x128xf32, #tpu.memory_space<vmem>>, vector<1x256x128xf32>
    %get3A_1292 = vector.shape_cast %get3A_1291 : vector<1x256x128xf32> to vector<256x128xf32>
    %dot_general3A_1293 = arith.constant dense<0.000000e+00> : vector<256x256xf32>
    %dot_general3A_1294 = tpu.matmul %mul3A_891, %get3A_1287, %dot_general3A_1293 {dimension_numbers = #tpu.dot_dimension_numbers<[1], [1], [0], [0], [0, 0, 1, 0], [], []>, transpose_lhs_hint = false} : vector<256x64xf32>, vector<256x64xf32>, vector<256x256xf32> -> vector<256x256xf32>
    %broadcast_in_dim3A_1295 = arith.constant 0.000000e+00 : f32
    %broadcast_in_dim3A_1296 = vector.broadcast %broadcast_in_dim3A_1295 : f32 to vector<256x16xf32>
    %add3A_1297 = arith.constant 112 : i32
    %add3A_1298 = vector.broadcast %add3A_1297 : i32 to vector<256x16xi32>
    %add3A_1299 = arith.addi %add3A_1298, %iota3A_65 : vector<256x16xi32>
    %eq3A_1300 = vector.broadcast %sub3A_809 : vector<256x1xi32> to vector<256x16xi32>
    %eq3A_1301 = arith.cmpi eq, %eq3A_1300, %add3A_1299 : vector<256x16xi32>
    %and3A_1302 = vector.broadcast %gt3A_816 : vector<256x1xi1> to vector<256x16xi1>
    %and3A_1303 = arith.andi %eq3A_1301, %and3A_1302 : vector<256x16xi1>
    %convert_element_type3A_1304 = arith.extui %and3A_1303 : vector<256x16xi1> to vector<256x16xi32>
    %convert_element_type3A_1305 = arith.sitofp %convert_element_type3A_1304 : vector<256x16xi32> to vector<256x16xf32>
    %add3A_1306 = arith.addf %broadcast_in_dim3A_1296, %convert_element_type3A_1305 : vector<256x16xf32>
    %eq3A_1307 = vector.broadcast %sub3A_833 : vector<256x1xi32> to vector<256x16xi32>
    %eq3A_1308 = arith.cmpi eq, %eq3A_1307, %add3A_1299 : vector<256x16xi32>
    %and3A_1309 = vector.broadcast %gt3A_840 : vector<256x1xi1> to vector<256x16xi1>
    %and3A_1310 = arith.andi %eq3A_1308, %and3A_1309 : vector<256x16xi1>
    %convert_element_type3A_1311 = arith.extui %and3A_1310 : vector<256x16xi1> to vector<256x16xi32>
    %convert_element_type3A_1312 = arith.sitofp %convert_element_type3A_1311 : vector<256x16xi32> to vector<256x16xf32>
    %add3A_1313 = arith.addf %add3A_1306, %convert_element_type3A_1312 : vector<256x16xf32>
    %eq3A_1314 = vector.broadcast %sub3A_857 : vector<256x1xi32> to vector<256x16xi32>
    %eq3A_1315 = arith.cmpi eq, %eq3A_1314, %add3A_1299 : vector<256x16xi32>
    %and3A_1316 = vector.broadcast %gt3A_864 : vector<256x1xi1> to vector<256x16xi1>
    %and3A_1317 = arith.andi %eq3A_1315, %and3A_1316 : vector<256x16xi1>
    %convert_element_type3A_1318 = arith.extui %and3A_1317 : vector<256x16xi1> to vector<256x16xi32>
    %convert_element_type3A_1319 = arith.sitofp %convert_element_type3A_1318 : vector<256x16xi32> to vector<256x16xf32>
    %add3A_1320 = arith.addf %add3A_1313, %convert_element_type3A_1319 : vector<256x16xf32>
    %eq3A_1321 = vector.broadcast %sub3A_876 : vector<256x1xi32> to vector<256x16xi32>
    %eq3A_1322 = arith.cmpi eq, %eq3A_1321, %add3A_1299 : vector<256x16xi32>
    %and3A_1323 = vector.broadcast %gt3A_883 : vector<256x1xi1> to vector<256x16xi1>
    %and3A_1324 = arith.andi %eq3A_1322, %and3A_1323 : vector<256x16xi1>
    %convert_element_type3A_1325 = arith.extui %and3A_1324 : vector<256x16xi1> to vector<256x16xi32>
    %convert_element_type3A_1326 = arith.sitofp %convert_element_type3A_1325 : vector<256x16xi32> to vector<256x16xf32>
    %add3A_1327 = arith.addf %add3A_1320, %convert_element_type3A_1326 : vector<256x16xf32>
    %dot_general3A_1328 = arith.constant dense<0.000000e+00> : vector<256x256xf32>
    %dot_general3A_1329 = tpu.matmul %add3A_1327, %get3A_64, %dot_general3A_1328 {dimension_numbers = #tpu.dot_dimension_numbers<[1], [0], [0], [1], [0, 0, 1, 1], [], []>, transpose_lhs_hint = false} : vector<256x16xf32>, vector<16x256xf32>, vector<256x256xf32> -> vector<256x256xf32>
    %sub3A_1330 = vector.broadcast %mul3A_902 : vector<256x1xf32> to vector<256x256xf32>
    %sub3A_1331 = arith.subf %dot_general3A_1294, %sub3A_1330 : vector<256x256xf32>
    %exp3A_1332 = math.exp %sub3A_1331 : vector<256x256xf32>
    %mul3A_1333 = arith.mulf %dot_general3A_1329, %exp3A_1332 : vector<256x256xf32>
    %dot_general3A_1334 = arith.constant dense<0.000000e+00> : vector<256x128xf32>
    %dot_general3A_1335 = tpu.matmul %mul3A_1333, %get3A_1292, %dot_general3A_1334 {dimension_numbers = #tpu.dot_dimension_numbers<[1], [0], [0], [1], [0, 0, 1, 1], [], []>, transpose_lhs_hint = false} : vector<256x256xf32>, vector<256x128xf32>, vector<256x128xf32> -> vector<256x128xf32>
    %add3A_1336 = arith.addf %add3A_1282, %dot_general3A_1335 : vector<256x128xf32>
    %get3A_1337 = arith.constant 1 : index
    %get3A_1338 = arith.index_cast %multiple_of3A : i32 to index
    %get3A_1339 = arith.constant 0 : index
    %get3A_1340 = vector.load %arg14[%get3A_1337, %get3A_1338, %get3A_1339] : memref<2x2048x64xf32, #tpu.memory_space<vmem>>, vector<1x384x64xf32>
    %get3A_1341 = vector.shape_cast %get3A_1340 : vector<1x384x64xf32> to vector<384x64xf32>
    %get3A_1342 = arith.constant 1 : index
    %get3A_1343 = arith.index_cast %multiple_of3A : i32 to index
    %get3A_1344 = arith.constant 0 : index
    %get3A_1345 = vector.load %arg15[%get3A_1342, %get3A_1343, %get3A_1344] : memref<2x2048x128xf32, #tpu.memory_space<vmem>>, vector<1x384x128xf32>
    %get3A_1346 = vector.shape_cast %get3A_1345 : vector<1x384x128xf32> to vector<384x128xf32>
    %dot_general3A_1347 = arith.constant dense<0.000000e+00> : vector<256x384xf32>
    %dot_general3A_1348 = tpu.matmul %mul3A_891, %get3A_1341, %dot_general3A_1347 {dimension_numbers = #tpu.dot_dimension_numbers<[1], [1], [0], [0], [0, 0, 1, 0], [], []>, transpose_lhs_hint = false} : vector<256x64xf32>, vector<384x64xf32>, vector<256x384xf32> -> vector<256x384xf32>
    %sub3A_1349 = vector.broadcast %mul3A_902 : vector<256x1xf32> to vector<256x384xf32>
    %sub3A_1350 = arith.subf %dot_general3A_1348, %sub3A_1349 : vector<256x384xf32>
    %exp3A_1351 = math.exp %sub3A_1350 : vector<256x384xf32>
    %jit3A_1352 = arith.constant 0.000000e+00 : f32
    %broadcast_in_dim3A_1353 = vector.broadcast %jit3A_1352 : f32 to vector<256x384xf32>
    %select_n3A_1354 = arith.select %and3A_83, %exp3A_1351, %broadcast_in_dim3A_1353 : vector<256x384xi1>, vector<256x384xf32>
    %dot_general3A_1355 = arith.constant dense<0.000000e+00> : vector<256x128xf32>
    %dot_general3A_1356 = tpu.matmul %select_n3A_1354, %get3A_1346, %dot_general3A_1355 {dimension_numbers = #tpu.dot_dimension_numbers<[1], [0], [0], [1], [0, 0, 1, 1], [], []>, transpose_lhs_hint = false} : vector<256x384xf32>, vector<384x128xf32>, vector<256x128xf32> -> vector<256x128xf32>
    %slice3A_1357 = vector.extract_strided_slice %dot_general3A_1356 {offsets = [0, 0], sizes = [256, 64], strides = [1, 1]} : vector<256x128xf32> to vector<256x64xf32>
    %slice3A_1358 = vector.extract_strided_slice %dot_general3A_1356 {offsets = [0, 64], sizes = [256, 1], strides = [1, 1]} : vector<256x128xf32> to vector<256x1xf32>
    %div3A_1359 = vector.broadcast %slice3A_1358 : vector<256x1xf32> to vector<256x64xf32>
    %div3A_1360 = arith.divf %slice3A_1357, %div3A_1359 : vector<256x64xf32>
    %swap3A_1361 = arith.constant 0 : index
    %swap3A_1362 = arith.constant 64 : index
    %swap3A_1363 = vector.load %arg13[%swap3A_1361, %swap3A_1362] : memref<256x128xf32, #tpu.memory_space<vmem>>, vector<256x64xf32>
    tpu.vector_store %arg13[%swap3A_1361, %swap3A_1362], %div3A_1360 {strides = array<i32>} : memref<256x128xf32, #tpu.memory_space<vmem>>, vector<256x64xf32>,
    %jit3A_1364 = arith.constant 16 : i32
    %div3A_1365 = vector.broadcast %jit3A_1364 : i32 to vector<256x384xi32>
    %div3A_1366 = arith.divsi %add3A_73, %div3A_1365 : vector<256x384xi32>
    %sign3A_1367 = arith.constant 0 : i32
    %sign3A_1368 = vector.broadcast %sign3A_1367 : i32 to vector<256x384xi32>
    %sign3A_1369 = arith.cmpi sgt, %add3A_73, %sign3A_1368 : vector<256x384xi32>
    %sign3A_1370 = arith.extui %sign3A_1369 : vector<256x384xi1> to vector<256x384xi32>
    %sign3A_1371 = arith.constant 0 : i32
    %sign3A_1372 = vector.broadcast %sign3A_1371 : i32 to vector<256x384xi32>
    %sign3A_1373 = arith.cmpi slt, %add3A_73, %sign3A_1372 : vector<256x384xi32>
    %sign3A_1374 = arith.extui %sign3A_1373 : vector<256x384xi1> to vector<256x384xi32>
    %sign3A_1375 = arith.subi %sign3A_1370, %sign3A_1374 : vector<256x384xi32>
    %sign3A_1376 = arith.constant 0 : i32
    %sign3A_1377 = arith.cmpi sgt, %jit3A_1364, %sign3A_1376 : i32
    %sign3A_1378 = arith.extui %sign3A_1377 : i1 to i32
    %sign3A_1379 = arith.constant 0 : i32
    %sign3A_1380 = arith.cmpi slt, %jit3A_1364, %sign3A_1379 : i32
    %sign3A_1381 = arith.extui %sign3A_1380 : i1 to i32
    %sign3A_1382 = arith.subi %sign3A_1378, %sign3A_1381 : i32
    %ne3A_1383 = vector.broadcast %sign3A_1382 : i32 to vector<256x384xi32>
    %ne3A_1384 = arith.cmpi ne, %sign3A_1375, %ne3A_1383 : vector<256x384xi32>
    %rem3A_1385 = vector.broadcast %jit3A_1364 : i32 to vector<256x384xi32>
    %rem3A_1386 = arith.remsi %add3A_73, %rem3A_1385 : vector<256x384xi32>
    %ne3A_1387 = arith.constant 0 : i32
    %ne3A_1388 = vector.broadcast %ne3A_1387 : i32 to vector<256x384xi32>
    %ne3A_1389 = arith.cmpi ne, %rem3A_1386, %ne3A_1388 : vector<256x384xi32>
    %and3A_1390 = arith.andi %ne3A_1384, %ne3A_1389 : vector<256x384xi1>
    %sub3A_1391 = arith.constant 1 : i32
    %sub3A_1392 = vector.broadcast %sub3A_1391 : i32 to vector<256x384xi32>
    %sub3A_1393 = arith.subi %div3A_1366, %sub3A_1392 : vector<256x384xi32>
    %select_n3A_1394 = arith.select %and3A_1390, %sub3A_1393, %div3A_1366 : vector<256x384xi1>, vector<256x384xi32>
    %eq3A_1395 = vector.broadcast %select_n3A_61 : vector<256x1xi32> to vector<256x384xi32>
    %eq3A_1396 = arith.cmpi eq, %select_n3A_1394, %eq3A_1395 : vector<256x384xi32>
    %and3A_1397 = arith.andi %le3A, %eq3A_1396 : vector<256x384xi1>
    %jit3A_1398 = arith.constant 0.000000e+00 : f32
    %broadcast_in_dim3A_1399 = vector.broadcast %jit3A_1398 : f32 to vector<256x384xf32>
    %select_n3A_1400 = arith.select %and3A_1397, %exp3A_1351, %broadcast_in_dim3A_1399 : vector<256x384xi1>, vector<256x384xf32>
    %dot_general3A_1401 = arith.constant dense<0.000000e+00> : vector<256x128xf32>
    %dot_general3A_1402 = tpu.matmul %select_n3A_1400, %get3A_1346, %dot_general3A_1401 {dimension_numbers = #tpu.dot_dimension_numbers<[1], [0], [0], [1], [0, 0, 1, 1], [], []>, transpose_lhs_hint = false} : vector<256x384xf32>, vector<384x128xf32>, vector<256x128xf32> -> vector<256x128xf32>
    %add3A_1403 = arith.addf %add3A_1336, %dot_general3A_1402 : vector<256x128xf32>
    %slice3A_1404 = vector.extract_strided_slice %add3A_1403 {offsets = [0, 0], sizes = [256, 64], strides = [1, 1]} : vector<256x128xf32> to vector<256x64xf32>
    %slice3A_1405 = vector.extract_strided_slice %add3A_1403 {offsets = [0, 64], sizes = [256, 1], strides = [1, 1]} : vector<256x128xf32> to vector<256x1xf32>
    %div3A_1406 = vector.broadcast %slice3A_1405 : vector<256x1xf32> to vector<256x64xf32>
    %div3A_1407 = arith.divf %slice3A_1404, %div3A_1406 : vector<256x64xf32>
    %swap3A_1408 = arith.constant 0 : index
    %swap3A_1409 = arith.constant 64 : index
    %swap3A_1410 = vector.load %arg12[%swap3A_1408, %swap3A_1409] : memref<256x128xf32, #tpu.memory_space<vmem>>, vector<256x64xf32>
    tpu.vector_store %arg12[%swap3A_1408, %swap3A_1409], %div3A_1407 {strides = array<i32>} : memref<256x128xf32, #tpu.memory_space<vmem>>, vector<256x64xf32>,
    return
  }
  func.func @transform_0(%arg0: i32, %arg1: i32) -> (i32, i32) {
    %c0_i32 = arith.constant 0 : i32
    return %arg1, %arg0 : i32, i32
  }
  func.func @transform_1(%arg0: i32, %arg1: i32) -> (i32, i32) {
    %c0_i32 = arith.constant 0 : i32
    %c0_i32_0 = arith.constant 0 : i32
    return %c0_i32, %arg0 : i32, i32
  }
  func.func @transform_2(%arg0: i32, %arg1: i32) -> (i32, i32) {
    %c0_i32 = arith.constant 0 : i32
    %c0_i32_0 = arith.constant 0 : i32
    return %c0_i32, %arg0 : i32, i32
  }
  func.func @transform_3(%arg0: i32, %arg1: i32) -> (i32, i32, i32) {
    %c0_i32 = arith.constant 0 : i32
    %c0_i32_0 = arith.constant 0 : i32
    %c0_i32_1 = arith.constant 0 : i32
    return %arg0, %c0_i32, %c0_i32_0 : i32, i32, i32
  }
  func.func @transform_4(%arg0: i32, %arg1: i32) -> (i32, i32, i32) {
    %c0_i32 = arith.constant 0 : i32
    %c0_i32_0 = arith.constant 0 : i32
    %c0_i32_1 = arith.constant 0 : i32
    return %arg0, %c0_i32, %c0_i32_0 : i32, i32, i32
  }
  func.func @transform_5(%arg0: i32, %arg1: i32) -> (i32, i32) {
    %c0_i32 = arith.constant 0 : i32
    %c0_i32_0 = arith.constant 0 : i32
    %c0_i32_1 = arith.constant 0 : i32
    return %c0_i32, %c0_i32_0 : i32, i32
  }
  func.func @transform_6(%arg0: i32, %arg1: i32) -> (i32, i32) {
    %c0_i32 = arith.constant 0 : i32
    %c0_i32_0 = arith.constant 0 : i32
    %c0_i32_1 = arith.constant 0 : i32
    return %c0_i32, %c0_i32_0 : i32, i32
  }
  func.func @transform_7(%arg0: i32, %arg1: i32) -> (i32, i32) {
    %c0_i32 = arith.constant 0 : i32
    %c0_i32_0 = arith.constant 0 : i32
    %c0_i32_1 = arith.constant 0 : i32
    return %c0_i32, %c0_i32_0 : i32, i32
  }
  func.func @transform_8(%arg0: i32, %arg1: i32) -> (i32, i32) {
    %c0_i32 = arith.constant 0 : i32
    %c0_i32_0 = arith.constant 0 : i32
    %c0_i32_1 = arith.constant 0 : i32
    return %c0_i32, %c0_i32_0 : i32, i32
  }
  func.func @transform_9(%arg0: i32, %arg1: i32) -> (i32, i32) {
    %c0_i32 = arith.constant 0 : i32
    return %arg1, %arg0 : i32, i32
  }
  func.func @transform_10(%arg0: i32, %arg1: i32) -> (i32, i32) {
    %c0_i32 = arith.constant 0 : i32
    return %arg1, %arg0 : i32, i32
  }
  func.func @transform_11(%arg0: i32, %arg1: i32) -> (i32, i32) {
    %c0_i32 = arith.constant 0 : i32
    return %arg1, %arg0 : i32, i32
  }
}

module attributes {stable_mosaic.version = 14 : i64} {
  func.func @_comb_kernel(%arg0: i32, %arg1: memref<256x36xf32, #tpu.memory_space<vmem>>, %arg2: memref<1x36xf32, #tpu.memory_space<vmem>>, %arg3: memref<256x768xf32, #tpu.memory_space<vmem>>, %arg4: memref<256x768xf32, #tpu.memory_space<vmem>>, %arg5: memref<256x768xf32, #tpu.memory_space<vmem>>, %arg6: memref<36x768xf32, #tpu.memory_space<vmem>>, %arg7: memref<36x768xf32, #tpu.memory_space<vmem>>, %arg8: memref<36x768xf32, #tpu.memory_space<vmem>>, %arg9: memref<768x768xf32, #tpu.memory_space<vmem>>, %arg10: memref<256x768xf32, #tpu.memory_space<vmem>>) attributes {dimension_semantics = [#tpu.dimension_semantics<arbitrary>], iteration_bounds = array<i64: 8>, scalar_prefetch = 0 : i64, scratch_operands = 0 : i64, tpu.core_type = #tpu.core_type<tc>, window_params = [{transform_indices = @transform_0, window_bounds = array<i64: 256, 36>}, {pipeline_mode = #tpu.pipeline_mode<synchronous>, transform_indices = @transform_1, window_bounds = array<i64: 1, 36>}, {transform_indices = @transform_2, window_bounds = array<i64: 256, 768>}, {transform_indices = @transform_3, window_bounds = array<i64: 256, 768>}, {transform_indices = @transform_4, window_bounds = array<i64: 256, 768>}, {pipeline_mode = #tpu.pipeline_mode<synchronous>, transform_indices = @transform_5, window_bounds = array<i64: 36, 768>}, {pipeline_mode = #tpu.pipeline_mode<synchronous>, transform_indices = @transform_6, window_bounds = array<i64: 36, 768>}, {pipeline_mode = #tpu.pipeline_mode<synchronous>, transform_indices = @transform_7, window_bounds = array<i64: 36, 768>}, {pipeline_mode = #tpu.pipeline_mode<synchronous>, transform_indices = @transform_8, window_bounds = array<i64: 768, 768>}, {transform_indices = @transform_9, window_bounds = array<i64: 256, 768>}]} {
    %get3A = arith.constant 0 : index
    %get3A_0 = arith.constant 0 : index
    %get3A_1 = vector.load %arg1[%get3A, %get3A_0] : memref<256x36xf32, #tpu.memory_space<vmem>>, vector<256x36xf32>
    %get3A_2 = arith.constant 0 : index
    %get3A_3 = arith.constant 0 : index
    %get3A_4 = vector.load %arg2[%get3A_2, %get3A_3] : memref<1x36xf32, #tpu.memory_space<vmem>>, vector<1x36xf32>
    %add3A = vector.broadcast %get3A_4 : vector<1x36xf32> to vector<256x36xf32>
    %add3A_5 = arith.addf %get3A_1, %add3A : vector<256x36xf32>
    %logistic3A = arith.negf %add3A_5 : vector<256x36xf32>
    %logistic3A_6 = math.exp %logistic3A : vector<256x36xf32>
    %logistic3A_7 = arith.constant 1.000000e+00 : f32
    %logistic3A_8 = vector.broadcast %logistic3A_7 : f32 to vector<256x36xf32>
    %logistic3A_9 = arith.addf %logistic3A_8, %logistic3A_6 : vector<256x36xf32>
    %logistic3A_10 = arith.divf %logistic3A_8, %logistic3A_9 : vector<256x36xf32>
    %get3A_11 = arith.constant 0 : index
    %get3A_12 = arith.constant 0 : index
    %get3A_13 = vector.load %arg6[%get3A_11, %get3A_12] : memref<36x768xf32, #tpu.memory_space<vmem>>, vector<36x768xf32>
    %dot_general3A = arith.constant dense<0.000000e+00> : vector<256x768xf32>
    %dot_general3A_14 = tpu.matmul %logistic3A_10, %get3A_13, %dot_general3A {dimension_numbers = #tpu.dot_dimension_numbers<[1], [0], [0], [1], [0, 0, 1, 1], [], []>, transpose_lhs_hint = false} : vector<256x36xf32>, vector<36x768xf32>, vector<256x768xf32> -> vector<256x768xf32>
    %get3A_15 = arith.constant 0 : index
    %get3A_16 = arith.constant 0 : index
    %get3A_17 = vector.load %arg3[%get3A_15, %get3A_16] : memref<256x768xf32, #tpu.memory_space<vmem>>, vector<256x768xf32>
    %mul3A = arith.mulf %dot_general3A_14, %get3A_17 : vector<256x768xf32>
    %get3A_18 = arith.constant 0 : index
    %get3A_19 = arith.constant 0 : index
    %get3A_20 = vector.load %arg7[%get3A_18, %get3A_19] : memref<36x768xf32, #tpu.memory_space<vmem>>, vector<36x768xf32>
    %dot_general3A_21 = arith.constant dense<0.000000e+00> : vector<256x768xf32>
    %dot_general3A_22 = tpu.matmul %logistic3A_10, %get3A_20, %dot_general3A_21 {dimension_numbers = #tpu.dot_dimension_numbers<[1], [0], [0], [1], [0, 0, 1, 1], [], []>, transpose_lhs_hint = false} : vector<256x36xf32>, vector<36x768xf32>, vector<256x768xf32> -> vector<256x768xf32>
    %get3A_23 = arith.constant 0 : index
    %get3A_24 = arith.constant 0 : index
    %get3A_25 = vector.load %arg4[%get3A_23, %get3A_24] : memref<256x768xf32, #tpu.memory_space<vmem>>, vector<256x768xf32>
    %mul3A_26 = arith.mulf %dot_general3A_22, %get3A_25 : vector<256x768xf32>
    %add3A_27 = arith.addf %mul3A, %mul3A_26 : vector<256x768xf32>
    %get3A_28 = arith.constant 0 : index
    %get3A_29 = arith.constant 0 : index
    %get3A_30 = vector.load %arg8[%get3A_28, %get3A_29] : memref<36x768xf32, #tpu.memory_space<vmem>>, vector<36x768xf32>
    %dot_general3A_31 = arith.constant dense<0.000000e+00> : vector<256x768xf32>
    %dot_general3A_32 = tpu.matmul %logistic3A_10, %get3A_30, %dot_general3A_31 {dimension_numbers = #tpu.dot_dimension_numbers<[1], [0], [0], [1], [0, 0, 1, 1], [], []>, transpose_lhs_hint = false} : vector<256x36xf32>, vector<36x768xf32>, vector<256x768xf32> -> vector<256x768xf32>
    %get3A_33 = arith.constant 0 : index
    %get3A_34 = arith.constant 0 : index
    %get3A_35 = vector.load %arg5[%get3A_33, %get3A_34] : memref<256x768xf32, #tpu.memory_space<vmem>>, vector<256x768xf32>
    %mul3A_36 = arith.mulf %dot_general3A_32, %get3A_35 : vector<256x768xf32>
    %add3A_37 = arith.addf %add3A_27, %mul3A_36 : vector<256x768xf32>
    %get3A_38 = arith.constant 0 : index
    %get3A_39 = arith.constant 0 : index
    %get3A_40 = vector.load %arg9[%get3A_38, %get3A_39] : memref<768x768xf32, #tpu.memory_space<vmem>>, vector<768x768xf32>
    %dot_general3A_41 = arith.constant dense<0.000000e+00> : vector<256x768xf32>
    %dot_general3A_42 = tpu.matmul %add3A_37, %get3A_40, %dot_general3A_41 {dimension_numbers = #tpu.dot_dimension_numbers<[1], [0], [0], [1], [0, 0, 1, 1], [], []>, transpose_lhs_hint = false} : vector<256x768xf32>, vector<768x768xf32>, vector<256x768xf32> -> vector<256x768xf32>
    %swap3A = arith.constant 0 : index
    %swap3A_43 = arith.constant 0 : index
    %swap3A_44 = vector.load %arg10[%swap3A, %swap3A_43] : memref<256x768xf32, #tpu.memory_space<vmem>>, vector<256x768xf32>
    tpu.vector_store %arg10[%swap3A, %swap3A_43], %dot_general3A_42 {strides = array<i32>} : memref<256x768xf32, #tpu.memory_space<vmem>>, vector<256x768xf32>,
    return
  }
  func.func @transform_0(%arg0: i32) -> (i32, i32) {
    %c0_i32 = arith.constant 0 : i32
    %c0_i32_0 = arith.constant 0 : i32
    return %arg0, %c0_i32 : i32, i32
  }
  func.func @transform_1(%arg0: i32) -> (i32, i32) {
    %c0_i32 = arith.constant 0 : i32
    %c0_i32_0 = arith.constant 0 : i32
    %c0_i32_1 = arith.constant 0 : i32
    return %c0_i32, %c0_i32_0 : i32, i32
  }
  func.func @transform_2(%arg0: i32) -> (i32, i32) {
    %c0_i32 = arith.constant 0 : i32
    %c0_i32_0 = arith.constant 0 : i32
    return %arg0, %c0_i32 : i32, i32
  }
  func.func @transform_3(%arg0: i32) -> (i32, i32) {
    %c0_i32 = arith.constant 0 : i32
    %c0_i32_0 = arith.constant 0 : i32
    return %arg0, %c0_i32 : i32, i32
  }
  func.func @transform_4(%arg0: i32) -> (i32, i32) {
    %c0_i32 = arith.constant 0 : i32
    %c0_i32_0 = arith.constant 0 : i32
    return %arg0, %c0_i32 : i32, i32
  }
  func.func @transform_5(%arg0: i32) -> (i32, i32) {
    %c0_i32 = arith.constant 0 : i32
    %c0_i32_0 = arith.constant 0 : i32
    %c0_i32_1 = arith.constant 0 : i32
    return %c0_i32, %c0_i32_0 : i32, i32
  }
  func.func @transform_6(%arg0: i32) -> (i32, i32) {
    %c0_i32 = arith.constant 0 : i32
    %c0_i32_0 = arith.constant 0 : i32
    %c0_i32_1 = arith.constant 0 : i32
    return %c0_i32, %c0_i32_0 : i32, i32
  }
  func.func @transform_7(%arg0: i32) -> (i32, i32) {
    %c0_i32 = arith.constant 0 : i32
    %c0_i32_0 = arith.constant 0 : i32
    %c0_i32_1 = arith.constant 0 : i32
    return %c0_i32, %c0_i32_0 : i32, i32
  }
  func.func @transform_8(%arg0: i32) -> (i32, i32) {
    %c0_i32 = arith.constant 0 : i32
    %c0_i32_0 = arith.constant 0 : i32
    %c0_i32_1 = arith.constant 0 : i32
    return %c0_i32, %c0_i32_0 : i32, i32
  }
  func.func @transform_9(%arg0: i32) -> (i32, i32) {
    %c0_i32 = arith.constant 0 : i32
    %c0_i32_0 = arith.constant 0 : i32
    return %arg0, %c0_i32 : i32, i32
  }
}

</mosaic_0001>

<sc_bundles>
// kernel: kernel.7.cloned.1.call-start
scs
__scs_entry_jumppad:
0x0: {  	(pc) =	sbr.rel $0x88, $3  }
0x1: {  	(tag) =	ssettag $0x0;
	lr =	simm.s32 $0x1  }
0x2: {  	[smem:$0x3F90] =	sst lr;
	_ =	strace $0xD0000000  }
0x3: {  	_ = 	snop  }
0x4: {  	_ = 	snop  }
0x5: {  	_ = 	snop  }
0x6: {  	_ = 	snop  }
0x7: {  	_ = 	snop  }
__scs_overlays_trampoline_lowered:
0x8: {  	[smem:$0x3F9F] =	sst s0  }
0x9: {  	[smem:$0x3FA0] =	sst s1  }
0xa: {  	[smem:$0x3FA1] =	sst s2  }
0xb: {  	[smem:$0x3FA2] =	sst s3  }
0xc: {  	[smem:$0x3FA3] =	sst s4  }
0xd: {  	[smem:$0x3FA4] =	sst s5  }
0xe: {  	[smem:$0x3FA5] =	sst s6  }
0xf: {  	[smem:$0x3FA6] =	sst s7  }
0x10: {  	[smem:$0x3FA7] =	sst s8  }
0x11: {  	[smem:$0x3FA8] =	sst s9;
	s0 =	simm.s32 @!p0 $0x0  }
0x12: {  	s1 =	sld [smem:$0x3F8E];
	s0 =	simm.s32 @p0 $0x1  }
0x13: {  	[smem:$0x3FA9] =	sst s0;
	s0 =	simm.s32 @!p1 $0x0  }
0x14: {  	s2 =	sld [smem:$0x3F8D];
	s0 =	simm.s32 @p1 $0x1  }
0x15: {  	[smem:$0x3FAA] =	sst s0;
	s0 =	simm.s32 @!p2 $0x0  }
0x16: {  	s3 =	sld [smem:$0x3FDB];
	s0 =	simm.s32 @p2 $0x1  }
0x17: {  	s4 =	simm.s32 $0x1BF5;
	[smem:$0x3FAC] =	sst s0  }
0x18: {  	s0 =	sld [smem:$0x3F8F];
	_ =	swait.ge [sflag:s4], $0x0  }
0x19: {  	s7 =	sld [smem:$0x3F90]  }
0x1a: {  	s8 =	sadd.s32 $0xFFFFE003, lr  }
0x1b: {  	s9 =	sadd.s32 $0xFFFFFEF7, lr;
	s5 =	simm.s32 $0xFFFFFFFF;
	p2 =	slt.u32 s8, $0xFFFFF086  }
0x1c: {  	p1 =	slt.u32 s9, $0xF7A;
	s5 =	simm.s32 @!p2 $0x0  }
0x1d: {  	s5 =	simm.s32 @p1 $0x1;
	p0 =	seq.s32 s7, s2  }
0x1e: {  	s7 =	smul.u32 @!p0 $0xF7A, s2;
	p2 =	seq.s32 @!p0 s5, $0x0  }
0x1f: {  	s9 =	smul.u32 $0xF7A, s1;
	s8 =	simm.s32 @!p0 $0x1BF5;
	p2 =	por !p2, p0  }
0x20: {  	[sflag:s8] =	ssyncset.s32 @!p0 $0xFFFFF086;
	s6 =	sadd.s32 @!p0 s3, s7;
	s7 =	simm.s32 @!p0 $0x108  }
0x21: {  	s3 =	sadd.s32 s3, s9;
	s6 =	sadd.s32 @!p0 $0x88, s6;
	s7 =	simm.s32 @p2 $0x1082  }
0x22: {  	[simem:s7], [sflag:s8] =	dma.local @!p0 [hbm:s6], $0xF7A  }
0x23: {  	s9 =	sor.u32 $0xD0000000, s2;
	s6 =	simm.s32 $0x108;
	_ =	swait.ge @!p0 [sflag:s8], $0x0  }
0x24: {  	s3 =	sadd.s32 $0x88, s3;
	s6 =	simm.s32 @!p1 $0x1082;
	[sflag:s4] =	ssyncset.s32 $0xFFFFF086  }
0x25: {  	[simem:s6], [sflag:s4] =	dma.local [hbm:s3], $0xF7A  }
0x26: {  	[smem:$0x3F90] =	sst s1;
	(tag) =	ssettag s2;
	_ =	strace s9  }
0x27: {  	s1 =	sld [smem:$0x3FA0]  }
0x28: {  	s2 =	sld [smem:$0x3FA1]  }
0x29: {  	s4 =	sld [smem:$0x3FA3]  }
0x2a: {  	p0 =	seq.s32 s5, $0x0;
	s5 =	sld [smem:$0x3FA4]  }
0x2b: {  	s6 =	sld [smem:$0x3FA5]  }
0x2c: {  	s7 =	sld [smem:$0x3FA6]  }
0x2d: {  	s3 =	simm.s32 $0x108;
	s8 =	sld [smem:$0x3FA7]  }
0x2e: {  	s3 =	simm.s32 @!p0 $0x1082;
	s9 =	sld [smem:$0x3FA8]  }
0x2f: {  	lr =	sadd.s32 s0, s3;
	s0 =	sld [smem:$0x3F9F]  }
0x30: {  	s3 =	sld [smem:$0x3FA2]  }
0x31: {  	[smem:$0x3FAB] =	sst s10  }
0x32: {  	s10 =	sld [smem:$0x3FA9];
	_ =	sdelay $0x3  }
0x33: {  	p0 =	seq.s32 s10, $0x1;
	s10 =	sld [smem:$0x3FAB];
	_ =	sdelay $0x3  }
0x34: {  	[smem:$0x3FAB] =	sst s10  }
0x35: {  	s10 =	sld [smem:$0x3FAA];
	_ =	sdelay $0x3  }
0x36: {  	p1 =	seq.s32 s10, $0x1;
	s10 =	sld [smem:$0x3FAB];
	_ =	sdelay $0x3  }
0x37: {  	[smem:$0x3FAB] =	sst s10  }
0x38: {  	s10 =	sld [smem:$0x3FAC]  }
0x39: {  	_ = 	snop;
	(pc) =	sbr.ind lr, $3  }
0x3a: {  	_ = 	snop  }
0x3b: {  	_ = 	snop  }
0x3c: {  	p2 =	seq.s32 s10, $0x1;
	s10 =	sld [smem:$0x3FAB]  }
0x3d: {  	_ =	shalt  }
0x3e: {  	_ =	shalt  }
0x3f: {  	_ =	shalt  }
0x40: {  	_ =	shalt  }
0x41: {  	_ =	shalt  }
0x42: {  	_ =	shalt  }
0x43: {  	_ =	shalt  }
0x44: {  	_ =	shalt  }
0x45: {  	_ =	shalt  }
0x46: {  	_ =	shalt  }
0x47: {  	_ =	shalt  }
0x48: {  	_ =	shalt  }
0x49: {  	_ =	shalt  }
0x4a: {  	_ =	shalt  }
0x4b: {  	_ =	shalt  }
0x4c: {  	_ =	shalt  }
0x4d: {  	_ =	shalt  }
0x4e: {  	_ =	shalt  }
0x4f: {  	_ =	shalt  }
0x50: {  	_ =	shalt  }
0x51: {  	_ =	shalt  }
0x52: {  	_ =	shalt  }
0x53: {  	_ =	shalt  }
0x54: {  	_ =	shalt  }
0x55: {  	_ =	shalt  }
0x56: {  	_ =	shalt  }
0x57: {  	_ =	shalt  }
0x58: {  	_ =	shalt  }
0x59: {  	_ =	shalt  }
0x5a: {  	_ =	shalt  }
0x5b: {  	_ =	shalt  }
0x5c: {  	_ =	shalt  }
0x5d: {  	_ =	shalt  }
0x5e: {  	_ =	shalt  }
0x5f: {  	_ =	shalt  }
0x60: {  	_ =	shalt  }
0x61: {  	_ =	shalt  }
0x62: {  	_ =	shalt  }
0x63: {  	_ =	shalt  }
0x64: {  	_ =	shalt  }
0x65: {  	_ =	shalt  }
0x66: {  	_ =	shalt  }
0x67: {  	_ =	shalt  }
0x68: {  	_ =	shalt  }
0x69: {  	_ =	shalt  }
0x6a: {  	_ =	shalt  }
0x6b: {  	_ =	shalt  }
0x6c: {  	_ =	shalt  }
0x6d: {  	_ =	shalt  }
0x6e: {  	_ =	shalt  }
0x6f: {  	_ =	shalt  }
0x70: {  	_ =	shalt  }
0x71: {  	_ =	shalt  }
0x72: {  	_ =	shalt  }
0x73: {  	_ =	shalt  }
0x74: {  	_ =	shalt  }
0x75: {  	_ =	shalt  }
0x76: {  	_ =	shalt  }
0x77: {  	_ =	shalt  }
0x78: {  	_ =	shalt  }
0x79: {  	_ =	shalt  }
0x7a: {  	_ =	shalt  }
0x7b: {  	_ =	shalt  }
0x7c: {  	_ =	shalt  }
0x7d: {  	_ =	shalt  }
0x7e: {  	_ =	shalt  }
0x7f: {  	_ =	shalt  }
0x80: {  	_ =	shalt  }
0x81: {  	_ =	shalt  }
0x82: {  	_ =	shalt  }
0x83: {  	_ =	shalt  }
0x84: {  	_ =	shalt  }
0x85: {  	_ =	shalt  }
0x86: {  	_ =	shalt  }
0x87: {  	_ =	shalt  }
.Lfunc_end0:
.L_simem_size_0:
called_computation_lowered:
.L_overlay_start_0:
0x88: {  	s2 =	sld [smem:$0x3FD9]  }
0x89: {  	s3 =	sld [smem:$0x3FFE];
	_ =	sdelay $0x1  }
0x8a: {  	s1 =	srdreg.scid  }
0x8b: {  	s0 =	sand.u32 $0x1, s1  }
0x8c: {  	s16 =	sshll.u32 s0, $0xA;
	s2 =	sadd.s32 s3, s2  }
0x8d: {  	s2 =	sadd.s32 s2, s16  }
0x8e: {  	[smem:$0x3FB7] =	sst s2  }
0x8f: {  	_ = 	snop  }
0x90: {  	(tm) =	ssettm $0x1  }
0x91: {  	s17 =	sld [smem:$0x3FFB];
	_ =	sdelay $0x3  }
0x92: {  	_ =	strace s17  }
0x93: {  	s2 =	sld [smem:$0x3FFC];
	_ =	sdelay $0x3  }
0x94: {  	_ =	strace s2  }
0x95: {  	s2 =	sld [smem:$0x3FFD];
	_ =	sdelay $0x3  }
0x96: {  	_ =	strace s2  }
0x97: {  	_ =	strace $0x8FFFFFFF  }
0x98: {  	s18 =	sld [smem:$0x3FDB];
	_ =	sdelay $0x1  }
0x99: {  	s19 =	simm.s32 $_scs_section_size  }
0x9a: {  	s4 =	simm.s32 $_size__tile_overlayer_lowered;
	s5 =	simm.s32 $_tile_overlayer_lowered  }
0x9b: {  	s22 =	simm.s32 $0x1BFF;
	s21 =	sshll.u32 s5, $0x1;
	s2 =	sadd.s32 s19, s18  }
0x9c: {  	s6 =	simm.s32 $0x0;
	s20 =	sshll.u32 s4, $0x1;
	s4 =	sadd.s32 s21, s2  }
0x9d: {  	[timem:s6], [sflag:s22] =	dma.local [hbm:s4], s20  }
0x9e: {  	_ =	swait.ge [sflag:s22], s20  }
0x9f: {  	s3 =	ssub.s32 $0x0, s20;
	[sflag:s22] =	ssyncset.done $0x0  }
0xa0: {  	[sflag:s22] =	ssyncadd.s32 s3;
	_ =	sdelay $0x1  }
0xa1: {  	s23 =	simm.s32 $0x1B8B  }
0xa2: {  	_ =	swait.ge [sflag:s23], $0x1  }
0xa3: {  	[sflag:s23] =	ssyncset.done $0x0  }
0xa4: {  	s25 =	simm.s32 $0x1B8E;
	s24 =	sld [smem:$0x3FFE];
	[sflag:s23] =	ssyncadd.s32 $0xFFFFFFFF  }
0xa5: {  	s26 =	simm.s32 $execute0_lowered;
	[smem:$0x3FD2] =	sst s25  }
0xa6: {  	s4 =	sshll.u32 s26, $0x1;
	_ =	strace $0x80000046;
	[dreg:$0x1] =	wrdreg $0xFFFFFFFF  }
0xa7: {  	s28 =	simm.s32 $_size_execute0_lowered;
	s2 =	sadd.s32 s2, s4;
	[dreg:$0x0] =	wrdreg $0x0  }
0xa8: {  	s4 =	sshll.u32 s28, $0x1;
	[dreg:$0x2] =	wrdreg s2  }
0xa9: {  	[dreg:$0x3] =	wrdreg s4  }
0xaa: {  	[dreg:$0x4] =	wrdreg $0xC0  }
0xab: {  	_ =	task [dreg:s6], $0x5FFFF  }
0xac: {  	[dreg:$0x1] =	wrdreg $0xFFFFFFFF  }
0xad: {  	[dreg:$0x0] =	wrdreg $0x60  }
0xae: {  	[dreg:$0x2] =	wrdreg s24  }
0xaf: {  	[dreg:$0x3] =	wrdreg $0x9  }
0xb0: {  	_ =	task.clear_ibuf [dreg:s6], $0x4FFFF;
	_ =	strace $0x90000046  }
0xb1: {  	s29 =	simm.s32 $0x9;
	_ =	strace $0x80000048  }
0xb2: {  	_ =	swait.ge [sflag:s29], $0x1  }
0xb3: {  	[sflag:s29] =	ssyncadd.s32 $0xFFFFFFFF  }
0xb4: {  	_ =	strace $0x90000048  }
0xb5: {  	_ =	sfence  }
0xb6: {  	s30 =	sld [smem:$0x0];
	_ =	sdelay $0x2  }
0xb7: {  	s31 =	sshll.u32 s1, $0xD;
	s1 =	sshrl.u32 s1, $0x2  }
0xb8: {  	s3 =	sand.u32 $0x4000, s31;
	s1 =	sadd.s32 s1, s30  }
0xb9: {  	s0 =	sor.u32 s3, s0;
	s1 =	sshll.u32 s1, $0x11  }
0xba: {  	s0 =	sor.u32 s1, s0  }
0xbb: {  	s0 =	sadd.s32 $0x8F2B, s0  }
0xbc: {  	[sflag:s0] =	ssyncadd.remote.s32 $0x1  }
0xbd: {  	_ =	sfence.sel $0xFFFF  }
0xbe: {  	[dreg:$0x0] =	wrdreg $0xFFFFFFFF;
	(pc) =	sbr.abs _section_cstart, $3  }
0xbf: {  	[dreg:$0x1] =	wrdreg $0xFFFFFFFF  }
0xc0: {  	_ =	task.clear_ibuf [dreg:s6], $0x2FFFF;
	_ =	strace $0x9FFFFFFF  }
0xc1: {  	(tm) =	ssettm $0x7FFFFFFF  }
tec
execute0_lowered:
.L_overlay_start_1:
0x0: {  	(tag) =	ssettag $0x1  }
0x1: {  	s2 =	srdreg.scid  }
0x2: {  	s1 =	rddreg [dreg:$0x0];
	s5 =	sand.u32 $0x1, s2;
	s2 =	simm.s32 $0x0  }
0x3: {  	s0 =	stileid.u32;
	s25 =	simm.s32 $0x880;
	[smem:$0x7FF] =	sst s2  }
0x4: {  	s26 =	simm.s32 $0x1080;
	_ =	strace $0x80000047;
	[dreg:$0x5] =	wrdreg s25  }
0x5: {  	s23 =	sshll.u32 s0, $0x1;
	s0 =	simm.s32 $0x1880;
	[dreg:$0x6] =	wrdreg s26  }
0x6: {  	s6 =	simm.s32 $0x2880;
	[dreg:$0x7] =	wrdreg s0  }
0x7: {  	s7 =	simm.s32 $0x3080;
	[dreg:$0x9] =	wrdreg s6  }
0x8: {  	s8 =	simm.s32 $0x3880;
	[dreg:$0xa] =	wrdreg s7  }
0x9: {  	s9 =	simm.s32 $0x4080;
	[dreg:$0xb] =	wrdreg s8  }
0xa: {  	s10 =	simm.s32 $0x4880;
	[dreg:$0xc] =	wrdreg s9  }
0xb: {  	s11 =	simm.s32 $0x5080;
	s12 =	simm.s32 $0x5880;
	[dreg:$0xd] =	wrdreg s10  }
0xc: {  	s13 =	simm.s32 $0x6080;
	s14 =	simm.s32 $0x6880;
	[dreg:$0xe] =	wrdreg s11  }
0xd: {  	s15 =	simm.s32 $0x7080;
	s16 =	simm.s32 $0x7880;
	[dreg:$0xf] =	wrdreg s12  }
0xe: {  	s17 =	simm.s32 $0x8880;
	s18 =	simm.s32 $0x9080;
	[dreg:$0x10] =	wrdreg s13  }
0xf: {  	s19 =	simm.s32 $0x9880;
	s20 =	simm.s32 $0xA080;
	[dreg:$0x11] =	wrdreg s14  }
0x10: {  	s21 =	simm.s32 $0xA880;
	s22 =	simm.s32 $0xD880;
	[dreg:$0x12] =	wrdreg s15  }
0x11: {  	s28 =	simm.s32 $0x16080;
	s29 =	simm.s32 $0x16880;
	[dreg:$0x13] =	wrdreg s16  }
0x12: {  	s30 =	simm.s32 $0x17080;
	s31 =	simm.s32 $0x17880;
	[dreg:$0x15] =	wrdreg s17  }
0x13: {  	s3 =	sor.u32 s5, s23;
	s5 =	ssub.s32 $0x2, s5;
	[dreg:$0x16] =	wrdreg s18  }
0x14: {  	s23 =	simm.s32 $0xE080;
	s4 =	sshll.u32 s3, $0x4;
	[dreg:$0x17] =	wrdreg s19  }
0x15: {  	s3 =	smul.u32 $0x1800, s3;
	s6 =	simm.s32 $0x8080;
	[dreg:$0x18] =	wrdreg s20  }
0x16: {  	s7 =	sshrl.u32 s5, $0x1;
	[dreg:$0x19] =	wrdreg s21;
	s8 =	simm.s32 $0xB080  }
0x17: {  	s9 =	simm.s32 $0xB880;
	s10 =	simm.s32 $0xC880;
	[dreg:$0x1e] =	wrdreg s22  }
0x18: {  	s12 =	simm.s32 $0xD080;
	[dreg:$0x1f] =	wrdreg s23;
	s13 =	simm.s32 $0x80  }
0x19: {  	s25 =	simm.s32 $0xF080;
	s14 =	simm.s32 $0xC080;
	s26 =	simm.s32 $0xF880  }
0x1a: {  	s16 =	simm.s32 $0x10880;
	s17 =	simm.s32 $0x11080;
	s18 =	simm.s32 $0x11880  }
0x1b: {  	s19 =	simm.s32 $0x12080;
	s20 =	simm.s32 $0x12880;
	[dreg:$0x14] =	wrdreg s6  }
0x1c: {  	s21 =	simm.s32 $0x13080;
	s22 =	simm.s32 $0x13880;
	[dreg:$0x1a] =	wrdreg s8  }
0x1d: {  	s23 =	simm.s32 $0x14080;
	s4 =	sadd.s32 s4, s1;
	[dreg:$0x1b] =	wrdreg s9  }
0x1e: {  	s11 =	ssub.s32 s5, s7;
	s5 =	sadd.s32 $0x4500, s1;
	[dreg:$0x1c] =	wrdreg s10  }
0x1f: {  	s6 =	sadd.s32 $0x4600, s1;
	s7 =	sadd.s32 $0x4700, s1;
	[dreg:$0x1d] =	wrdreg s12  }
0x20: {  	s8 =	sadd.s32 $0x4D00, s1;
	s9 =	sadd.s32 $0x4E00, s1;
	[smem:$0x7FC] =	sst s25  }
0x21: {  	[smem:$0x7FD] =	sst s26;
	s3 =	sadd.s32 s3, s1;
	s4 =	sadd.s32 $0x5400, s4  }
0x22: {  	s10 =	sadd.s32 $0x4F00, s1;
	[dreg:$0x2] =	wrdreg s4;
	s24 =	sadd.s32 $0x5600, s3  }
0x23: {  	s12 =	simm.s32 $0x2;
	s3 =	sadd.s32 $0x35600, s3;
	[dreg:$0x3] =	wrdreg s24  }
0x24: {  	s25 =	simm.s32 $0x15080;
	s4 =	simm.s32 $0x2080;
	[dreg:$0x4] =	wrdreg s3  }
0x25: {  	v2 =	vlaneseq.u32;
	s26 =	simm.s32 $0x15880;
	s11 =	smax.u32 s11, $0x1;
	[dreg:$0x8] =	wrdreg s4  }
0x26: {  	vm0 =	vmmov $0xffff;
	v1 =	vshrl.u32 v2, $0x3;
	s3 =	sadd.s32 $0x4400, s1;
	s4 =	sadd.s32 $0x4C00, s1;
	s24 =	simm.s32 $0xE880  }
0x27: {  	v0 =	vand.u32 $0x7, v2;
	v2 =	vor.u32 $0x8, v2;
	v1 =	vmul.u32 $0x8, v1;
	s1 =	simm.s32 $0x1;
	[smem:$0x7FB] =	sst s24;
	s24 =	simm.s32 $0x14880  }
.LBB2_1:
0x28: {  	s0 =	rddreg [dreg:$0x2]  }
0x29: {  	[tilespmem:s2], [sflag:$0x2] =	stream.linear.gather [hbm4b:s0+s2], $0x80, $0x38;
	[tilespmem:$0x18080] =	vst v63  }
0x2a: {  	_ =	swait.ge [sflag:s12], $0x80  }
0x2b: {  	[sflag:s12] =	ssyncset.done $0x0  }
0x2c: {  	[sflag:s12] =	ssyncadd.s32 $0xFFFFFF80  }
0x2d: {  	v3 =	vld [tilespmem:$0x0];
	_ =	sdelay $0x4  }
0x2e: {  	v4 =	vshll.u32 v3, $0x3  }
0x2f: {  	v3 =	vand.u32 $0x7, v3;
	v4 =	vand.u32 $0xFFFFFFC0, v4  }
0x30: {  	v3 =	vor.u32 v3, v4  }
0x31: {  	v4 =	vperm.xlane v3, v0;
	_ =	sdelay $0x1  }
0x32: {  	v4 =	vadd.s32 v1, v4;
	_ =	sdelay $0x4  }
0x33: {  	[tilespmem:s13], [sflag:$0x1] =	stream.indirect_vreg.gather [hbm4b:s3+s2], $0x80, v4, vm0, $0xb8;
	[tilespmem:$0x18080] =	vst v63  }
0x34: {  	s0 =	rddreg [dreg:$0x5];
	v3 =	vperm.xlane v3, v2  }
0x35: {  	[tilespmem:s0], [sflag:$0x1] =	stream.indirect_vreg.gather [hbm4b:s5+s2], $0x80, v4, vm0, $0xb8;
	[tilespmem:$0x18080] =	vst v63  }
0x36: {  	s15 =	rddreg [dreg:$0x6];
	v3 =	vadd.s32 v1, v3  }
0x37: {  	[tilespmem:s15], [sflag:$0x1] =	stream.indirect_vreg.gather [hbm4b:s6+s2], $0x80, v4, vm0, $0xb8;
	[tilespmem:$0x18080] =	vst v63  }
0x38: {  	s0 =	rddreg [dreg:$0x7]  }
0x39: {  	[tilespmem:s0], [sflag:$0x1] =	stream.indirect_vreg.gather [hbm4b:s7+s2], $0x80, v4, vm0, $0xb8;
	[tilespmem:$0x18080] =	vst v63  }
0x3a: {  	s15 =	rddreg [dreg:$0x8]  }
0x3b: {  	[tilespmem:s15], [sflag:$0x1] =	stream.indirect_vreg.gather [hbm4b:s3+s2], $0x80, v3, vm0, $0xb8;
	[tilespmem:$0x18080] =	vst v63  }
0x3c: {  	s0 =	rddreg [dreg:$0x9]  }
0x3d: {  	[tilespmem:s0], [sflag:$0x1] =	stream.indirect_vreg.gather [hbm4b:s5+s2], $0x80, v3, vm0, $0xb8;
	[tilespmem:$0x18080] =	vst v63  }
0x3e: {  	s15 =	rddreg [dreg:$0xa]  }
0x3f: {  	[tilespmem:s15], [sflag:$0x1] =	stream.indirect_vreg.gather [hbm4b:s6+s2], $0x80, v3, vm0, $0xb8;
	[tilespmem:$0x18080] =	vst v63  }
0x40: {  	s0 =	rddreg [dreg:$0xb]  }
0x41: {  	[tilespmem:s0], [sflag:$0x1] =	stream.indirect_vreg.gather [hbm4b:s7+s2], $0x80, v3, vm0, $0xb8;
	[tilespmem:$0x18080] =	vst v63  }
0x42: {  	v3 =	vld [tilespmem:$0x10];
	_ =	sdelay $0x4  }
0x43: {  	v59 =	vshll.u32 v3, $0x3  }
0x44: {  	v3 =	vand.u32 $0x7, v3;
	v4 =	vand.u32 $0xFFFFFFC0, v59  }
0x45: {  	v3 =	vor.u32 v3, v4  }
0x46: {  	v4 =	vperm.xlane v3, v0;
	_ =	sdelay $0x1  }
0x47: {  	v4 =	vadd.s32 v1, v4;
	_ =	sdelay $0x3  }
0x48: {  	s0 =	rddreg [dreg:$0xc]  }
0x49: {  	[tilespmem:s0], [sflag:$0x1] =	stream.indirect_vreg.gather [hbm4b:s3+s2], $0x80, v4, vm0, $0xb8;
	[tilespmem:$0x18080] =	vst v63  }
0x4a: {  	s15 =	rddreg [dreg:$0xd];
	v3 =	vperm.xlane v3, v2  }
0x4b: {  	[tilespmem:s15], [sflag:$0x1] =	stream.indirect_vreg.gather [hbm4b:s5+s2], $0x80, v4, vm0, $0xb8;
	[tilespmem:$0x18080] =	vst v63  }
0x4c: {  	v3 =	vadd.s32 v1, v3;
	s0 =	rddreg [dreg:$0xe]  }
0x4d: {  	[tilespmem:s0], [sflag:$0x1] =	stream.indirect_vreg.gather [hbm4b:s6+s2], $0x80, v4, vm0, $0xb8;
	[tilespmem:$0x18080] =	vst v63  }
0x4e: {  	s15 =	rddreg [dreg:$0xf]  }
0x4f: {  	[tilespmem:s15], [sflag:$0x1] =	stream.indirect_vreg.gather [hbm4b:s7+s2], $0x80, v4, vm0, $0xb8;
	[tilespmem:$0x18080] =	vst v63  }
0x50: {  	s0 =	rddreg [dreg:$0x10]  }
0x51: {  	[tilespmem:s0], [sflag:$0x1] =	stream.indirect_vreg.gather [hbm4b:s3+s2], $0x80, v3, vm0, $0xb8;
	[tilespmem:$0x18080] =	vst v63  }
0x52: {  	s15 =	rddreg [dreg:$0x11]  }
0x53: {  	[tilespmem:s15], [sflag:$0x1] =	stream.indirect_vreg.gather [hbm4b:s5+s2], $0x80, v3, vm0, $0xb8;
	[tilespmem:$0x18080] =	vst v63  }
0x54: {  	s0 =	rddreg [dreg:$0x12]  }
0x55: {  	[tilespmem:s0], [sflag:$0x1] =	stream.indirect_vreg.gather [hbm4b:s6+s2], $0x80, v3, vm0, $0xb8;
	[tilespmem:$0x18080] =	vst v63  }
0x56: {  	s15 =	rddreg [dreg:$0x13]  }
0x57: {  	[tilespmem:s15], [sflag:$0x1] =	stream.indirect_vreg.gather [hbm4b:s7+s2], $0x80, v3, vm0, $0xb8;
	[tilespmem:$0x18080] =	vst v63  }
0x58: {  	v3 =	vld [tilespmem:$0x20];
	_ =	sdelay $0x4  }
0x59: {  	v60 =	vshll.u32 v3, $0x3  }
0x5a: {  	v3 =	vand.u32 $0x7, v3;
	v4 =	vand.u32 $0xFFFFFFC0, v60  }
0x5b: {  	v3 =	vor.u32 v3, v4  }
0x5c: {  	v4 =	vperm.xlane v3, v0;
	_ =	sdelay $0x1  }
0x5d: {  	v4 =	vadd.s32 v1, v4;
	_ =	sdelay $0x3  }
0x5e: {  	s0 =	rddreg [dreg:$0x14]  }
0x5f: {  	[tilespmem:s0], [sflag:$0x1] =	stream.indirect_vreg.gather [hbm4b:s3+s2], $0x80, v4, vm0, $0xb8;
	[tilespmem:$0x18080] =	vst v63  }
0x60: {  	s15 =	rddreg [dreg:$0x15];
	v3 =	vperm.xlane v3, v2  }
0x61: {  	[tilespmem:s15], [sflag:$0x1] =	stream.indirect_vreg.gather [hbm4b:s5+s2], $0x80, v4, vm0, $0xb8;
	[tilespmem:$0x18080] =	vst v63  }
0x62: {  	v3 =	vadd.s32 v1, v3;
	s0 =	rddreg [dreg:$0x16]  }
0x63: {  	[tilespmem:s0], [sflag:$0x1] =	stream.indirect_vreg.gather [hbm4b:s6+s2], $0x80, v4, vm0, $0xb8;
	[tilespmem:$0x18080] =	vst v63  }
0x64: {  	s15 =	rddreg [dreg:$0x17]  }
0x65: {  	[tilespmem:s15], [sflag:$0x1] =	stream.indirect_vreg.gather [hbm4b:s7+s2], $0x80, v4, vm0, $0xb8;
	[tilespmem:$0x18080] =	vst v63  }
0x66: {  	s0 =	rddreg [dreg:$0x18]  }
0x67: {  	[tilespmem:s0], [sflag:$0x1] =	stream.indirect_vreg.gather [hbm4b:s3+s2], $0x80, v3, vm0, $0xb8;
	[tilespmem:$0x18080] =	vst v63  }
0x68: {  	s15 =	rddreg [dreg:$0x19]  }
0x69: {  	[tilespmem:s15], [sflag:$0x1] =	stream.indirect_vreg.gather [hbm4b:s5+s2], $0x80, v3, vm0, $0xb8;
	[tilespmem:$0x18080] =	vst v63  }
0x6a: {  	s0 =	rddreg [dreg:$0x1a]  }
0x6b: {  	[tilespmem:s0], [sflag:$0x1] =	stream.indirect_vreg.gather [hbm4b:s6+s2], $0x80, v3, vm0, $0xb8;
	[tilespmem:$0x18080] =	vst v63  }
0x6c: {  	s15 =	rddreg [dreg:$0x1b]  }
0x6d: {  	[tilespmem:s15], [sflag:$0x1] =	stream.indirect_vreg.gather [hbm4b:s7+s2], $0x80, v3, vm0, $0xb8;
	[tilespmem:$0x18080] =	vst v63  }
0x6e: {  	v3 =	vld [tilespmem:$0x0];
	_ =	sdelay $0x4  }
0x6f: {  	v61 =	vshll.u32 v3, $0x3  }
0x70: {  	v3 =	vand.u32 $0x7, v3;
	v4 =	vand.u32 $0xFFFFFFC0, v61  }
0x71: {  	v3 =	vor.u32 v3, v4  }
0x72: {  	v4 =	vperm.xlane v3, v0;
	_ =	sdelay $0x1  }
0x73: {  	v4 =	vadd.s32 v1, v4;
	_ =	sdelay $0x3  }
0x74: {  	s0 =	rddreg [dreg:$0x1c]  }
0x75: {  	[tilespmem:s14], [sflag:$0x1] =	stream.indirect_vreg.gather [hbm4b:s4+s2], $0x80, v4, vm0, $0xb8;
	[tilespmem:$0x18080] =	vst v63  }
0x76: {  	s15 =	rddreg [dreg:$0x1d];
	v3 =	vperm.xlane v3, v2  }
0x77: {  	[tilespmem:s0], [sflag:$0x1] =	stream.indirect_vreg.gather [hbm4b:s8+s2], $0x80, v4, vm0, $0xb8;
	[tilespmem:$0x18080] =	vst v63  }
0x78: {  	v3 =	vadd.s32 v1, v3;
	s0 =	rddreg [dreg:$0x1e]  }
0x79: {  	[tilespmem:s15], [sflag:$0x1] =	stream.indirect_vreg.gather [hbm4b:s9+s2], $0x80, v4, vm0, $0xb8;
	[tilespmem:$0x18080] =	vst v63  }
0x7a: {  	s15 =	rddreg [dreg:$0x1f]  }
0x7b: {  	[tilespmem:s0], [sflag:$0x1] =	stream.indirect_vreg.gather [hbm4b:s10+s2], $0x80, v4, vm0, $0xb8;
	[tilespmem:$0x18080] =	vst v63  }
0x7c: {  	s0 =	sld [smem:$0x7FB]  }
0x7d: {  	[tilespmem:s15], [sflag:$0x1] =	stream.indirect_vreg.gather [hbm4b:s4+s2], $0x80, v3, vm0, $0xb8;
	[tilespmem:$0x18080] =	vst v63  }
0x7e: {  	s15 =	sld [smem:$0x7FC]  }
0x7f: {  	[tilespmem:s0], [sflag:$0x1] =	stream.indirect_vreg.gather [hbm4b:s8+s2], $0x80, v3, vm0, $0xb8;
	[tilespmem:$0x18080] =	vst v63  }
0x80: {  	s0 =	sld [smem:$0x7FD]  }
0x81: {  	[tilespmem:s15], [sflag:$0x1] =	stream.indirect_vreg.gather [hbm4b:s9+s2], $0x80, v3, vm0, $0xb8;
	[tilespmem:$0x18080] =	vst v63  }
0x82: {  	_ = 	snop  }
0x83: {  	[tilespmem:s0], [sflag:$0x1] =	stream.indirect_vreg.gather [hbm4b:s10+s2], $0x80, v3, vm0, $0xb8;
	[tilespmem:$0x18080] =	vst v63  }
0x84: {  	v3 =	vld [tilespmem:$0x10];
	_ =	sdelay $0x4  }
0x85: {  	v62 =	vshll.u32 v3, $0x3  }
0x86: {  	v3 =	vand.u32 $0x7, v3;
	v4 =	vand.u32 $0xFFFFFFC0, v62  }
0x87: {  	v3 =	vor.u32 v3, v4  }
0x88: {  	v4 =	vperm.xlane v3, v0;
	_ =	sdelay $0x1  }
0x89: {  	v4 =	vadd.s32 v1, v4;
	_ =	sdelay $0x3  }
0x8a: {  	s15 =	simm.s32 $0x10080  }
0x8b: {  	[tilespmem:s15], [sflag:$0x1] =	stream.indirect_vreg.gather [hbm4b:s4+s2], $0x80, v4, vm0, $0xb8;
	[tilespmem:$0x18080] =	vst v63  }
0x8c: {  	v3 =	vperm.xlane v3, v2  }
0x8d: {  	[tilespmem:s16], [sflag:$0x1] =	stream.indirect_vreg.gather [hbm4b:s8+s2], $0x80, v4, vm0, $0xb8;
	[tilespmem:$0x18080] =	vst v63  }
0x8e: {  	v3 =	vadd.s32 v1, v3  }
0x8f: {  	[tilespmem:s17], [sflag:$0x1] =	stream.indirect_vreg.gather [hbm4b:s9+s2], $0x80, v4, vm0, $0xb8;
	[tilespmem:$0x18080] =	vst v63  }
0x90: {  	_ = 	snop  }
0x91: {  	[tilespmem:s18], [sflag:$0x1] =	stream.indirect_vreg.gather [hbm4b:s10+s2], $0x80, v4, vm0, $0xb8;
	[tilespmem:$0x18080] =	vst v63  }
0x92: {  	_ = 	snop  }
0x93: {  	[tilespmem:s19], [sflag:$0x1] =	stream.indirect_vreg.gather [hbm4b:s4+s2], $0x80, v3, vm0, $0xb8;
	[tilespmem:$0x18080] =	vst v63  }
0x94: {  	_ = 	snop  }
0x95: {  	[tilespmem:s20], [sflag:$0x1] =	stream.indirect_vreg.gather [hbm4b:s8+s2], $0x80, v3, vm0, $0xb8;
	[tilespmem:$0x18080] =	vst v63  }
0x96: {  	_ = 	snop  }
0x97: {  	[tilespmem:s21], [sflag:$0x1] =	stream.indirect_vreg.gather [hbm4b:s9+s2], $0x80, v3, vm0, $0xb8;
	[tilespmem:$0x18080] =	vst v63  }
0x98: {  	_ = 	snop  }
0x99: {  	[tilespmem:s22], [sflag:$0x1] =	stream.indirect_vreg.gather [hbm4b:s10+s2], $0x80, v3, vm0, $0xb8;
	[tilespmem:$0x18080] =	vst v63  }
0x9a: {  	v3 =	vld [tilespmem:$0x20];
	_ =	sdelay $0x4  }
0x9b: {  	v63 =	vshll.u32 v3, $0x3  }
0x9c: {  	v3 =	vand.u32 $0x7, v3;
	v4 =	vand.u32 $0xFFFFFFC0, v63  }
0x9d: {  	v3 =	vor.u32 v3, v4  }
0x9e: {  	v4 =	vperm.xlane v3, v0;
	_ =	sdelay $0x1  }
0x9f: {  	v4 =	vadd.s32 v1, v4;
	_ =	sdelay $0x4  }
0xa0: {  	[tilespmem:s23], [sflag:$0x1] =	stream.indirect_vreg.gather [hbm4b:s4+s2], $0x80, v4, vm0, $0xb8;
	[tilespmem:$0x18080] =	vst v63  }
0xa1: {  	v3 =	vperm.xlane v3, v2  }
0xa2: {  	[tilespmem:s24], [sflag:$0x1] =	stream.indirect_vreg.gather [hbm4b:s8+s2], $0x80, v4, vm0, $0xb8;
	[tilespmem:$0x18080] =	vst v63  }
0xa3: {  	v3 =	vadd.s32 v1, v3  }
0xa4: {  	[tilespmem:s25], [sflag:$0x1] =	stream.indirect_vreg.gather [hbm4b:s9+s2], $0x80, v4, vm0, $0xb8;
	[tilespmem:$0x18080] =	vst v63  }
0xa5: {  	_ = 	snop  }
0xa6: {  	[tilespmem:s26], [sflag:$0x1] =	stream.indirect_vreg.gather [hbm4b:s10+s2], $0x80, v4, vm0, $0xb8;
	[tilespmem:$0x18080] =	vst v63  }
0xa7: {  	_ = 	snop  }
0xa8: {  	[tilespmem:s28], [sflag:$0x1] =	stream.indirect_vreg.gather [hbm4b:s4+s2], $0x80, v3, vm0, $0xb8;
	[tilespmem:$0x18080] =	vst v63  }
0xa9: {  	_ = 	snop  }
0xaa: {  	[tilespmem:s29], [sflag:$0x1] =	stream.indirect_vreg.gather [hbm4b:s8+s2], $0x80, v3, vm0, $0xb8;
	[tilespmem:$0x18080] =	vst v63  }
0xab: {  	_ = 	snop  }
0xac: {  	[tilespmem:s30], [sflag:$0x1] =	stream.indirect_vreg.gather [hbm4b:s9+s2], $0x80, v3, vm0, $0xb8;
	[tilespmem:$0x18080] =	vst v63  }
0xad: {  	_ = 	snop  }
0xae: {  	[tilespmem:s31], [sflag:$0x1] =	stream.indirect_vreg.gather [hbm4b:s10+s2], $0x80, v3, vm0, $0xb8;
	[tilespmem:$0x18080] =	vst v63  }
0xaf: {  	_ =	swait.ge [sflag:s1], $0xC000  }
0xb0: {  	[sflag:s1] =	ssyncset.done $0x0  }
0xb1: {  	[sflag:s1] =	ssyncadd.s32 $0xFFFF4000  }
0xb2: {  	_ =	swait.ge [sflag:s1], $0xC000  }
0xb3: {  	[sflag:s1] =	ssyncset.done $0x0  }
0xb4: {  	s15 =	rddreg [dreg:$0x3];
	[sflag:s1] =	ssyncadd.s32 $0xFFFF4000  }
0xb5: {  	[hbm4b:s15+s2] =	stream.linear.scatter [tilespmem:s13], [sflag:$0x2], $0xC000, $0x38;
	[tilespmem:$0x18080] =	vst v63  }
0xb6: {  	_ =	swait.ge [sflag:s12], $0xC000  }
0xb7: {  	p0 =	sne.s32 s11, $0x1;
	[sflag:s12] =	ssyncset.done $0x0  }
.Ltmp0:
0xb8: {  	s15 =	rddreg [dreg:$0x4];
	[sflag:s12] =	ssyncadd.s32 $0xFFFF4000;
	(pc) =	sbr.rel @p0 .LBB2_1-.Ltmp0, $4  }
0xb9: {  	[hbm4b:s15+s2] =	stream.linear.scatter [tilespmem:s14], [sflag:$0x2], $0xC000, $0x38;
	[tilespmem:$0x18080] =	vst v63  }
0xba: {  	_ =	swait.ge [sflag:s12], $0xC000  }
0xbb: {  	[sflag:s12] =	ssyncset.done $0x0  }
0xbc: {  	s11 =	sadd.s32 $0xFFFFFFFF, s11;
	[sflag:s12] =	ssyncadd.s32 $0xFFFF4000  }
0xbd: {  	_ =	sfence.sel $0x180000  }
0xbe: {  	[bflag:$0x0] =	sbarrier.arrive $0xFFFF  }
0xbf: {  	_ =	strace $0x90000047  }
0xc0: {  	s0 =	stileid.u32;
	[bflag:$0x2] =	sbarrier.arrive $0xFFFF  }
0xc1: {  	p0 =	sne.s32 s0, $0x0;
	s0 =	rddreg [dreg:$0x1]  }
0xc2: {  	s0 =	sadd.s32 @!p0 $0x100000, s0  }
0xc3: {  	[sflag:s0] =	ssyncadd.tile.s32 @!p0 $0x1;
	_ =	shalt  }
.Lfunc_end2:
_tile_overlayer_lowered:
.L_overlay_start_2:
0xc4: {  	(tag) =	ssettag $0x2  }
0xc5: {  	s0 =	rddreg [dreg:$0x0];
	s2 =	stileid.u32  }
0xc6: {  	s1 =	rddreg [dreg:$0x1];
	p0 =	sne.s32 s2, $0x0  }
0xc7: {  	s3 =	rddreg [dreg:$0x2];
	[bflag:$0x3] =	sbarrier.arrive $0xFFFF;
	s2 =	simm.s32 @!p0 $0x1C02  }
0xc8: {  	[timem:s3], [sflag:s2] =	dma.local @!p0 [hbm:s0], s1  }
0xc9: {  	s0 =	simm.s32 @!p0 $0x2  }
0xca: {  	_ =	swait.ge @!p0 [sflag:s0], s1  }
0xcb: {  	s1 =	ssub.s32 @!p0 $0x0, s1;
	[sflag:s0] =	ssyncset.done @!p0 $0x0  }
0xcc: {  	[sflag:s0] =	ssyncadd.s32 @!p0 s1  }
0xcd: {  	[bflag:$0x3] =	sbarrier.arrive $0xFFFF  }
0xce: {  	_ =	shalt  }

</sc_bundles>
